<compile_context>
chip_gen: v7x
topology: tpu7x:2x2x1
jax: 0.10.2.dev20260603
libtpu: 0.0.44.dev20260713+nightly
codegen_flags: <defaults>
</compile_context>

<pallas_src>
import functools

import jax
import jax.numpy as jnp
from jax import lax
from jax.experimental import pallas as pl
from jax.experimental.pallas import tpu as pltpu
from jax.experimental.pallas import tpu_sc as plsc

_K = 20
_R = 512
_RC = 128


def _lrelu(v):
    return jnp.where(v >= 0, v, 0.2 * v)


def _bf(v):
    return v.astype(jnp.bfloat16)


def _dotT(a, b):
    return lax.dot_general(a, b, (((1,), (1,)), ((), ())),
                           preferred_element_type=jnp.float32)



def _topk_body(ft_ref, fcn_ref, idx_ref, vals_ref):
    R = ft_ref.shape[1]
    N = fcn_ref.shape[2]
    xr = ft_ref[0]
    xa = fcn_ref[0]
    dot = lax.dot_general(_bf(xr), _bf(xa), (((1,), (0,)), ((), ())),
                          preferred_element_type=jnp.float32)
    xxr = jnp.sum(xr * xr, axis=1, keepdims=True)
    xxa = jnp.sum(xa * xa, axis=0, keepdims=True)
    vals_ref[...] = 2.0 * dot - xxr - xxa
    iota = lax.broadcasted_iota(jnp.int32, (R, N), 1)
    iota_k = lax.broadcasted_iota(jnp.int32, (R, _K), 1)

    def step(t, idxs):
        v = vals_ref[...]
        m = jnp.max(v, axis=1, keepdims=True)
        am = jnp.min(jnp.where(v == m, iota, N), axis=1, keepdims=True)
        vals_ref[...] = jnp.where(iota == am, -jnp.inf, v)
        return jnp.where(iota_k == t, am, idxs)

    idx_ref[0] = lax.fori_loop(0, _K, step, jnp.zeros((R, _K), jnp.int32))


def _knn_topk(ft, fcn):
    B, N, C = ft.shape
    return pl.pallas_call(
        _topk_body,
        grid=(B, N // _R),
        in_specs=[
            pl.BlockSpec((1, _R, C), lambda b, i: (b, i, 0)),
            pl.BlockSpec((1, C, N), lambda b, i: (b, 0, 0)),
        ],
        out_specs=pl.BlockSpec((1, _R, _K), lambda b, i: (b, i, 0)),
        out_shape=jax.ShapeDtypeStruct((B, N, _K), jnp.int32),
        scratch_shapes=[pltpu.VMEM((_R, N), jnp.float32)],
    )(ft, fcn)



def _patch_mlp_body(nb_ref, xt8_ref, t_ref, w160_ref, wp1_ref, o_ref):
    ctr160 = lax.dot_general(xt8_ref[0], t_ref[...], (((1,), (0,)), ((), ())),
                             precision=lax.Precision.HIGHEST,
                             preferred_element_type=jnp.float32)
    d160 = _bf(nb_ref[0] - ctr160)
    h = _lrelu(_dotT(d160, w160_ref[...]))
    o_ref[0] = _lrelu(_dotT(_bf(h), wp1_ref[...]))


def _patch_mlp(nb160, xt8, w160b, wp1b):
    B, N, _ = nb160.shape
    t = jnp.tile(jnp.eye(8, dtype=jnp.float32), (1, _K))
    return pl.pallas_call(
        _patch_mlp_body,
        grid=(B, N // _R),
        in_specs=[
            pl.BlockSpec((1, _R, 8 * _K), lambda b, i: (b, i, 0)),
            pl.BlockSpec((1, _R, 8), lambda b, i: (b, i, 0)),
            pl.BlockSpec(t.shape, lambda b, i: (0, 0)),
            pl.BlockSpec(w160b.shape, lambda b, i: (0, 0)),
            pl.BlockSpec(wp1b.shape, lambda b, i: (0, 0)),
        ],
        out_specs=pl.BlockSpec((1, _R, 64), lambda b, i: (b, i, 0)),
        out_shape=jax.ShapeDtypeStruct((B, N, 64), jnp.float32),
    )(nb160, xt8, t, w160b, wp1b)



def _econv_body(nb_ref, ft_ref, wn_ref, wc_ref, o_ref):
    RK, C = nb_ref.shape[1], nb_ref.shape[2]
    R = RK // _K
    O = wn_ref.shape[0]
    ctr = ft_ref[0]
    nb3 = nb_ref[0].reshape(R, _K, C)
    d = _bf(nb3 - ctr[:, None, :]).reshape(RK, C)
    dd = _dotT(d, wn_ref[...]).reshape(R, _K, O)
    cc = _dotT(_bf(ctr), wc_ref[...])
    o_ref[0] = _lrelu(jnp.max(dd, axis=1) + cc)


def _econv(nbf, ft, wnb, wcb):
    B, N, C = ft.shape
    O = wnb.shape[0]
    return pl.pallas_call(
        _econv_body,
        grid=(B, N // _RC),
        in_specs=[
            pl.BlockSpec((1, _RC * _K, C), lambda b, i: (b, i, 0)),
            pl.BlockSpec((1, _RC, C), lambda b, i: (b, i, 0)),
            pl.BlockSpec(wnb.shape, lambda b, i: (0, 0)),
            pl.BlockSpec(wcb.shape, lambda b, i: (0, 0)),
        ],
        out_specs=pl.BlockSpec((1, _RC, O), lambda b, i: (b, i, 0)),
        out_shape=jax.ShapeDtypeStruct((B, N, O), jnp.float32),
    )(nbf, ft, wnb, wcb)



def _pool_body(f1_ref, f2_ref, f3_ref, f4_ref, w1_ref, w2_ref, w3_ref,
               w4_ref, o_ref):
    i = pl.program_id(1)
    acc = _dotT(_bf(f1_ref[0]), w1_ref[...])
    acc += _dotT(_bf(f2_ref[0]), w2_ref[...])
    acc += _dotT(_bf(f3_ref[0]), w3_ref[...])
    acc += _dotT(_bf(f4_ref[0]), w4_ref[...])
    x5 = _lrelu(acc)
    bmax = jnp.max(x5, axis=0, keepdims=True)
    bsum = jnp.sum(x5, axis=0, keepdims=True)

    @pl.when(i == 0)
    def _():
        o_ref[0, 0:1, :] = bmax
        o_ref[0, 1:2, :] = bsum

    @pl.when(i != 0)
    def _():
        o_ref[0, 0:1, :] = jnp.maximum(o_ref[0, 0:1, :], bmax)
        o_ref[0, 1:2, :] = o_ref[0, 1:2, :] + bsum


def _final_pool(f1, f2, f3, f4, w51, w52, w53, w54):
    B, N, _ = f1.shape
    E = w51.shape[0]
    return pl.pallas_call(
        _pool_body,
        grid=(B, N // _R),
        in_specs=[
            pl.BlockSpec((1, _R, f1.shape[2]), lambda b, i: (b, i, 0)),
            pl.BlockSpec((1, _R, f2.shape[2]), lambda b, i: (b, i, 0)),
            pl.BlockSpec((1, _R, f3.shape[2]), lambda b, i: (b, i, 0)),
            pl.BlockSpec((1, _R, f4.shape[2]), lambda b, i: (b, i, 0)),
            pl.BlockSpec(w51.shape, lambda b, i: (0, 0)),
            pl.BlockSpec(w52.shape, lambda b, i: (0, 0)),
            pl.BlockSpec(w53.shape, lambda b, i: (0, 0)),
            pl.BlockSpec(w54.shape, lambda b, i: (0, 0)),
        ],
        out_specs=pl.BlockSpec((1, 2, E), lambda b, i: (b, 0, 0)),
        out_shape=jax.ShapeDtypeStruct((B, 2, E), jnp.float32),
    )(f1, f2, f3, f4, w51, w52, w53, w54)



def _mlp_tail_body(g_ref, w1_ref, w2_ref, b2_ref, w3_ref, b3_ref, o_ref):
    h1 = _lrelu(_dotT(_bf(g_ref[...]), w1_ref[...]))
    h2 = _lrelu(_dotT(_bf(h1), w2_ref[...]) + b2_ref[...])
    o_ref[...] = _dotT(_bf(h2), w3_ref[...]) + b3_ref[...]


def _mlp_tail(g, w1b, w2b, b2, w3b, b3):
    B = g.shape[0]
    return pl.pallas_call(
        _mlp_tail_body,
        out_shape=jax.ShapeDtypeStruct((B, w3b.shape[0]), jnp.float32),
    )(g, w1b, w2b, b2.reshape(1, -1), w3b, b3.reshape(1, -1))



_NW = 32


def _sc_gather_call(table, idx, N):
    BN, C = table.shape
    M = idx.shape[0]
    P = BN // _NW
    CIDX = 128
    CH = P * _K // CIDX

    mesh = plsc.VectorSubcoreMesh(core_axis_name="c", subcore_axis_name="s")

    @functools.partial(
        pl.kernel,
        out_type=jax.ShapeDtypeStruct((M, C), jnp.float32),
        mesh=mesh,
        compiler_params=pltpu.CompilerParams(use_tc_tiling_on_sc=False),
        scratch_types=[
            pltpu.VMEM((P * _K,), jnp.int32),
            pltpu.VMEM((2, CIDX, C), jnp.float32),
            pltpu.SemaphoreType.DMA,
            pltpu.SemaphoreType.DMA,
        ],
    )
    def gather_k(table_hbm, idx_hbm, out_hbm, ibuf, rows, gsem, dsem):
        cid = lax.axis_index("c")
        sid = lax.axis_index("s")
        wid = sid * 2 + cid
        pbase = wid * P
        pltpu.sync_copy(idx_hbm.at[pl.ds(pbase * _K, P * _K)], ibuf)
        bvec = jnp.zeros((16,), jnp.int32) + (pbase // N) * N

        def addloop(g, _):
            ibuf[pl.ds(g * 16, 16)] = ibuf[pl.ds(g * 16, 16)] + bvec
            return 0

        lax.fori_loop(0, P * _K // 16, addloop, 0)

        rbase = pbase * _K

        def gd(j, slot):
            return pltpu.make_async_copy(
                table_hbm.at[ibuf.at[pl.ds(j * CIDX, CIDX)]],
                rows.at[slot], gsem)

        def dd(j, slot):
            return pltpu.make_async_copy(
                rows.at[slot], out_hbm.at[pl.ds(rbase + j * CIDX, CIDX)],
                dsem)

        gd(0, 0).start()

        def pair(h, _):
            j0 = 2 * h
            j1 = j0 + 1
            gd(j1, 1).start()
            gd(j0, 0).wait()
            dd(j0, 0).start()
            dd(j0, 0).wait()

            @pl.when(j0 + 2 < CH)
            def _():
                gd(j0 + 2, 0).start()

            gd(j1, 1).wait()
            dd(j1, 1).start()
            dd(j1, 1).wait()
            return 0

        lax.fori_loop(0, CH // 2, pair, 0)

    return gather_k(table, idx)


def _gather_rows_flat(xt, idx):
    B, N, C = xt.shape
    k = idx.shape[-1]
    out = _sc_gather_call(xt.reshape(B * N, C), idx.reshape(B * N * k), N)
    return out.reshape(B, N * k, C)



def kernel(x, W_p0, W_p1, W_c2, W_c3, W_c4, W_c5, W_l1, W_l2, b_l2, W_l3, b_l3):
    B, _, N = x.shape

    xt = jnp.swapaxes(x, 1, 2)
    xt8 = jnp.pad(xt, ((0, 0), (0, 0), (0, 5)))
    x8 = jnp.swapaxes(xt8, 1, 2)

    idx0 = _knn_topk(xt8, x8)
    nb160 = _gather_rows_flat(xt8, idx0).reshape(B, N, 8 * _K)

    W3 = W_p0.reshape(64, _K, 3)
    W160b = _bf(jnp.pad(W3, ((0, 0), (0, 0), (0, 5))).reshape(64, 8 * _K))
    x1t = _patch_mlp(nb160, xt8, W160b, _bf(W_p1))

    def edge_conv(ft, W, C):
        idx = _knn_topk(ft, jnp.swapaxes(ft, 1, 2))
        nbf = _gather_rows_flat(ft, idx)
        return _econv(nbf, ft, _bf(W[:, :C]), _bf(W[:, C:]))

    x2t = edge_conv(x1t, W_c2, 64)
    x3t = edge_conv(x2t, W_c3, 64)
    x4t = edge_conv(x3t, W_c4, 128)

    pooled = _final_pool(x1t, x2t, x3t, x4t,
                         _bf(W_c5[:, 0:64]), _bf(W_c5[:, 64:128]),
                         _bf(W_c5[:, 128:256]), _bf(W_c5[:, 256:512]))
    g = jnp.concatenate([pooled[:, 0, :], pooled[:, 1, :] / N], axis=-1)
    return _mlp_tail(g, _bf(W_l1), _bf(W_l2), b_l2, _bf(W_l3), b_l3)

# --- scband reference (transcript-rebuilt; emitter-appended) ---
"""Pipeline reference for scband-hybrid-dgcnn-49993419325745 (READ-ONLY COPY).

The authoritative reference and input builder live on the scoring server;
editing this copy changes nothing except your own understanding.
"""

import jax, jax.numpy as jnp
import numpy as np

K = 20

def _knn(x, k):
    # x: [B, C, N]
    xt = jnp.swapaxes(x, 1, 2)
    inner = -2.0 * jnp.matmul(xt, x)
    xx = jnp.sum(x ** 2, axis=1, keepdims=True)
    pd = -xx - inner - jnp.swapaxes(xx, 1, 2)
    _, idx = jax.lax.top_k(pd, k)
    return idx  # [B, N, k]

def _gather(xt, idx):
    # xt: [B, N, C], idx: [B, N, k]
    B, N, C = xt.shape
    k = idx.shape[-1]
    f = jnp.take_along_axis(xt, idx.reshape(B, N * k)[..., None], axis=1)
    return f.reshape(B, N, k, C)

def _graph_feature(feat, idx):
    # feat: [B, C, N] -> [B, 2C, N, k]
    xt = jnp.swapaxes(feat, 1, 2)
    nb = _gather(xt, idx)
    ctr = xt[:, :, None, :]
    g = jnp.concatenate([nb - ctr, jnp.broadcast_to(ctr, nb.shape)], axis=-1)
    return jnp.transpose(g, (0, 3, 1, 2))

def _lrelu(v):
    return jax.nn.leaky_relu(v, 0.2)

def setup_inputs(seed: int = 0):
    key = jax.random.key(seed)
    ks = jax.random.split(key, 12)
    B, N, k, emb = 8, 2048, K, 1024
    def w(kk, o, i):
        return jax.random.normal(kk, (o, i), dtype=jnp.float32) * (1.0 / np.sqrt(i))
    return {
        'x': jax.random.normal(ks[0], (B, 3, N), dtype=jnp.float32),
        'W_p0': w(ks[1], 64, k * 3),
        'W_p1': w(ks[2], 64, 64),
        'W_c2': w(ks[3], 64, 128),
        'W_c3': w(ks[4], 128, 128),
        'W_c4': w(ks[5], 256, 256),
        'W_c5': w(ks[6], emb, 512),
        'W_l1': w(ks[7], 512, 2 * emb),
        'W_l2': w(ks[8], 256, 512),
        'b_l2': jnp.zeros((256,), jnp.float32),
        'W_l3': w(ks[9], 40, 256),
        'b_l3': jnp.zeros((40,), jnp.float32),
    }

def reference(x, W_p0, W_p1, W_c2, W_c3, W_c4, W_c5, W_l1, W_l2, b_l2, W_l3, b_l3):
    B, _, N = x.shape
    k = K
    # patch stage: knn on coordinates, relative neighbor coords -> k*3 channels per point
    idx0 = _knn(x, k)
    xt = jnp.swapaxes(x, 1, 2)  # [B, N, 3]
    nb = _gather(xt, idx0)      # [B, N, k, 3]
    patch = (nb - xt[:, :, None, :]).reshape(B, N, k * 3)
    patch = jnp.swapaxes(patch, 1, 2)  # [B, 3k, N]
    h = _lrelu(jnp.einsum('oc,bcn->bon', W_p0, patch))
    x1 = _lrelu(jnp.einsum('oc,bcn->bon', W_p1, h))  # [B, 64, N]

    def edge_conv(feat, W):
        g = _graph_feature(feat, _knn(feat, k))
        out = _lrelu(jnp.einsum('oc,bcnk->bonk', W, g))
        return jnp.max(out, axis=-1)

    x2 = edge_conv(x1, W_c2)   # [B, 64, N]
    x3 = edge_conv(x2, W_c3)   # [B, 128, N]
    x4 = edge_conv(x3, W_c4)   # [B, 256, N]
    xcat = jnp.concatenate([x1, x2, x3, x4], axis=1)  # [B, 512, N]
    x5 = _lrelu(jnp.einsum('oc,bcn->bon', W_c5, xcat))  # [B, emb, N]
    gmax = jnp.max(x5, axis=-1)
    gavg = jnp.mean(x5, axis=-1)
    g = jnp.concatenate([gmax, gavg], axis=-1)  # [B, 2*emb]
    h1 = _lrelu(g @ W_l1.T)
    h2 = _lrelu(h1 @ W_l2.T + b_l2)
    return h2 @ W_l3.T + b_l3

if __name__ == "__main__":
    import jax
    _d = setup_inputs()
    print(jax.jit(kernel)(*tuple(_d.values())))

</pallas_src>

<mosaic_0001>
#map = affine_map<(d0, d1) -> (0, 0)>
#map1 = affine_map<(d0, d1) -> (0)>
module attributes {stable_mosaic.version = 14 : i64} {
  func.func @gather_k(%arg0: i32, %arg1: i32, %arg2: memref<16384x64xf32, #tpu.memory_space<hbm>>, %arg3: memref<327680xi32, #tpu.memory_space<hbm>>, %arg4: memref<327680x64xf32, #tpu.memory_space<hbm>>, %arg5: memref<10240xi32, #tpu.memory_space<vmem>>, %arg6: memref<2x128x64xf32, #tpu.memory_space<vmem>>, %arg7: memref<!tpu.dma_semaphore, #tpu.memory_space<semaphore_mem>>, %arg8: memref<!tpu.dma_semaphore, #tpu.memory_space<semaphore_mem>>) attributes {dimension_semantics = [#tpu.dimension_semantics<core_parallel>, #tpu.dimension_semantics<subcore_parallel>], iteration_bounds = array<i64: 2, 16>, scalar_prefetch = 0 : i64, scratch_operands = 4 : i64, tpu.core_type = #tpu.core_type<sc_vector_subcore>, window_params = [{transform_indices = #map}, {transform_indices = #map1}, {transform_indices = #map}]} {
    %mul3A = arith.constant 2 : i32
    %mul3A_0 = arith.muli %arg1, %mul3A : i32
    %add3A = arith.addi %mul3A_0, %arg0 : i32
    %mul3A_1 = arith.constant 512 : i32
    %mul3A_2 = arith.muli %add3A, %mul3A_1 : i32
    %mul3A_3 = arith.constant 20 : i32
    %mul3A_4 = arith.muli %mul3A_2, %mul3A_3 : i32
    "tpu.region"() ({
      %run_scoped3A = tpu.sem_alloc : memref<!tpu.dma_semaphore, #tpu.memory_space<semaphore_mem>>
      %dma_start3A_50 = tpu.memref_slice %arg3[%mul3A_4] : memref<327680xi32, #tpu.memory_space<hbm>> -> memref<10240xi32, #tpu.memory_space<hbm>>
      %dma_start3A_51 = tpu.memref_slice %arg3[%mul3A_4] : memref<327680xi32, #tpu.memory_space<hbm>> -> memref<10240xi32, #tpu.memory_space<hbm>>
      tpu.enqueue_dma source(%dma_start3A_51 : memref<10240xi32, #tpu.memory_space<hbm>>) target(%arg5 : memref<10240xi32, #tpu.memory_space<vmem>>) target_semaphore(%run_scoped3A : memref<!tpu.dma_semaphore, #tpu.memory_space<semaphore_mem>>)
      %dma_wait3A = tpu.memref_slice %arg3[%mul3A_4] : memref<327680xi32, #tpu.memory_space<hbm>> -> memref<10240xi32, #tpu.memory_space<hbm>>
      %dma_wait3A_52 = tpu.memref_slice %arg3[%mul3A_4] : memref<327680xi32, #tpu.memory_space<hbm>> -> memref<10240xi32, #tpu.memory_space<hbm>>
      tpu.wait_dma2 semaphore(%run_scoped3A : memref<!tpu.dma_semaphore, #tpu.memory_space<semaphore_mem>>) src(%dma_wait3A_52 : memref<10240xi32, #tpu.memory_space<hbm>>) dst(%arg5 : memref<10240xi32, #tpu.memory_space<vmem>>)
      tpu.yield
    }) : () -> ()
    %broadcast_in_dim3A = arith.constant 0 : i32
    %broadcast_in_dim3A_5 = vector.broadcast %broadcast_in_dim3A : i32 to vector<16xi32>
    %jit3A = arith.constant 2048 : i32
    %div3A = arith.divsi %mul3A_2, %jit3A : i32
    %sign3A = arith.constant 0 : i32
    %sign3A_6 = arith.cmpi sgt, %mul3A_2, %sign3A : i32
    %sign3A_7 = arith.extui %sign3A_6 : i1 to i32
    %sign3A_8 = arith.constant 0 : i32
    %sign3A_9 = arith.cmpi slt, %mul3A_2, %sign3A_8 : i32
    %sign3A_10 = arith.extui %sign3A_9 : i1 to i32
    %sign3A_11 = arith.subi %sign3A_7, %sign3A_10 : i32
    %sign3A_12 = arith.constant 0 : i32
    %sign3A_13 = arith.cmpi sgt, %jit3A, %sign3A_12 : i32
    %sign3A_14 = arith.extui %sign3A_13 : i1 to i32
    %sign3A_15 = arith.constant 0 : i32
    %sign3A_16 = arith.cmpi slt, %jit3A, %sign3A_15 : i32
    %sign3A_17 = arith.extui %sign3A_16 : i1 to i32
    %sign3A_18 = arith.subi %sign3A_14, %sign3A_17 : i32
    %ne3A = arith.cmpi ne, %sign3A_11, %sign3A_18 : i32
    %rem3A = arith.remsi %mul3A_2, %jit3A : i32
    %ne3A_19 = arith.constant 0 : i32
    %ne3A_20 = arith.cmpi ne, %rem3A, %ne3A_19 : i32
    %and3A = arith.andi %ne3A, %ne3A_20 : i1
    %sub3A = arith.constant 1 : i32
    %sub3A_21 = arith.subi %div3A, %sub3A : i32
    %select_n3A = arith.select %and3A, %sub3A_21, %div3A : i32
    %mul3A_22 = arith.constant 2048 : i32
    %mul3A_23 = arith.muli %select_n3A, %mul3A_22 : i32
    %add3A_24 = vector.broadcast %mul3A_23 : i32 to vector<16xi32>
    %add3A_25 = arith.addi %broadcast_in_dim3A_5, %add3A_24 : vector<16xi32>
    %scan3A = arith.constant 0 : i32
    %scan3A_26 = arith.constant 0 : i32
    %scan3A_27 = arith.constant 640 : i32
    %scan3A_28 = arith.addi %scan3A_26, %scan3A_27 : i32
    %scan3A_29 = arith.constant 1 : i32
    %scan3A_30 = scf.for %scan3A_50 = %scan3A_26 to %scan3A_28 step %scan3A_29 iter_args(%scan3A_51 = %scan3A) -> (i32)  : i32 {
      %mul3A_52 = arith.constant 16 : i32
      %mul3A_53 = arith.muli %scan3A_50, %mul3A_52 : i32
      %get3A = arith.index_cast %mul3A_53 : i32 to index
      %get3A_54 = tpu.vector_load %arg5[%get3A] {strides = array<i32>} : memref<10240xi32, #tpu.memory_space<vmem>>, vector<16xi32>,
      %get3A_55 = vector.shape_cast %get3A_54 : vector<16xi32> to vector<16xi32>
      %add3A_56 = arith.addi %get3A_55, %add3A_25 : vector<16xi32>
      %mul3A_57 = arith.constant 16 : i32
      %mul3A_58 = arith.muli %scan3A_50, %mul3A_57 : i32
      %swap3A = arith.index_cast %mul3A_58 : i32 to index
      %swap3A_59 = tpu.vector_load %arg5[%swap3A] {strides = array<i32>} : memref<10240xi32, #tpu.memory_space<vmem>>, vector<16xi32>,
      %swap3A_60 = vector.shape_cast %swap3A_59 : vector<16xi32> to vector<16xi32>
      %swap3A_61 = vector.shape_cast %add3A_56 : vector<16xi32> to vector<16xi32>
      tpu.vector_store %arg5[%swap3A], %swap3A_61 {strides = array<i32>} : memref<10240xi32, #tpu.memory_space<vmem>>, vector<16xi32>,
      %scan3A_62 = arith.constant 0 : i32
      scf.yield %scan3A_62 : i32
    }
    %scan3A_31 = arith.constant 640 : i32
    %mul3A_32 = arith.constant 20 : i32
    %mul3A_33 = arith.muli %mul3A_2, %mul3A_32 : i32
    %dma_start3A = arith.constant 0 : i32
    %dma_start3A_34 = arith.constant 0 : i32
    %dma_start3A_35 = arith.constant 0 : i32
    %dma_start3A_36 = tpu.memref_slice %arg6[%dma_start3A, %dma_start3A_34, %dma_start3A_35] : memref<2x128x64xf32, #tpu.memory_space<vmem>> -> memref<1x128x64xf32, #tpu.memory_space<vmem>>
    %dma_start3A_37 = tpu.memref_squeeze %dma_start3A_36 : memref<1x128x64xf32, #tpu.memory_space<vmem>> -> memref<128x64xf32, #tpu.memory_space<vmem>>
    %dma_start3A_38 = arith.constant 0 : i32
    %dma_start3A_39 = tpu.memref_slice %arg5[%dma_start3A_38] : memref<10240xi32, #tpu.memory_space<vmem>> -> memref<128xi32, #tpu.memory_space<vmem>>
    %dma_start3A_40 = arith.constant 0 : i32
    %dma_start3A_41 = arith.constant 0 : i32
    %dma_start3A_42 = tpu.memref_slice %arg2[%dma_start3A_40, %dma_start3A_41] : memref<16384x64xf32, #tpu.memory_space<hbm>> -> memref<16384x64xf32, #tpu.memory_space<hbm>>
    tpu.enqueue_indirect_dma source(%dma_start3A_42 : memref<16384x64xf32, #tpu.memory_space<hbm>>) target(%dma_start3A_37 : memref<128x64xf32, #tpu.memory_space<vmem>>) offsets(%dma_start3A_39 : memref<128xi32, #tpu.memory_space<vmem>>) semaphore(%arg7 : memref<!tpu.dma_semaphore, #tpu.memory_space<semaphore_mem>>)
    %scan3A_43 = arith.constant 0 : i32
    %scan3A_44 = arith.constant 0 : i32
    %scan3A_45 = arith.constant 40 : i32
    %scan3A_46 = arith.addi %scan3A_44, %scan3A_45 : i32
    %scan3A_47 = arith.constant 1 : i32
    %scan3A_48 = scf.for %scan3A_50 = %scan3A_44 to %scan3A_46 step %scan3A_47 iter_args(%scan3A_51 = %scan3A_43) -> (i32)  : i32 {
      %mul3A_52 = arith.constant 2 : i32
      %mul3A_53 = arith.muli %mul3A_52, %scan3A_50 : i32
      %add3A_54 = arith.constant 1 : i32
      %add3A_55 = arith.addi %mul3A_53, %add3A_54 : i32
      %mul3A_56 = arith.constant 128 : i32
      %mul3A_57 = arith.muli %add3A_55, %mul3A_56 : i32
      %dma_start3A_58 = arith.constant 1 : i32
      %dma_start3A_59 = arith.constant 0 : i32
      %dma_start3A_60 = arith.constant 0 : i32
      %dma_start3A_61 = tpu.memref_slice %arg6[%dma_start3A_58, %dma_start3A_59, %dma_start3A_60] : memref<2x128x64xf32, #tpu.memory_space<vmem>> -> memref<1x128x64xf32, #tpu.memory_space<vmem>>
      %dma_start3A_62 = tpu.memref_squeeze %dma_start3A_61 : memref<1x128x64xf32, #tpu.memory_space<vmem>> -> memref<128x64xf32, #tpu.memory_space<vmem>>
      %dma_start3A_63 = tpu.memref_slice %arg5[%mul3A_57] : memref<10240xi32, #tpu.memory_space<vmem>> -> memref<128xi32, #tpu.memory_space<vmem>>
      %dma_start3A_64 = arith.constant 0 : i32
      %dma_start3A_65 = arith.constant 0 : i32
      %dma_start3A_66 = tpu.memref_slice %arg2[%dma_start3A_64, %dma_start3A_65] : memref<16384x64xf32, #tpu.memory_space<hbm>> -> memref<16384x64xf32, #tpu.memory_space<hbm>>
      tpu.enqueue_indirect_dma source(%dma_start3A_66 : memref<16384x64xf32, #tpu.memory_space<hbm>>) target(%dma_start3A_62 : memref<128x64xf32, #tpu.memory_space<vmem>>) offsets(%dma_start3A_63 : memref<128xi32, #tpu.memory_space<vmem>>) semaphore(%arg7 : memref<!tpu.dma_semaphore, #tpu.memory_space<semaphore_mem>>)
      %mul3A_67 = arith.constant 128 : i32
      %mul3A_68 = arith.muli %mul3A_53, %mul3A_67 : i32
      %dma_wait3A = arith.constant 0 : i32
      %dma_wait3A_69 = arith.constant 0 : i32
      %dma_wait3A_70 = arith.constant 0 : i32
      %dma_wait3A_71 = tpu.memref_slice %arg6[%dma_wait3A, %dma_wait3A_69, %dma_wait3A_70] : memref<2x128x64xf32, #tpu.memory_space<vmem>> -> memref<1x128x64xf32, #tpu.memory_space<vmem>>
      %dma_wait3A_72 = tpu.memref_squeeze %dma_wait3A_71 : memref<1x128x64xf32, #tpu.memory_space<vmem>> -> memref<128x64xf32, #tpu.memory_space<vmem>>
      %dma_wait3A_73 = tpu.memref_slice %arg5[%mul3A_68] : memref<10240xi32, #tpu.memory_space<vmem>> -> memref<128xi32, #tpu.memory_space<vmem>>
      %dma_wait3A_74 = arith.constant 0 : i32
      %dma_wait3A_75 = arith.constant 0 : i32
      %dma_wait3A_76 = tpu.memref_slice %arg2[%dma_wait3A_74, %dma_wait3A_75] : memref<16384x64xf32, #tpu.memory_space<hbm>> -> memref<16384x64xf32, #tpu.memory_space<hbm>>
      tpu.wait_indirect_dma semaphore(%arg7 : memref<!tpu.dma_semaphore, #tpu.memory_space<semaphore_mem>>) src(%dma_wait3A_76 : memref<16384x64xf32, #tpu.memory_space<hbm>>) dst(%dma_wait3A_72 : memref<128x64xf32, #tpu.memory_space<vmem>>)
      %mul3A_77 = arith.constant 128 : i32
      %mul3A_78 = arith.muli %mul3A_53, %mul3A_77 : i32
      %add3A_79 = arith.addi %mul3A_33, %mul3A_78 : i32
      %dma_start3A_80 = arith.constant 0 : i32
      %dma_start3A_81 = arith.constant 0 : i32
      %dma_start3A_82 = arith.constant 0 : i32
      %dma_start3A_83 = tpu.memref_slice %arg6[%dma_start3A_80, %dma_start3A_81, %dma_start3A_82] : memref<2x128x64xf32, #tpu.memory_space<vmem>> -> memref<1x128x64xf32, #tpu.memory_space<vmem>>
      %dma_start3A_84 = tpu.memref_squeeze %dma_start3A_83 : memref<1x128x64xf32, #tpu.memory_space<vmem>> -> memref<128x64xf32, #tpu.memory_space<vmem>>
      %dma_start3A_85 = arith.constant 0 : i32
      %dma_start3A_86 = tpu.memref_slice %arg4[%add3A_79, %dma_start3A_85] : memref<327680x64xf32, #tpu.memory_space<hbm>> -> memref<128x64xf32, #tpu.memory_space<hbm>>
      %dma_start3A_87 = arith.constant 0 : i32
      %dma_start3A_88 = tpu.memref_slice %arg4[%add3A_79, %dma_start3A_87] : memref<327680x64xf32, #tpu.memory_space<hbm>> -> memref<128x64xf32, #tpu.memory_space<hbm>>
      %dma_start3A_89 = arith.constant 0 : i32
      %dma_start3A_90 = arith.constant 0 : i32
      %dma_start3A_91 = tpu.memref_slice %arg6[%dma_start3A_80, %dma_start3A_89, %dma_start3A_90] : memref<2x128x64xf32, #tpu.memory_space<vmem>> -> memref<1x128x64xf32, #tpu.memory_space<vmem>>
      %dma_start3A_92 = tpu.memref_squeeze %dma_start3A_91 : memref<1x128x64xf32, #tpu.memory_space<vmem>> -> memref<128x64xf32, #tpu.memory_space<vmem>>
      tpu.enqueue_dma source(%dma_start3A_92 : memref<128x64xf32, #tpu.memory_space<vmem>>) target(%dma_start3A_88 : memref<128x64xf32, #tpu.memory_space<hbm>>) target_semaphore(%arg8 : memref<!tpu.dma_semaphore, #tpu.memory_space<semaphore_mem>>)
      %mul3A_93 = arith.constant 128 : i32
      %mul3A_94 = arith.muli %mul3A_53, %mul3A_93 : i32
      %add3A_95 = arith.addi %mul3A_33, %mul3A_94 : i32
      %dma_wait3A_96 = arith.constant 0 : i32
      %dma_wait3A_97 = arith.constant 0 : i32
      %dma_wait3A_98 = arith.constant 0 : i32
      %dma_wait3A_99 = tpu.memref_slice %arg6[%dma_wait3A_96, %dma_wait3A_97, %dma_wait3A_98] : memref<2x128x64xf32, #tpu.memory_space<vmem>> -> memref<1x128x64xf32, #tpu.memory_space<vmem>>
      %dma_wait3A_100 = tpu.memref_squeeze %dma_wait3A_99 : memref<1x128x64xf32, #tpu.memory_space<vmem>> -> memref<128x64xf32, #tpu.memory_space<vmem>>
      %dma_wait3A_101 = arith.constant 0 : i32
      %dma_wait3A_102 = tpu.memref_slice %arg4[%add3A_95, %dma_wait3A_101] : memref<327680x64xf32, #tpu.memory_space<hbm>> -> memref<128x64xf32, #tpu.memory_space<hbm>>
      %dma_wait3A_103 = arith.constant 0 : i32
      %dma_wait3A_104 = tpu.memref_slice %arg4[%add3A_95, %dma_wait3A_103] : memref<327680x64xf32, #tpu.memory_space<hbm>> -> memref<128x64xf32, #tpu.memory_space<hbm>>
      %dma_wait3A_105 = arith.constant 0 : i32
      %dma_wait3A_106 = arith.constant 0 : i32
      %dma_wait3A_107 = tpu.memref_slice %arg6[%dma_wait3A_96, %dma_wait3A_105, %dma_wait3A_106] : memref<2x128x64xf32, #tpu.memory_space<vmem>> -> memref<1x128x64xf32, #tpu.memory_space<vmem>>
      %dma_wait3A_108 = tpu.memref_squeeze %dma_wait3A_107 : memref<1x128x64xf32, #tpu.memory_space<vmem>> -> memref<128x64xf32, #tpu.memory_space<vmem>>
      tpu.wait_dma2 semaphore(%arg8 : memref<!tpu.dma_semaphore, #tpu.memory_space<semaphore_mem>>) src(%dma_wait3A_108 : memref<128x64xf32, #tpu.memory_space<vmem>>) dst(%dma_wait3A_104 : memref<128x64xf32, #tpu.memory_space<hbm>>)
      %add3A_109 = arith.constant 2 : i32
      %add3A_110 = arith.addi %mul3A_53, %add3A_109 : i32
      %lt3A = arith.constant 80 : i32
      %lt3A_111 = arith.cmpi slt, %add3A_110, %lt3A : i32
      %convert_element_type3A = arith.extui %lt3A_111 : i1 to i32
      %cond3A = arith.constant 0 : i32
      %cond3A_112 = arith.cmpi ne, %convert_element_type3A, %cond3A : i32
      scf.if %cond3A_112 {
        %add3A_157 = arith.constant 2 : i32
        %add3A_158 = arith.addi %mul3A_53, %add3A_157 : i32
        %mul3A_159 = arith.constant 128 : i32
        %mul3A_160 = arith.muli %add3A_158, %mul3A_159 : i32
        %dma_start3A_161 = arith.constant 0 : i32
        %dma_start3A_162 = arith.constant 0 : i32
        %dma_start3A_163 = arith.constant 0 : i32
        %dma_start3A_164 = tpu.memref_slice %arg6[%dma_start3A_161, %dma_start3A_162, %dma_start3A_163] : memref<2x128x64xf32, #tpu.memory_space<vmem>> -> memref<1x128x64xf32, #tpu.memory_space<vmem>>
        %dma_start3A_165 = tpu.memref_squeeze %dma_start3A_164 : memref<1x128x64xf32, #tpu.memory_space<vmem>> -> memref<128x64xf32, #tpu.memory_space<vmem>>
        %dma_start3A_166 = tpu.memref_slice %arg5[%mul3A_160] : memref<10240xi32, #tpu.memory_space<vmem>> -> memref<128xi32, #tpu.memory_space<vmem>>
        %dma_start3A_167 = arith.constant 0 : i32
        %dma_start3A_168 = arith.constant 0 : i32
        %dma_start3A_169 = tpu.memref_slice %arg2[%dma_start3A_167, %dma_start3A_168] : memref<16384x64xf32, #tpu.memory_space<hbm>> -> memref<16384x64xf32, #tpu.memory_space<hbm>>
        tpu.enqueue_indirect_dma source(%dma_start3A_169 : memref<16384x64xf32, #tpu.memory_space<hbm>>) target(%dma_start3A_165 : memref<128x64xf32, #tpu.memory_space<vmem>>) offsets(%dma_start3A_166 : memref<128xi32, #tpu.memory_space<vmem>>) semaphore(%arg7 : memref<!tpu.dma_semaphore, #tpu.memory_space<semaphore_mem>>)
      } else {
      }
      %mul3A_113 = arith.constant 128 : i32
      %mul3A_114 = arith.muli %add3A_55, %mul3A_113 : i32
      %dma_wait3A_115 = arith.constant 1 : i32
      %dma_wait3A_116 = arith.constant 0 : i32
      %dma_wait3A_117 = arith.constant 0 : i32
      %dma_wait3A_118 = tpu.memref_slice %arg6[%dma_wait3A_115, %dma_wait3A_116, %dma_wait3A_117] : memref<2x128x64xf32, #tpu.memory_space<vmem>> -> memref<1x128x64xf32, #tpu.memory_space<vmem>>
      %dma_wait3A_119 = tpu.memref_squeeze %dma_wait3A_118 : memref<1x128x64xf32, #tpu.memory_space<vmem>> -> memref<128x64xf32, #tpu.memory_space<vmem>>
      %dma_wait3A_120 = tpu.memref_slice %arg5[%mul3A_114] : memref<10240xi32, #tpu.memory_space<vmem>> -> memref<128xi32, #tpu.memory_space<vmem>>
      %dma_wait3A_121 = arith.constant 0 : i32
      %dma_wait3A_122 = arith.constant 0 : i32
      %dma_wait3A_123 = tpu.memref_slice %arg2[%dma_wait3A_121, %dma_wait3A_122] : memref<16384x64xf32, #tpu.memory_space<hbm>> -> memref<16384x64xf32, #tpu.memory_space<hbm>>
      tpu.wait_indirect_dma semaphore(%arg7 : memref<!tpu.dma_semaphore, #tpu.memory_space<semaphore_mem>>) src(%dma_wait3A_123 : memref<16384x64xf32, #tpu.memory_space<hbm>>) dst(%dma_wait3A_119 : memref<128x64xf32, #tpu.memory_space<vmem>>)
      %mul3A_124 = arith.constant 128 : i32
      %mul3A_125 = arith.muli %add3A_55, %mul3A_124 : i32
      %add3A_126 = arith.addi %mul3A_33, %mul3A_125 : i32
      %dma_start3A_127 = arith.constant 1 : i32
      %dma_start3A_128 = arith.constant 0 : i32
      %dma_start3A_129 = arith.constant 0 : i32
      %dma_start3A_130 = tpu.memref_slice %arg6[%dma_start3A_127, %dma_start3A_128, %dma_start3A_129] : memref<2x128x64xf32, #tpu.memory_space<vmem>> -> memref<1x128x64xf32, #tpu.memory_space<vmem>>
      %dma_start3A_131 = tpu.memref_squeeze %dma_start3A_130 : memref<1x128x64xf32, #tpu.memory_space<vmem>> -> memref<128x64xf32, #tpu.memory_space<vmem>>
      %dma_start3A_132 = arith.constant 0 : i32
      %dma_start3A_133 = tpu.memref_slice %arg4[%add3A_126, %dma_start3A_132] : memref<327680x64xf32, #tpu.memory_space<hbm>> -> memref<128x64xf32, #tpu.memory_space<hbm>>
      %dma_start3A_134 = arith.constant 0 : i32
      %dma_start3A_135 = tpu.memref_slice %arg4[%add3A_126, %dma_start3A_134] : memref<327680x64xf32, #tpu.memory_space<hbm>> -> memref<128x64xf32, #tpu.memory_space<hbm>>
      %dma_start3A_136 = arith.constant 0 : i32
      %dma_start3A_137 = arith.constant 0 : i32
      %dma_start3A_138 = tpu.memref_slice %arg6[%dma_start3A_127, %dma_start3A_136, %dma_start3A_137] : memref<2x128x64xf32, #tpu.memory_space<vmem>> -> memref<1x128x64xf32, #tpu.memory_space<vmem>>
      %dma_start3A_139 = tpu.memref_squeeze %dma_start3A_138 : memref<1x128x64xf32, #tpu.memory_space<vmem>> -> memref<128x64xf32, #tpu.memory_space<vmem>>
      tpu.enqueue_dma source(%dma_start3A_139 : memref<128x64xf32, #tpu.memory_space<vmem>>) target(%dma_start3A_135 : memref<128x64xf32, #tpu.memory_space<hbm>>) target_semaphore(%arg8 : memref<!tpu.dma_semaphore, #tpu.memory_space<semaphore_mem>>)
      %mul3A_140 = arith.constant 128 : i32
      %mul3A_141 = arith.muli %add3A_55, %mul3A_140 : i32
      %add3A_142 = arith.addi %mul3A_33, %mul3A_141 : i32
      %dma_wait3A_143 = arith.constant 1 : i32
      %dma_wait3A_144 = arith.constant 0 : i32
      %dma_wait3A_145 = arith.constant 0 : i32
      %dma_wait3A_146 = tpu.memref_slice %arg6[%dma_wait3A_143, %dma_wait3A_144, %dma_wait3A_145] : memref<2x128x64xf32, #tpu.memory_space<vmem>> -> memref<1x128x64xf32, #tpu.memory_space<vmem>>
      %dma_wait3A_147 = tpu.memref_squeeze %dma_wait3A_146 : memref<1x128x64xf32, #tpu.memory_space<vmem>> -> memref<128x64xf32, #tpu.memory_space<vmem>>
      %dma_wait3A_148 = arith.constant 0 : i32
      %dma_wait3A_149 = tpu.memref_slice %arg4[%add3A_142, %dma_wait3A_148] : memref<327680x64xf32, #tpu.memory_space<hbm>> -> memref<128x64xf32, #tpu.memory_space<hbm>>
      %dma_wait3A_150 = arith.constant 0 : i32
      %dma_wait3A_151 = tpu.memref_slice %arg4[%add3A_142, %dma_wait3A_150] : memref<327680x64xf32, #tpu.memory_space<hbm>> -> memref<128x64xf32, #tpu.memory_space<hbm>>
      %dma_wait3A_152 = arith.constant 0 : i32
      %dma_wait3A_153 = arith.constant 0 : i32
      %dma_wait3A_154 = tpu.memref_slice %arg6[%dma_wait3A_143, %dma_wait3A_152, %dma_wait3A_153] : memref<2x128x64xf32, #tpu.memory_space<vmem>> -> memref<1x128x64xf32, #tpu.memory_space<vmem>>
      %dma_wait3A_155 = tpu.memref_squeeze %dma_wait3A_154 : memref<1x128x64xf32, #tpu.memory_space<vmem>> -> memref<128x64xf32, #tpu.memory_space<vmem>>
      tpu.wait_dma2 semaphore(%arg8 : memref<!tpu.dma_semaphore, #tpu.memory_space<semaphore_mem>>) src(%dma_wait3A_155 : memref<128x64xf32, #tpu.memory_space<vmem>>) dst(%dma_wait3A_151 : memref<128x64xf32, #tpu.memory_space<hbm>>)
      %scan3A_156 = arith.constant 0 : i32
      scf.yield %scan3A_156 : i32
    }
    %scan3A_49 = arith.constant 40 : i32
    return
  }
}

#map = affine_map<(d0, d1) -> (0, 0)>
#map1 = affine_map<(d0, d1) -> (0)>
module attributes {stable_mosaic.version = 14 : i64} {
  func.func @gather_k(%arg0: i32, %arg1: i32, %arg2: memref<16384x8xf32, #tpu.memory_space<hbm>>, %arg3: memref<327680xi32, #tpu.memory_space<hbm>>, %arg4: memref<327680x8xf32, #tpu.memory_space<hbm>>, %arg5: memref<10240xi32, #tpu.memory_space<vmem>>, %arg6: memref<2x128x8xf32, #tpu.memory_space<vmem>>, %arg7: memref<!tpu.dma_semaphore, #tpu.memory_space<semaphore_mem>>, %arg8: memref<!tpu.dma_semaphore, #tpu.memory_space<semaphore_mem>>) attributes {dimension_semantics = [#tpu.dimension_semantics<core_parallel>, #tpu.dimension_semantics<subcore_parallel>], iteration_bounds = array<i64: 2, 16>, scalar_prefetch = 0 : i64, scratch_operands = 4 : i64, tpu.core_type = #tpu.core_type<sc_vector_subcore>, window_params = [{transform_indices = #map}, {transform_indices = #map1}, {transform_indices = #map}]} {
    %mul3A = arith.constant 2 : i32
    %mul3A_0 = arith.muli %arg1, %mul3A : i32
    %add3A = arith.addi %mul3A_0, %arg0 : i32
    %mul3A_1 = arith.constant 512 : i32
    %mul3A_2 = arith.muli %add3A, %mul3A_1 : i32
    %mul3A_3 = arith.constant 20 : i32
    %mul3A_4 = arith.muli %mul3A_2, %mul3A_3 : i32
    "tpu.region"() ({
      %run_scoped3A = tpu.sem_alloc : memref<!tpu.dma_semaphore, #tpu.memory_space<semaphore_mem>>
      %dma_start3A_50 = tpu.memref_slice %arg3[%mul3A_4] : memref<327680xi32, #tpu.memory_space<hbm>> -> memref<10240xi32, #tpu.memory_space<hbm>>
      %dma_start3A_51 = tpu.memref_slice %arg3[%mul3A_4] : memref<327680xi32, #tpu.memory_space<hbm>> -> memref<10240xi32, #tpu.memory_space<hbm>>
      tpu.enqueue_dma source(%dma_start3A_51 : memref<10240xi32, #tpu.memory_space<hbm>>) target(%arg5 : memref<10240xi32, #tpu.memory_space<vmem>>) target_semaphore(%run_scoped3A : memref<!tpu.dma_semaphore, #tpu.memory_space<semaphore_mem>>)
      %dma_wait3A = tpu.memref_slice %arg3[%mul3A_4] : memref<327680xi32, #tpu.memory_space<hbm>> -> memref<10240xi32, #tpu.memory_space<hbm>>
      %dma_wait3A_52 = tpu.memref_slice %arg3[%mul3A_4] : memref<327680xi32, #tpu.memory_space<hbm>> -> memref<10240xi32, #tpu.memory_space<hbm>>
      tpu.wait_dma2 semaphore(%run_scoped3A : memref<!tpu.dma_semaphore, #tpu.memory_space<semaphore_mem>>) src(%dma_wait3A_52 : memref<10240xi32, #tpu.memory_space<hbm>>) dst(%arg5 : memref<10240xi32, #tpu.memory_space<vmem>>)
      tpu.yield
    }) : () -> ()
    %broadcast_in_dim3A = arith.constant 0 : i32
    %broadcast_in_dim3A_5 = vector.broadcast %broadcast_in_dim3A : i32 to vector<16xi32>
    %jit3A = arith.constant 2048 : i32
    %div3A = arith.divsi %mul3A_2, %jit3A : i32
    %sign3A = arith.constant 0 : i32
    %sign3A_6 = arith.cmpi sgt, %mul3A_2, %sign3A : i32
    %sign3A_7 = arith.extui %sign3A_6 : i1 to i32
    %sign3A_8 = arith.constant 0 : i32
    %sign3A_9 = arith.cmpi slt, %mul3A_2, %sign3A_8 : i32
    %sign3A_10 = arith.extui %sign3A_9 : i1 to i32
    %sign3A_11 = arith.subi %sign3A_7, %sign3A_10 : i32
    %sign3A_12 = arith.constant 0 : i32
    %sign3A_13 = arith.cmpi sgt, %jit3A, %sign3A_12 : i32
    %sign3A_14 = arith.extui %sign3A_13 : i1 to i32
    %sign3A_15 = arith.constant 0 : i32
    %sign3A_16 = arith.cmpi slt, %jit3A, %sign3A_15 : i32
    %sign3A_17 = arith.extui %sign3A_16 : i1 to i32
    %sign3A_18 = arith.subi %sign3A_14, %sign3A_17 : i32
    %ne3A = arith.cmpi ne, %sign3A_11, %sign3A_18 : i32
    %rem3A = arith.remsi %mul3A_2, %jit3A : i32
    %ne3A_19 = arith.constant 0 : i32
    %ne3A_20 = arith.cmpi ne, %rem3A, %ne3A_19 : i32
    %and3A = arith.andi %ne3A, %ne3A_20 : i1
    %sub3A = arith.constant 1 : i32
    %sub3A_21 = arith.subi %div3A, %sub3A : i32
    %select_n3A = arith.select %and3A, %sub3A_21, %div3A : i32
    %mul3A_22 = arith.constant 2048 : i32
    %mul3A_23 = arith.muli %select_n3A, %mul3A_22 : i32
    %add3A_24 = vector.broadcast %mul3A_23 : i32 to vector<16xi32>
    %add3A_25 = arith.addi %broadcast_in_dim3A_5, %add3A_24 : vector<16xi32>
    %scan3A = arith.constant 0 : i32
    %scan3A_26 = arith.constant 0 : i32
    %scan3A_27 = arith.constant 640 : i32
    %scan3A_28 = arith.addi %scan3A_26, %scan3A_27 : i32
    %scan3A_29 = arith.constant 1 : i32
    %scan3A_30 = scf.for %scan3A_50 = %scan3A_26 to %scan3A_28 step %scan3A_29 iter_args(%scan3A_51 = %scan3A) -> (i32)  : i32 {
      %mul3A_52 = arith.constant 16 : i32
      %mul3A_53 = arith.muli %scan3A_50, %mul3A_52 : i32
      %get3A = arith.index_cast %mul3A_53 : i32 to index
      %get3A_54 = tpu.vector_load %arg5[%get3A] {strides = array<i32>} : memref<10240xi32, #tpu.memory_space<vmem>>, vector<16xi32>,
      %get3A_55 = vector.shape_cast %get3A_54 : vector<16xi32> to vector<16xi32>
      %add3A_56 = arith.addi %get3A_55, %add3A_25 : vector<16xi32>
      %mul3A_57 = arith.constant 16 : i32
      %mul3A_58 = arith.muli %scan3A_50, %mul3A_57 : i32
      %swap3A = arith.index_cast %mul3A_58 : i32 to index
      %swap3A_59 = tpu.vector_load %arg5[%swap3A] {strides = array<i32>} : memref<10240xi32, #tpu.memory_space<vmem>>, vector<16xi32>,
      %swap3A_60 = vector.shape_cast %swap3A_59 : vector<16xi32> to vector<16xi32>
      %swap3A_61 = vector.shape_cast %add3A_56 : vector<16xi32> to vector<16xi32>
      tpu.vector_store %arg5[%swap3A], %swap3A_61 {strides = array<i32>} : memref<10240xi32, #tpu.memory_space<vmem>>, vector<16xi32>,
      %scan3A_62 = arith.constant 0 : i32
      scf.yield %scan3A_62 : i32
    }
    %scan3A_31 = arith.constant 640 : i32
    %mul3A_32 = arith.constant 20 : i32
    %mul3A_33 = arith.muli %mul3A_2, %mul3A_32 : i32
    %dma_start3A = arith.constant 0 : i32
    %dma_start3A_34 = arith.constant 0 : i32
    %dma_start3A_35 = arith.constant 0 : i32
    %dma_start3A_36 = tpu.memref_slice %arg6[%dma_start3A, %dma_start3A_34, %dma_start3A_35] : memref<2x128x8xf32, #tpu.memory_space<vmem>> -> memref<1x128x8xf32, #tpu.memory_space<vmem>>
    %dma_start3A_37 = tpu.memref_squeeze %dma_start3A_36 : memref<1x128x8xf32, #tpu.memory_space<vmem>> -> memref<128x8xf32, #tpu.memory_space<vmem>>
    %dma_start3A_38 = arith.constant 0 : i32
    %dma_start3A_39 = tpu.memref_slice %arg5[%dma_start3A_38] : memref<10240xi32, #tpu.memory_space<vmem>> -> memref<128xi32, #tpu.memory_space<vmem>>
    %dma_start3A_40 = arith.constant 0 : i32
    %dma_start3A_41 = arith.constant 0 : i32
    %dma_start3A_42 = tpu.memref_slice %arg2[%dma_start3A_40, %dma_start3A_41] : memref<16384x8xf32, #tpu.memory_space<hbm>> -> memref<16384x8xf32, #tpu.memory_space<hbm>>
    tpu.enqueue_indirect_dma source(%dma_start3A_42 : memref<16384x8xf32, #tpu.memory_space<hbm>>) target(%dma_start3A_37 : memref<128x8xf32, #tpu.memory_space<vmem>>) offsets(%dma_start3A_39 : memref<128xi32, #tpu.memory_space<vmem>>) semaphore(%arg7 : memref<!tpu.dma_semaphore, #tpu.memory_space<semaphore_mem>>)
    %scan3A_43 = arith.constant 0 : i32
    %scan3A_44 = arith.constant 0 : i32
    %scan3A_45 = arith.constant 40 : i32
    %scan3A_46 = arith.addi %scan3A_44, %scan3A_45 : i32
    %scan3A_47 = arith.constant 1 : i32
    %scan3A_48 = scf.for %scan3A_50 = %scan3A_44 to %scan3A_46 step %scan3A_47 iter_args(%scan3A_51 = %scan3A_43) -> (i32)  : i32 {
      %mul3A_52 = arith.constant 2 : i32
      %mul3A_53 = arith.muli %mul3A_52, %scan3A_50 : i32
      %add3A_54 = arith.constant 1 : i32
      %add3A_55 = arith.addi %mul3A_53, %add3A_54 : i32
      %mul3A_56 = arith.constant 128 : i32
      %mul3A_57 = arith.muli %add3A_55, %mul3A_56 : i32
      %dma_start3A_58 = arith.constant 1 : i32
      %dma_start3A_59 = arith.constant 0 : i32
      %dma_start3A_60 = arith.constant 0 : i32
      %dma_start3A_61 = tpu.memref_slice %arg6[%dma_start3A_58, %dma_start3A_59, %dma_start3A_60] : memref<2x128x8xf32, #tpu.memory_space<vmem>> -> memref<1x128x8xf32, #tpu.memory_space<vmem>>
      %dma_start3A_62 = tpu.memref_squeeze %dma_start3A_61 : memref<1x128x8xf32, #tpu.memory_space<vmem>> -> memref<128x8xf32, #tpu.memory_space<vmem>>
      %dma_start3A_63 = tpu.memref_slice %arg5[%mul3A_57] : memref<10240xi32, #tpu.memory_space<vmem>> -> memref<128xi32, #tpu.memory_space<vmem>>
      %dma_start3A_64 = arith.constant 0 : i32
      %dma_start3A_65 = arith.constant 0 : i32
      %dma_start3A_66 = tpu.memref_slice %arg2[%dma_start3A_64, %dma_start3A_65] : memref<16384x8xf32, #tpu.memory_space<hbm>> -> memref<16384x8xf32, #tpu.memory_space<hbm>>
      tpu.enqueue_indirect_dma source(%dma_start3A_66 : memref<16384x8xf32, #tpu.memory_space<hbm>>) target(%dma_start3A_62 : memref<128x8xf32, #tpu.memory_space<vmem>>) offsets(%dma_start3A_63 : memref<128xi32, #tpu.memory_space<vmem>>) semaphore(%arg7 : memref<!tpu.dma_semaphore, #tpu.memory_space<semaphore_mem>>)
      %mul3A_67 = arith.constant 128 : i32
      %mul3A_68 = arith.muli %mul3A_53, %mul3A_67 : i32
      %dma_wait3A = arith.constant 0 : i32
      %dma_wait3A_69 = arith.constant 0 : i32
      %dma_wait3A_70 = arith.constant 0 : i32
      %dma_wait3A_71 = tpu.memref_slice %arg6[%dma_wait3A, %dma_wait3A_69, %dma_wait3A_70] : memref<2x128x8xf32, #tpu.memory_space<vmem>> -> memref<1x128x8xf32, #tpu.memory_space<vmem>>
      %dma_wait3A_72 = tpu.memref_squeeze %dma_wait3A_71 : memref<1x128x8xf32, #tpu.memory_space<vmem>> -> memref<128x8xf32, #tpu.memory_space<vmem>>
      %dma_wait3A_73 = tpu.memref_slice %arg5[%mul3A_68] : memref<10240xi32, #tpu.memory_space<vmem>> -> memref<128xi32, #tpu.memory_space<vmem>>
      %dma_wait3A_74 = arith.constant 0 : i32
      %dma_wait3A_75 = arith.constant 0 : i32
      %dma_wait3A_76 = tpu.memref_slice %arg2[%dma_wait3A_74, %dma_wait3A_75] : memref<16384x8xf32, #tpu.memory_space<hbm>> -> memref<16384x8xf32, #tpu.memory_space<hbm>>
      tpu.wait_indirect_dma semaphore(%arg7 : memref<!tpu.dma_semaphore, #tpu.memory_space<semaphore_mem>>) src(%dma_wait3A_76 : memref<16384x8xf32, #tpu.memory_space<hbm>>) dst(%dma_wait3A_72 : memref<128x8xf32, #tpu.memory_space<vmem>>)
      %mul3A_77 = arith.constant 128 : i32
      %mul3A_78 = arith.muli %mul3A_53, %mul3A_77 : i32
      %add3A_79 = arith.addi %mul3A_33, %mul3A_78 : i32
      %dma_start3A_80 = arith.constant 0 : i32
      %dma_start3A_81 = arith.constant 0 : i32
      %dma_start3A_82 = arith.constant 0 : i32
      %dma_start3A_83 = tpu.memref_slice %arg6[%dma_start3A_80, %dma_start3A_81, %dma_start3A_82] : memref<2x128x8xf32, #tpu.memory_space<vmem>> -> memref<1x128x8xf32, #tpu.memory_space<vmem>>
      %dma_start3A_84 = tpu.memref_squeeze %dma_start3A_83 : memref<1x128x8xf32, #tpu.memory_space<vmem>> -> memref<128x8xf32, #tpu.memory_space<vmem>>
      %dma_start3A_85 = arith.constant 0 : i32
      %dma_start3A_86 = tpu.memref_slice %arg4[%add3A_79, %dma_start3A_85] : memref<327680x8xf32, #tpu.memory_space<hbm>> -> memref<128x8xf32, #tpu.memory_space<hbm>>
      %dma_start3A_87 = arith.constant 0 : i32
      %dma_start3A_88 = tpu.memref_slice %arg4[%add3A_79, %dma_start3A_87] : memref<327680x8xf32, #tpu.memory_space<hbm>> -> memref<128x8xf32, #tpu.memory_space<hbm>>
      %dma_start3A_89 = arith.constant 0 : i32
      %dma_start3A_90 = arith.constant 0 : i32
      %dma_start3A_91 = tpu.memref_slice %arg6[%dma_start3A_80, %dma_start3A_89, %dma_start3A_90] : memref<2x128x8xf32, #tpu.memory_space<vmem>> -> memref<1x128x8xf32, #tpu.memory_space<vmem>>
      %dma_start3A_92 = tpu.memref_squeeze %dma_start3A_91 : memref<1x128x8xf32, #tpu.memory_space<vmem>> -> memref<128x8xf32, #tpu.memory_space<vmem>>
      tpu.enqueue_dma source(%dma_start3A_92 : memref<128x8xf32, #tpu.memory_space<vmem>>) target(%dma_start3A_88 : memref<128x8xf32, #tpu.memory_space<hbm>>) target_semaphore(%arg8 : memref<!tpu.dma_semaphore, #tpu.memory_space<semaphore_mem>>)
      %mul3A_93 = arith.constant 128 : i32
      %mul3A_94 = arith.muli %mul3A_53, %mul3A_93 : i32
      %add3A_95 = arith.addi %mul3A_33, %mul3A_94 : i32
      %dma_wait3A_96 = arith.constant 0 : i32
      %dma_wait3A_97 = arith.constant 0 : i32
      %dma_wait3A_98 = arith.constant 0 : i32
      %dma_wait3A_99 = tpu.memref_slice %arg6[%dma_wait3A_96, %dma_wait3A_97, %dma_wait3A_98] : memref<2x128x8xf32, #tpu.memory_space<vmem>> -> memref<1x128x8xf32, #tpu.memory_space<vmem>>
      %dma_wait3A_100 = tpu.memref_squeeze %dma_wait3A_99 : memref<1x128x8xf32, #tpu.memory_space<vmem>> -> memref<128x8xf32, #tpu.memory_space<vmem>>
      %dma_wait3A_101 = arith.constant 0 : i32
      %dma_wait3A_102 = tpu.memref_slice %arg4[%add3A_95, %dma_wait3A_101] : memref<327680x8xf32, #tpu.memory_space<hbm>> -> memref<128x8xf32, #tpu.memory_space<hbm>>
      %dma_wait3A_103 = arith.constant 0 : i32
      %dma_wait3A_104 = tpu.memref_slice %arg4[%add3A_95, %dma_wait3A_103] : memref<327680x8xf32, #tpu.memory_space<hbm>> -> memref<128x8xf32, #tpu.memory_space<hbm>>
      %dma_wait3A_105 = arith.constant 0 : i32
      %dma_wait3A_106 = arith.constant 0 : i32
      %dma_wait3A_107 = tpu.memref_slice %arg6[%dma_wait3A_96, %dma_wait3A_105, %dma_wait3A_106] : memref<2x128x8xf32, #tpu.memory_space<vmem>> -> memref<1x128x8xf32, #tpu.memory_space<vmem>>
      %dma_wait3A_108 = tpu.memref_squeeze %dma_wait3A_107 : memref<1x128x8xf32, #tpu.memory_space<vmem>> -> memref<128x8xf32, #tpu.memory_space<vmem>>
      tpu.wait_dma2 semaphore(%arg8 : memref<!tpu.dma_semaphore, #tpu.memory_space<semaphore_mem>>) src(%dma_wait3A_108 : memref<128x8xf32, #tpu.memory_space<vmem>>) dst(%dma_wait3A_104 : memref<128x8xf32, #tpu.memory_space<hbm>>)
      %add3A_109 = arith.constant 2 : i32
      %add3A_110 = arith.addi %mul3A_53, %add3A_109 : i32
      %lt3A = arith.constant 80 : i32
      %lt3A_111 = arith.cmpi slt, %add3A_110, %lt3A : i32
      %convert_element_type3A = arith.extui %lt3A_111 : i1 to i32
      %cond3A = arith.constant 0 : i32
      %cond3A_112 = arith.cmpi ne, %convert_element_type3A, %cond3A : i32
      scf.if %cond3A_112 {
        %add3A_157 = arith.constant 2 : i32
        %add3A_158 = arith.addi %mul3A_53, %add3A_157 : i32
        %mul3A_159 = arith.constant 128 : i32
        %mul3A_160 = arith.muli %add3A_158, %mul3A_159 : i32
        %dma_start3A_161 = arith.constant 0 : i32
        %dma_start3A_162 = arith.constant 0 : i32
        %dma_start3A_163 = arith.constant 0 : i32
        %dma_start3A_164 = tpu.memref_slice %arg6[%dma_start3A_161, %dma_start3A_162, %dma_start3A_163] : memref<2x128x8xf32, #tpu.memory_space<vmem>> -> memref<1x128x8xf32, #tpu.memory_space<vmem>>
        %dma_start3A_165 = tpu.memref_squeeze %dma_start3A_164 : memref<1x128x8xf32, #tpu.memory_space<vmem>> -> memref<128x8xf32, #tpu.memory_space<vmem>>
        %dma_start3A_166 = tpu.memref_slice %arg5[%mul3A_160] : memref<10240xi32, #tpu.memory_space<vmem>> -> memref<128xi32, #tpu.memory_space<vmem>>
        %dma_start3A_167 = arith.constant 0 : i32
        %dma_start3A_168 = arith.constant 0 : i32
        %dma_start3A_169 = tpu.memref_slice %arg2[%dma_start3A_167, %dma_start3A_168] : memref<16384x8xf32, #tpu.memory_space<hbm>> -> memref<16384x8xf32, #tpu.memory_space<hbm>>
        tpu.enqueue_indirect_dma source(%dma_start3A_169 : memref<16384x8xf32, #tpu.memory_space<hbm>>) target(%dma_start3A_165 : memref<128x8xf32, #tpu.memory_space<vmem>>) offsets(%dma_start3A_166 : memref<128xi32, #tpu.memory_space<vmem>>) semaphore(%arg7 : memref<!tpu.dma_semaphore, #tpu.memory_space<semaphore_mem>>)
      } else {
      }
      %mul3A_113 = arith.constant 128 : i32
      %mul3A_114 = arith.muli %add3A_55, %mul3A_113 : i32
      %dma_wait3A_115 = arith.constant 1 : i32
      %dma_wait3A_116 = arith.constant 0 : i32
      %dma_wait3A_117 = arith.constant 0 : i32
      %dma_wait3A_118 = tpu.memref_slice %arg6[%dma_wait3A_115, %dma_wait3A_116, %dma_wait3A_117] : memref<2x128x8xf32, #tpu.memory_space<vmem>> -> memref<1x128x8xf32, #tpu.memory_space<vmem>>
      %dma_wait3A_119 = tpu.memref_squeeze %dma_wait3A_118 : memref<1x128x8xf32, #tpu.memory_space<vmem>> -> memref<128x8xf32, #tpu.memory_space<vmem>>
      %dma_wait3A_120 = tpu.memref_slice %arg5[%mul3A_114] : memref<10240xi32, #tpu.memory_space<vmem>> -> memref<128xi32, #tpu.memory_space<vmem>>
      %dma_wait3A_121 = arith.constant 0 : i32
      %dma_wait3A_122 = arith.constant 0 : i32
      %dma_wait3A_123 = tpu.memref_slice %arg2[%dma_wait3A_121, %dma_wait3A_122] : memref<16384x8xf32, #tpu.memory_space<hbm>> -> memref<16384x8xf32, #tpu.memory_space<hbm>>
      tpu.wait_indirect_dma semaphore(%arg7 : memref<!tpu.dma_semaphore, #tpu.memory_space<semaphore_mem>>) src(%dma_wait3A_123 : memref<16384x8xf32, #tpu.memory_space<hbm>>) dst(%dma_wait3A_119 : memref<128x8xf32, #tpu.memory_space<vmem>>)
      %mul3A_124 = arith.constant 128 : i32
      %mul3A_125 = arith.muli %add3A_55, %mul3A_124 : i32
      %add3A_126 = arith.addi %mul3A_33, %mul3A_125 : i32
      %dma_start3A_127 = arith.constant 1 : i32
      %dma_start3A_128 = arith.constant 0 : i32
      %dma_start3A_129 = arith.constant 0 : i32
      %dma_start3A_130 = tpu.memref_slice %arg6[%dma_start3A_127, %dma_start3A_128, %dma_start3A_129] : memref<2x128x8xf32, #tpu.memory_space<vmem>> -> memref<1x128x8xf32, #tpu.memory_space<vmem>>
      %dma_start3A_131 = tpu.memref_squeeze %dma_start3A_130 : memref<1x128x8xf32, #tpu.memory_space<vmem>> -> memref<128x8xf32, #tpu.memory_space<vmem>>
      %dma_start3A_132 = arith.constant 0 : i32
      %dma_start3A_133 = tpu.memref_slice %arg4[%add3A_126, %dma_start3A_132] : memref<327680x8xf32, #tpu.memory_space<hbm>> -> memref<128x8xf32, #tpu.memory_space<hbm>>
      %dma_start3A_134 = arith.constant 0 : i32
      %dma_start3A_135 = tpu.memref_slice %arg4[%add3A_126, %dma_start3A_134] : memref<327680x8xf32, #tpu.memory_space<hbm>> -> memref<128x8xf32, #tpu.memory_space<hbm>>
      %dma_start3A_136 = arith.constant 0 : i32
      %dma_start3A_137 = arith.constant 0 : i32
      %dma_start3A_138 = tpu.memref_slice %arg6[%dma_start3A_127, %dma_start3A_136, %dma_start3A_137] : memref<2x128x8xf32, #tpu.memory_space<vmem>> -> memref<1x128x8xf32, #tpu.memory_space<vmem>>
      %dma_start3A_139 = tpu.memref_squeeze %dma_start3A_138 : memref<1x128x8xf32, #tpu.memory_space<vmem>> -> memref<128x8xf32, #tpu.memory_space<vmem>>
      tpu.enqueue_dma source(%dma_start3A_139 : memref<128x8xf32, #tpu.memory_space<vmem>>) target(%dma_start3A_135 : memref<128x8xf32, #tpu.memory_space<hbm>>) target_semaphore(%arg8 : memref<!tpu.dma_semaphore, #tpu.memory_space<semaphore_mem>>)
      %mul3A_140 = arith.constant 128 : i32
      %mul3A_141 = arith.muli %add3A_55, %mul3A_140 : i32
      %add3A_142 = arith.addi %mul3A_33, %mul3A_141 : i32
      %dma_wait3A_143 = arith.constant 1 : i32
      %dma_wait3A_144 = arith.constant 0 : i32
      %dma_wait3A_145 = arith.constant 0 : i32
      %dma_wait3A_146 = tpu.memref_slice %arg6[%dma_wait3A_143, %dma_wait3A_144, %dma_wait3A_145] : memref<2x128x8xf32, #tpu.memory_space<vmem>> -> memref<1x128x8xf32, #tpu.memory_space<vmem>>
      %dma_wait3A_147 = tpu.memref_squeeze %dma_wait3A_146 : memref<1x128x8xf32, #tpu.memory_space<vmem>> -> memref<128x8xf32, #tpu.memory_space<vmem>>
      %dma_wait3A_148 = arith.constant 0 : i32
      %dma_wait3A_149 = tpu.memref_slice %arg4[%add3A_142, %dma_wait3A_148] : memref<327680x8xf32, #tpu.memory_space<hbm>> -> memref<128x8xf32, #tpu.memory_space<hbm>>
      %dma_wait3A_150 = arith.constant 0 : i32
      %dma_wait3A_151 = tpu.memref_slice %arg4[%add3A_142, %dma_wait3A_150] : memref<327680x8xf32, #tpu.memory_space<hbm>> -> memref<128x8xf32, #tpu.memory_space<hbm>>
      %dma_wait3A_152 = arith.constant 0 : i32
      %dma_wait3A_153 = arith.constant 0 : i32
      %dma_wait3A_154 = tpu.memref_slice %arg6[%dma_wait3A_143, %dma_wait3A_152, %dma_wait3A_153] : memref<2x128x8xf32, #tpu.memory_space<vmem>> -> memref<1x128x8xf32, #tpu.memory_space<vmem>>
      %dma_wait3A_155 = tpu.memref_squeeze %dma_wait3A_154 : memref<1x128x8xf32, #tpu.memory_space<vmem>> -> memref<128x8xf32, #tpu.memory_space<vmem>>
      tpu.wait_dma2 semaphore(%arg8 : memref<!tpu.dma_semaphore, #tpu.memory_space<semaphore_mem>>) src(%dma_wait3A_155 : memref<128x8xf32, #tpu.memory_space<vmem>>) dst(%dma_wait3A_151 : memref<128x8xf32, #tpu.memory_space<hbm>>)
      %scan3A_156 = arith.constant 0 : i32
      scf.yield %scan3A_156 : i32
    }
    %scan3A_49 = arith.constant 40 : i32
    return
  }
}

#map = affine_map<(d0, d1) -> (0, 0)>
#map1 = affine_map<(d0, d1) -> (0)>
module attributes {stable_mosaic.version = 14 : i64} {
  func.func @gather_k(%arg0: i32, %arg1: i32, %arg2: memref<16384x64xf32, #tpu.memory_space<hbm>>, %arg3: memref<327680xi32, #tpu.memory_space<hbm>>, %arg4: memref<327680x64xf32, #tpu.memory_space<hbm>>, %arg5: memref<10240xi32, #tpu.memory_space<vmem>>, %arg6: memref<2x128x64xf32, #tpu.memory_space<vmem>>, %arg7: memref<!tpu.dma_semaphore, #tpu.memory_space<semaphore_mem>>, %arg8: memref<!tpu.dma_semaphore, #tpu.memory_space<semaphore_mem>>) attributes {dimension_semantics = [#tpu.dimension_semantics<core_parallel>, #tpu.dimension_semantics<subcore_parallel>], iteration_bounds = array<i64: 2, 16>, scalar_prefetch = 0 : i64, scratch_operands = 4 : i64, tpu.core_type = #tpu.core_type<sc_vector_subcore>, window_params = [{transform_indices = #map}, {transform_indices = #map1}, {transform_indices = #map}]} {
    %mul3A = arith.constant 2 : i32
    %mul3A_0 = arith.muli %arg1, %mul3A : i32
    %add3A = arith.addi %mul3A_0, %arg0 : i32
    %mul3A_1 = arith.constant 512 : i32
    %mul3A_2 = arith.muli %add3A, %mul3A_1 : i32
    %mul3A_3 = arith.constant 20 : i32
    %mul3A_4 = arith.muli %mul3A_2, %mul3A_3 : i32
    "tpu.region"() ({
      %run_scoped3A = tpu.sem_alloc : memref<!tpu.dma_semaphore, #tpu.memory_space<semaphore_mem>>
      %dma_start3A_50 = tpu.memref_slice %arg3[%mul3A_4] : memref<327680xi32, #tpu.memory_space<hbm>> -> memref<10240xi32, #tpu.memory_space<hbm>>
      %dma_start3A_51 = tpu.memref_slice %arg3[%mul3A_4] : memref<327680xi32, #tpu.memory_space<hbm>> -> memref<10240xi32, #tpu.memory_space<hbm>>
      tpu.enqueue_dma source(%dma_start3A_51 : memref<10240xi32, #tpu.memory_space<hbm>>) target(%arg5 : memref<10240xi32, #tpu.memory_space<vmem>>) target_semaphore(%run_scoped3A : memref<!tpu.dma_semaphore, #tpu.memory_space<semaphore_mem>>)
      %dma_wait3A = tpu.memref_slice %arg3[%mul3A_4] : memref<327680xi32, #tpu.memory_space<hbm>> -> memref<10240xi32, #tpu.memory_space<hbm>>
      %dma_wait3A_52 = tpu.memref_slice %arg3[%mul3A_4] : memref<327680xi32, #tpu.memory_space<hbm>> -> memref<10240xi32, #tpu.memory_space<hbm>>
      tpu.wait_dma2 semaphore(%run_scoped3A : memref<!tpu.dma_semaphore, #tpu.memory_space<semaphore_mem>>) src(%dma_wait3A_52 : memref<10240xi32, #tpu.memory_space<hbm>>) dst(%arg5 : memref<10240xi32, #tpu.memory_space<vmem>>)
      tpu.yield
    }) : () -> ()
    %broadcast_in_dim3A = arith.constant 0 : i32
    %broadcast_in_dim3A_5 = vector.broadcast %broadcast_in_dim3A : i32 to vector<16xi32>
    %jit3A = arith.constant 2048 : i32
    %div3A = arith.divsi %mul3A_2, %jit3A : i32
    %sign3A = arith.constant 0 : i32
    %sign3A_6 = arith.cmpi sgt, %mul3A_2, %sign3A : i32
    %sign3A_7 = arith.extui %sign3A_6 : i1 to i32
    %sign3A_8 = arith.constant 0 : i32
    %sign3A_9 = arith.cmpi slt, %mul3A_2, %sign3A_8 : i32
    %sign3A_10 = arith.extui %sign3A_9 : i1 to i32
    %sign3A_11 = arith.subi %sign3A_7, %sign3A_10 : i32
    %sign3A_12 = arith.constant 0 : i32
    %sign3A_13 = arith.cmpi sgt, %jit3A, %sign3A_12 : i32
    %sign3A_14 = arith.extui %sign3A_13 : i1 to i32
    %sign3A_15 = arith.constant 0 : i32
    %sign3A_16 = arith.cmpi slt, %jit3A, %sign3A_15 : i32
    %sign3A_17 = arith.extui %sign3A_16 : i1 to i32
    %sign3A_18 = arith.subi %sign3A_14, %sign3A_17 : i32
    %ne3A = arith.cmpi ne, %sign3A_11, %sign3A_18 : i32
    %rem3A = arith.remsi %mul3A_2, %jit3A : i32
    %ne3A_19 = arith.constant 0 : i32
    %ne3A_20 = arith.cmpi ne, %rem3A, %ne3A_19 : i32
    %and3A = arith.andi %ne3A, %ne3A_20 : i1
    %sub3A = arith.constant 1 : i32
    %sub3A_21 = arith.subi %div3A, %sub3A : i32
    %select_n3A = arith.select %and3A, %sub3A_21, %div3A : i32
    %mul3A_22 = arith.constant 2048 : i32
    %mul3A_23 = arith.muli %select_n3A, %mul3A_22 : i32
    %add3A_24 = vector.broadcast %mul3A_23 : i32 to vector<16xi32>
    %add3A_25 = arith.addi %broadcast_in_dim3A_5, %add3A_24 : vector<16xi32>
    %scan3A = arith.constant 0 : i32
    %scan3A_26 = arith.constant 0 : i32
    %scan3A_27 = arith.constant 640 : i32
    %scan3A_28 = arith.addi %scan3A_26, %scan3A_27 : i32
    %scan3A_29 = arith.constant 1 : i32
    %scan3A_30 = scf.for %scan3A_50 = %scan3A_26 to %scan3A_28 step %scan3A_29 iter_args(%scan3A_51 = %scan3A) -> (i32)  : i32 {
      %mul3A_52 = arith.constant 16 : i32
      %mul3A_53 = arith.muli %scan3A_50, %mul3A_52 : i32
      %get3A = arith.index_cast %mul3A_53 : i32 to index
      %get3A_54 = tpu.vector_load %arg5[%get3A] {strides = array<i32>} : memref<10240xi32, #tpu.memory_space<vmem>>, vector<16xi32>,
      %get3A_55 = vector.shape_cast %get3A_54 : vector<16xi32> to vector<16xi32>
      %add3A_56 = arith.addi %get3A_55, %add3A_25 : vector<16xi32>
      %mul3A_57 = arith.constant 16 : i32
      %mul3A_58 = arith.muli %scan3A_50, %mul3A_57 : i32
      %swap3A = arith.index_cast %mul3A_58 : i32 to index
      %swap3A_59 = tpu.vector_load %arg5[%swap3A] {strides = array<i32>} : memref<10240xi32, #tpu.memory_space<vmem>>, vector<16xi32>,
      %swap3A_60 = vector.shape_cast %swap3A_59 : vector<16xi32> to vector<16xi32>
      %swap3A_61 = vector.shape_cast %add3A_56 : vector<16xi32> to vector<16xi32>
      tpu.vector_store %arg5[%swap3A], %swap3A_61 {strides = array<i32>} : memref<10240xi32, #tpu.memory_space<vmem>>, vector<16xi32>,
      %scan3A_62 = arith.constant 0 : i32
      scf.yield %scan3A_62 : i32
    }
    %scan3A_31 = arith.constant 640 : i32
    %mul3A_32 = arith.constant 20 : i32
    %mul3A_33 = arith.muli %mul3A_2, %mul3A_32 : i32
    %dma_start3A = arith.constant 0 : i32
    %dma_start3A_34 = arith.constant 0 : i32
    %dma_start3A_35 = arith.constant 0 : i32
    %dma_start3A_36 = tpu.memref_slice %arg6[%dma_start3A, %dma_start3A_34, %dma_start3A_35] : memref<2x128x64xf32, #tpu.memory_space<vmem>> -> memref<1x128x64xf32, #tpu.memory_space<vmem>>
    %dma_start3A_37 = tpu.memref_squeeze %dma_start3A_36 : memref<1x128x64xf32, #tpu.memory_space<vmem>> -> memref<128x64xf32, #tpu.memory_space<vmem>>
    %dma_start3A_38 = arith.constant 0 : i32
    %dma_start3A_39 = tpu.memref_slice %arg5[%dma_start3A_38] : memref<10240xi32, #tpu.memory_space<vmem>> -> memref<128xi32, #tpu.memory_space<vmem>>
    %dma_start3A_40 = arith.constant 0 : i32
    %dma_start3A_41 = arith.constant 0 : i32
    %dma_start3A_42 = tpu.memref_slice %arg2[%dma_start3A_40, %dma_start3A_41] : memref<16384x64xf32, #tpu.memory_space<hbm>> -> memref<16384x64xf32, #tpu.memory_space<hbm>>
    tpu.enqueue_indirect_dma source(%dma_start3A_42 : memref<16384x64xf32, #tpu.memory_space<hbm>>) target(%dma_start3A_37 : memref<128x64xf32, #tpu.memory_space<vmem>>) offsets(%dma_start3A_39 : memref<128xi32, #tpu.memory_space<vmem>>) semaphore(%arg7 : memref<!tpu.dma_semaphore, #tpu.memory_space<semaphore_mem>>)
    %scan3A_43 = arith.constant 0 : i32
    %scan3A_44 = arith.constant 0 : i32
    %scan3A_45 = arith.constant 40 : i32
    %scan3A_46 = arith.addi %scan3A_44, %scan3A_45 : i32
    %scan3A_47 = arith.constant 1 : i32
    %scan3A_48 = scf.for %scan3A_50 = %scan3A_44 to %scan3A_46 step %scan3A_47 iter_args(%scan3A_51 = %scan3A_43) -> (i32)  : i32 {
      %mul3A_52 = arith.constant 2 : i32
      %mul3A_53 = arith.muli %mul3A_52, %scan3A_50 : i32
      %add3A_54 = arith.constant 1 : i32
      %add3A_55 = arith.addi %mul3A_53, %add3A_54 : i32
      %mul3A_56 = arith.constant 128 : i32
      %mul3A_57 = arith.muli %add3A_55, %mul3A_56 : i32
      %dma_start3A_58 = arith.constant 1 : i32
      %dma_start3A_59 = arith.constant 0 : i32
      %dma_start3A_60 = arith.constant 0 : i32
      %dma_start3A_61 = tpu.memref_slice %arg6[%dma_start3A_58, %dma_start3A_59, %dma_start3A_60] : memref<2x128x64xf32, #tpu.memory_space<vmem>> -> memref<1x128x64xf32, #tpu.memory_space<vmem>>
      %dma_start3A_62 = tpu.memref_squeeze %dma_start3A_61 : memref<1x128x64xf32, #tpu.memory_space<vmem>> -> memref<128x64xf32, #tpu.memory_space<vmem>>
      %dma_start3A_63 = tpu.memref_slice %arg5[%mul3A_57] : memref<10240xi32, #tpu.memory_space<vmem>> -> memref<128xi32, #tpu.memory_space<vmem>>
      %dma_start3A_64 = arith.constant 0 : i32
      %dma_start3A_65 = arith.constant 0 : i32
      %dma_start3A_66 = tpu.memref_slice %arg2[%dma_start3A_64, %dma_start3A_65] : memref<16384x64xf32, #tpu.memory_space<hbm>> -> memref<16384x64xf32, #tpu.memory_space<hbm>>
      tpu.enqueue_indirect_dma source(%dma_start3A_66 : memref<16384x64xf32, #tpu.memory_space<hbm>>) target(%dma_start3A_62 : memref<128x64xf32, #tpu.memory_space<vmem>>) offsets(%dma_start3A_63 : memref<128xi32, #tpu.memory_space<vmem>>) semaphore(%arg7 : memref<!tpu.dma_semaphore, #tpu.memory_space<semaphore_mem>>)
      %mul3A_67 = arith.constant 128 : i32
      %mul3A_68 = arith.muli %mul3A_53, %mul3A_67 : i32
      %dma_wait3A = arith.constant 0 : i32
      %dma_wait3A_69 = arith.constant 0 : i32
      %dma_wait3A_70 = arith.constant 0 : i32
      %dma_wait3A_71 = tpu.memref_slice %arg6[%dma_wait3A, %dma_wait3A_69, %dma_wait3A_70] : memref<2x128x64xf32, #tpu.memory_space<vmem>> -> memref<1x128x64xf32, #tpu.memory_space<vmem>>
      %dma_wait3A_72 = tpu.memref_squeeze %dma_wait3A_71 : memref<1x128x64xf32, #tpu.memory_space<vmem>> -> memref<128x64xf32, #tpu.memory_space<vmem>>
      %dma_wait3A_73 = tpu.memref_slice %arg5[%mul3A_68] : memref<10240xi32, #tpu.memory_space<vmem>> -> memref<128xi32, #tpu.memory_space<vmem>>
      %dma_wait3A_74 = arith.constant 0 : i32
      %dma_wait3A_75 = arith.constant 0 : i32
      %dma_wait3A_76 = tpu.memref_slice %arg2[%dma_wait3A_74, %dma_wait3A_75] : memref<16384x64xf32, #tpu.memory_space<hbm>> -> memref<16384x64xf32, #tpu.memory_space<hbm>>
      tpu.wait_indirect_dma semaphore(%arg7 : memref<!tpu.dma_semaphore, #tpu.memory_space<semaphore_mem>>) src(%dma_wait3A_76 : memref<16384x64xf32, #tpu.memory_space<hbm>>) dst(%dma_wait3A_72 : memref<128x64xf32, #tpu.memory_space<vmem>>)
      %mul3A_77 = arith.constant 128 : i32
      %mul3A_78 = arith.muli %mul3A_53, %mul3A_77 : i32
      %add3A_79 = arith.addi %mul3A_33, %mul3A_78 : i32
      %dma_start3A_80 = arith.constant 0 : i32
      %dma_start3A_81 = arith.constant 0 : i32
      %dma_start3A_82 = arith.constant 0 : i32
      %dma_start3A_83 = tpu.memref_slice %arg6[%dma_start3A_80, %dma_start3A_81, %dma_start3A_82] : memref<2x128x64xf32, #tpu.memory_space<vmem>> -> memref<1x128x64xf32, #tpu.memory_space<vmem>>
      %dma_start3A_84 = tpu.memref_squeeze %dma_start3A_83 : memref<1x128x64xf32, #tpu.memory_space<vmem>> -> memref<128x64xf32, #tpu.memory_space<vmem>>
      %dma_start3A_85 = arith.constant 0 : i32
      %dma_start3A_86 = tpu.memref_slice %arg4[%add3A_79, %dma_start3A_85] : memref<327680x64xf32, #tpu.memory_space<hbm>> -> memref<128x64xf32, #tpu.memory_space<hbm>>
      %dma_start3A_87 = arith.constant 0 : i32
      %dma_start3A_88 = tpu.memref_slice %arg4[%add3A_79, %dma_start3A_87] : memref<327680x64xf32, #tpu.memory_space<hbm>> -> memref<128x64xf32, #tpu.memory_space<hbm>>
      %dma_start3A_89 = arith.constant 0 : i32
      %dma_start3A_90 = arith.constant 0 : i32
      %dma_start3A_91 = tpu.memref_slice %arg6[%dma_start3A_80, %dma_start3A_89, %dma_start3A_90] : memref<2x128x64xf32, #tpu.memory_space<vmem>> -> memref<1x128x64xf32, #tpu.memory_space<vmem>>
      %dma_start3A_92 = tpu.memref_squeeze %dma_start3A_91 : memref<1x128x64xf32, #tpu.memory_space<vmem>> -> memref<128x64xf32, #tpu.memory_space<vmem>>
      tpu.enqueue_dma source(%dma_start3A_92 : memref<128x64xf32, #tpu.memory_space<vmem>>) target(%dma_start3A_88 : memref<128x64xf32, #tpu.memory_space<hbm>>) target_semaphore(%arg8 : memref<!tpu.dma_semaphore, #tpu.memory_space<semaphore_mem>>)
      %mul3A_93 = arith.constant 128 : i32
      %mul3A_94 = arith.muli %mul3A_53, %mul3A_93 : i32
      %add3A_95 = arith.addi %mul3A_33, %mul3A_94 : i32
      %dma_wait3A_96 = arith.constant 0 : i32
      %dma_wait3A_97 = arith.constant 0 : i32
      %dma_wait3A_98 = arith.constant 0 : i32
      %dma_wait3A_99 = tpu.memref_slice %arg6[%dma_wait3A_96, %dma_wait3A_97, %dma_wait3A_98] : memref<2x128x64xf32, #tpu.memory_space<vmem>> -> memref<1x128x64xf32, #tpu.memory_space<vmem>>
      %dma_wait3A_100 = tpu.memref_squeeze %dma_wait3A_99 : memref<1x128x64xf32, #tpu.memory_space<vmem>> -> memref<128x64xf32, #tpu.memory_space<vmem>>
      %dma_wait3A_101 = arith.constant 0 : i32
      %dma_wait3A_102 = tpu.memref_slice %arg4[%add3A_95, %dma_wait3A_101] : memref<327680x64xf32, #tpu.memory_space<hbm>> -> memref<128x64xf32, #tpu.memory_space<hbm>>
      %dma_wait3A_103 = arith.constant 0 : i32
      %dma_wait3A_104 = tpu.memref_slice %arg4[%add3A_95, %dma_wait3A_103] : memref<327680x64xf32, #tpu.memory_space<hbm>> -> memref<128x64xf32, #tpu.memory_space<hbm>>
      %dma_wait3A_105 = arith.constant 0 : i32
      %dma_wait3A_106 = arith.constant 0 : i32
      %dma_wait3A_107 = tpu.memref_slice %arg6[%dma_wait3A_96, %dma_wait3A_105, %dma_wait3A_106] : memref<2x128x64xf32, #tpu.memory_space<vmem>> -> memref<1x128x64xf32, #tpu.memory_space<vmem>>
      %dma_wait3A_108 = tpu.memref_squeeze %dma_wait3A_107 : memref<1x128x64xf32, #tpu.memory_space<vmem>> -> memref<128x64xf32, #tpu.memory_space<vmem>>
      tpu.wait_dma2 semaphore(%arg8 : memref<!tpu.dma_semaphore, #tpu.memory_space<semaphore_mem>>) src(%dma_wait3A_108 : memref<128x64xf32, #tpu.memory_space<vmem>>) dst(%dma_wait3A_104 : memref<128x64xf32, #tpu.memory_space<hbm>>)
      %add3A_109 = arith.constant 2 : i32
      %add3A_110 = arith.addi %mul3A_53, %add3A_109 : i32
      %lt3A = arith.constant 80 : i32
      %lt3A_111 = arith.cmpi slt, %add3A_110, %lt3A : i32
      %convert_element_type3A = arith.extui %lt3A_111 : i1 to i32
      %cond3A = arith.constant 0 : i32
      %cond3A_112 = arith.cmpi ne, %convert_element_type3A, %cond3A : i32
      scf.if %cond3A_112 {
        %add3A_157 = arith.constant 2 : i32
        %add3A_158 = arith.addi %mul3A_53, %add3A_157 : i32
        %mul3A_159 = arith.constant 128 : i32
        %mul3A_160 = arith.muli %add3A_158, %mul3A_159 : i32
        %dma_start3A_161 = arith.constant 0 : i32
        %dma_start3A_162 = arith.constant 0 : i32
        %dma_start3A_163 = arith.constant 0 : i32
        %dma_start3A_164 = tpu.memref_slice %arg6[%dma_start3A_161, %dma_start3A_162, %dma_start3A_163] : memref<2x128x64xf32, #tpu.memory_space<vmem>> -> memref<1x128x64xf32, #tpu.memory_space<vmem>>
        %dma_start3A_165 = tpu.memref_squeeze %dma_start3A_164 : memref<1x128x64xf32, #tpu.memory_space<vmem>> -> memref<128x64xf32, #tpu.memory_space<vmem>>
        %dma_start3A_166 = tpu.memref_slice %arg5[%mul3A_160] : memref<10240xi32, #tpu.memory_space<vmem>> -> memref<128xi32, #tpu.memory_space<vmem>>
        %dma_start3A_167 = arith.constant 0 : i32
        %dma_start3A_168 = arith.constant 0 : i32
        %dma_start3A_169 = tpu.memref_slice %arg2[%dma_start3A_167, %dma_start3A_168] : memref<16384x64xf32, #tpu.memory_space<hbm>> -> memref<16384x64xf32, #tpu.memory_space<hbm>>
        tpu.enqueue_indirect_dma source(%dma_start3A_169 : memref<16384x64xf32, #tpu.memory_space<hbm>>) target(%dma_start3A_165 : memref<128x64xf32, #tpu.memory_space<vmem>>) offsets(%dma_start3A_166 : memref<128xi32, #tpu.memory_space<vmem>>) semaphore(%arg7 : memref<!tpu.dma_semaphore, #tpu.memory_space<semaphore_mem>>)
      } else {
      }
      %mul3A_113 = arith.constant 128 : i32
      %mul3A_114 = arith.muli %add3A_55, %mul3A_113 : i32
      %dma_wait3A_115 = arith.constant 1 : i32
      %dma_wait3A_116 = arith.constant 0 : i32
      %dma_wait3A_117 = arith.constant 0 : i32
      %dma_wait3A_118 = tpu.memref_slice %arg6[%dma_wait3A_115, %dma_wait3A_116, %dma_wait3A_117] : memref<2x128x64xf32, #tpu.memory_space<vmem>> -> memref<1x128x64xf32, #tpu.memory_space<vmem>>
      %dma_wait3A_119 = tpu.memref_squeeze %dma_wait3A_118 : memref<1x128x64xf32, #tpu.memory_space<vmem>> -> memref<128x64xf32, #tpu.memory_space<vmem>>
      %dma_wait3A_120 = tpu.memref_slice %arg5[%mul3A_114] : memref<10240xi32, #tpu.memory_space<vmem>> -> memref<128xi32, #tpu.memory_space<vmem>>
      %dma_wait3A_121 = arith.constant 0 : i32
      %dma_wait3A_122 = arith.constant 0 : i32
      %dma_wait3A_123 = tpu.memref_slice %arg2[%dma_wait3A_121, %dma_wait3A_122] : memref<16384x64xf32, #tpu.memory_space<hbm>> -> memref<16384x64xf32, #tpu.memory_space<hbm>>
      tpu.wait_indirect_dma semaphore(%arg7 : memref<!tpu.dma_semaphore, #tpu.memory_space<semaphore_mem>>) src(%dma_wait3A_123 : memref<16384x64xf32, #tpu.memory_space<hbm>>) dst(%dma_wait3A_119 : memref<128x64xf32, #tpu.memory_space<vmem>>)
      %mul3A_124 = arith.constant 128 : i32
      %mul3A_125 = arith.muli %add3A_55, %mul3A_124 : i32
      %add3A_126 = arith.addi %mul3A_33, %mul3A_125 : i32
      %dma_start3A_127 = arith.constant 1 : i32
      %dma_start3A_128 = arith.constant 0 : i32
      %dma_start3A_129 = arith.constant 0 : i32
      %dma_start3A_130 = tpu.memref_slice %arg6[%dma_start3A_127, %dma_start3A_128, %dma_start3A_129] : memref<2x128x64xf32, #tpu.memory_space<vmem>> -> memref<1x128x64xf32, #tpu.memory_space<vmem>>
      %dma_start3A_131 = tpu.memref_squeeze %dma_start3A_130 : memref<1x128x64xf32, #tpu.memory_space<vmem>> -> memref<128x64xf32, #tpu.memory_space<vmem>>
      %dma_start3A_132 = arith.constant 0 : i32
      %dma_start3A_133 = tpu.memref_slice %arg4[%add3A_126, %dma_start3A_132] : memref<327680x64xf32, #tpu.memory_space<hbm>> -> memref<128x64xf32, #tpu.memory_space<hbm>>
      %dma_start3A_134 = arith.constant 0 : i32
      %dma_start3A_135 = tpu.memref_slice %arg4[%add3A_126, %dma_start3A_134] : memref<327680x64xf32, #tpu.memory_space<hbm>> -> memref<128x64xf32, #tpu.memory_space<hbm>>
      %dma_start3A_136 = arith.constant 0 : i32
      %dma_start3A_137 = arith.constant 0 : i32
      %dma_start3A_138 = tpu.memref_slice %arg6[%dma_start3A_127, %dma_start3A_136, %dma_start3A_137] : memref<2x128x64xf32, #tpu.memory_space<vmem>> -> memref<1x128x64xf32, #tpu.memory_space<vmem>>
      %dma_start3A_139 = tpu.memref_squeeze %dma_start3A_138 : memref<1x128x64xf32, #tpu.memory_space<vmem>> -> memref<128x64xf32, #tpu.memory_space<vmem>>
      tpu.enqueue_dma source(%dma_start3A_139 : memref<128x64xf32, #tpu.memory_space<vmem>>) target(%dma_start3A_135 : memref<128x64xf32, #tpu.memory_space<hbm>>) target_semaphore(%arg8 : memref<!tpu.dma_semaphore, #tpu.memory_space<semaphore_mem>>)
      %mul3A_140 = arith.constant 128 : i32
      %mul3A_141 = arith.muli %add3A_55, %mul3A_140 : i32
      %add3A_142 = arith.addi %mul3A_33, %mul3A_141 : i32
      %dma_wait3A_143 = arith.constant 1 : i32
      %dma_wait3A_144 = arith.constant 0 : i32
      %dma_wait3A_145 = arith.constant 0 : i32
      %dma_wait3A_146 = tpu.memref_slice %arg6[%dma_wait3A_143, %dma_wait3A_144, %dma_wait3A_145] : memref<2x128x64xf32, #tpu.memory_space<vmem>> -> memref<1x128x64xf32, #tpu.memory_space<vmem>>
      %dma_wait3A_147 = tpu.memref_squeeze %dma_wait3A_146 : memref<1x128x64xf32, #tpu.memory_space<vmem>> -> memref<128x64xf32, #tpu.memory_space<vmem>>
      %dma_wait3A_148 = arith.constant 0 : i32
      %dma_wait3A_149 = tpu.memref_slice %arg4[%add3A_142, %dma_wait3A_148] : memref<327680x64xf32, #tpu.memory_space<hbm>> -> memref<128x64xf32, #tpu.memory_space<hbm>>
      %dma_wait3A_150 = arith.constant 0 : i32
      %dma_wait3A_151 = tpu.memref_slice %arg4[%add3A_142, %dma_wait3A_150] : memref<327680x64xf32, #tpu.memory_space<hbm>> -> memref<128x64xf32, #tpu.memory_space<hbm>>
      %dma_wait3A_152 = arith.constant 0 : i32
      %dma_wait3A_153 = arith.constant 0 : i32
      %dma_wait3A_154 = tpu.memref_slice %arg6[%dma_wait3A_143, %dma_wait3A_152, %dma_wait3A_153] : memref<2x128x64xf32, #tpu.memory_space<vmem>> -> memref<1x128x64xf32, #tpu.memory_space<vmem>>
      %dma_wait3A_155 = tpu.memref_squeeze %dma_wait3A_154 : memref<1x128x64xf32, #tpu.memory_space<vmem>> -> memref<128x64xf32, #tpu.memory_space<vmem>>
      tpu.wait_dma2 semaphore(%arg8 : memref<!tpu.dma_semaphore, #tpu.memory_space<semaphore_mem>>) src(%dma_wait3A_155 : memref<128x64xf32, #tpu.memory_space<vmem>>) dst(%dma_wait3A_151 : memref<128x64xf32, #tpu.memory_space<hbm>>)
      %scan3A_156 = arith.constant 0 : i32
      scf.yield %scan3A_156 : i32
    }
    %scan3A_49 = arith.constant 40 : i32
    return
  }
}

#map = affine_map<(d0, d1) -> (0, 0)>
#map1 = affine_map<(d0, d1) -> (0)>
module attributes {stable_mosaic.version = 14 : i64} {
  func.func @gather_k(%arg0: i32, %arg1: i32, %arg2: memref<16384x128xf32, #tpu.memory_space<hbm>>, %arg3: memref<327680xi32, #tpu.memory_space<hbm>>, %arg4: memref<327680x128xf32, #tpu.memory_space<hbm>>, %arg5: memref<10240xi32, #tpu.memory_space<vmem>>, %arg6: memref<2x128x128xf32, #tpu.memory_space<vmem>>, %arg7: memref<!tpu.dma_semaphore, #tpu.memory_space<semaphore_mem>>, %arg8: memref<!tpu.dma_semaphore, #tpu.memory_space<semaphore_mem>>) attributes {dimension_semantics = [#tpu.dimension_semantics<core_parallel>, #tpu.dimension_semantics<subcore_parallel>], iteration_bounds = array<i64: 2, 16>, scalar_prefetch = 0 : i64, scratch_operands = 4 : i64, tpu.core_type = #tpu.core_type<sc_vector_subcore>, window_params = [{transform_indices = #map}, {transform_indices = #map1}, {transform_indices = #map}]} {
    %mul3A = arith.constant 2 : i32
    %mul3A_0 = arith.muli %arg1, %mul3A : i32
    %add3A = arith.addi %mul3A_0, %arg0 : i32
    %mul3A_1 = arith.constant 512 : i32
    %mul3A_2 = arith.muli %add3A, %mul3A_1 : i32
    %mul3A_3 = arith.constant 20 : i32
    %mul3A_4 = arith.muli %mul3A_2, %mul3A_3 : i32
    "tpu.region"() ({
      %run_scoped3A = tpu.sem_alloc : memref<!tpu.dma_semaphore, #tpu.memory_space<semaphore_mem>>
      %dma_start3A_50 = tpu.memref_slice %arg3[%mul3A_4] : memref<327680xi32, #tpu.memory_space<hbm>> -> memref<10240xi32, #tpu.memory_space<hbm>>
      %dma_start3A_51 = tpu.memref_slice %arg3[%mul3A_4] : memref<327680xi32, #tpu.memory_space<hbm>> -> memref<10240xi32, #tpu.memory_space<hbm>>
      tpu.enqueue_dma source(%dma_start3A_51 : memref<10240xi32, #tpu.memory_space<hbm>>) target(%arg5 : memref<10240xi32, #tpu.memory_space<vmem>>) target_semaphore(%run_scoped3A : memref<!tpu.dma_semaphore, #tpu.memory_space<semaphore_mem>>)
      %dma_wait3A = tpu.memref_slice %arg3[%mul3A_4] : memref<327680xi32, #tpu.memory_space<hbm>> -> memref<10240xi32, #tpu.memory_space<hbm>>
      %dma_wait3A_52 = tpu.memref_slice %arg3[%mul3A_4] : memref<327680xi32, #tpu.memory_space<hbm>> -> memref<10240xi32, #tpu.memory_space<hbm>>
      tpu.wait_dma2 semaphore(%run_scoped3A : memref<!tpu.dma_semaphore, #tpu.memory_space<semaphore_mem>>) src(%dma_wait3A_52 : memref<10240xi32, #tpu.memory_space<hbm>>) dst(%arg5 : memref<10240xi32, #tpu.memory_space<vmem>>)
      tpu.yield
    }) : () -> ()
    %broadcast_in_dim3A = arith.constant 0 : i32
    %broadcast_in_dim3A_5 = vector.broadcast %broadcast_in_dim3A : i32 to vector<16xi32>
    %jit3A = arith.constant 2048 : i32
    %div3A = arith.divsi %mul3A_2, %jit3A : i32
    %sign3A = arith.constant 0 : i32
    %sign3A_6 = arith.cmpi sgt, %mul3A_2, %sign3A : i32
    %sign3A_7 = arith.extui %sign3A_6 : i1 to i32
    %sign3A_8 = arith.constant 0 : i32
    %sign3A_9 = arith.cmpi slt, %mul3A_2, %sign3A_8 : i32
    %sign3A_10 = arith.extui %sign3A_9 : i1 to i32
    %sign3A_11 = arith.subi %sign3A_7, %sign3A_10 : i32
    %sign3A_12 = arith.constant 0 : i32
    %sign3A_13 = arith.cmpi sgt, %jit3A, %sign3A_12 : i32
    %sign3A_14 = arith.extui %sign3A_13 : i1 to i32
    %sign3A_15 = arith.constant 0 : i32
    %sign3A_16 = arith.cmpi slt, %jit3A, %sign3A_15 : i32
    %sign3A_17 = arith.extui %sign3A_16 : i1 to i32
    %sign3A_18 = arith.subi %sign3A_14, %sign3A_17 : i32
    %ne3A = arith.cmpi ne, %sign3A_11, %sign3A_18 : i32
    %rem3A = arith.remsi %mul3A_2, %jit3A : i32
    %ne3A_19 = arith.constant 0 : i32
    %ne3A_20 = arith.cmpi ne, %rem3A, %ne3A_19 : i32
    %and3A = arith.andi %ne3A, %ne3A_20 : i1
    %sub3A = arith.constant 1 : i32
    %sub3A_21 = arith.subi %div3A, %sub3A : i32
    %select_n3A = arith.select %and3A, %sub3A_21, %div3A : i32
    %mul3A_22 = arith.constant 2048 : i32
    %mul3A_23 = arith.muli %select_n3A, %mul3A_22 : i32
    %add3A_24 = vector.broadcast %mul3A_23 : i32 to vector<16xi32>
    %add3A_25 = arith.addi %broadcast_in_dim3A_5, %add3A_24 : vector<16xi32>
    %scan3A = arith.constant 0 : i32
    %scan3A_26 = arith.constant 0 : i32
    %scan3A_27 = arith.constant 640 : i32
    %scan3A_28 = arith.addi %scan3A_26, %scan3A_27 : i32
    %scan3A_29 = arith.constant 1 : i32
    %scan3A_30 = scf.for %scan3A_50 = %scan3A_26 to %scan3A_28 step %scan3A_29 iter_args(%scan3A_51 = %scan3A) -> (i32)  : i32 {
      %mul3A_52 = arith.constant 16 : i32
      %mul3A_53 = arith.muli %scan3A_50, %mul3A_52 : i32
      %get3A = arith.index_cast %mul3A_53 : i32 to index
      %get3A_54 = tpu.vector_load %arg5[%get3A] {strides = array<i32>} : memref<10240xi32, #tpu.memory_space<vmem>>, vector<16xi32>,
      %get3A_55 = vector.shape_cast %get3A_54 : vector<16xi32> to vector<16xi32>
      %add3A_56 = arith.addi %get3A_55, %add3A_25 : vector<16xi32>
      %mul3A_57 = arith.constant 16 : i32
      %mul3A_58 = arith.muli %scan3A_50, %mul3A_57 : i32
      %swap3A = arith.index_cast %mul3A_58 : i32 to index
      %swap3A_59 = tpu.vector_load %arg5[%swap3A] {strides = array<i32>} : memref<10240xi32, #tpu.memory_space<vmem>>, vector<16xi32>,
      %swap3A_60 = vector.shape_cast %swap3A_59 : vector<16xi32> to vector<16xi32>
      %swap3A_61 = vector.shape_cast %add3A_56 : vector<16xi32> to vector<16xi32>
      tpu.vector_store %arg5[%swap3A], %swap3A_61 {strides = array<i32>} : memref<10240xi32, #tpu.memory_space<vmem>>, vector<16xi32>,
      %scan3A_62 = arith.constant 0 : i32
      scf.yield %scan3A_62 : i32
    }
    %scan3A_31 = arith.constant 640 : i32
    %mul3A_32 = arith.constant 20 : i32
    %mul3A_33 = arith.muli %mul3A_2, %mul3A_32 : i32
    %dma_start3A = arith.constant 0 : i32
    %dma_start3A_34 = arith.constant 0 : i32
    %dma_start3A_35 = arith.constant 0 : i32
    %dma_start3A_36 = tpu.memref_slice %arg6[%dma_start3A, %dma_start3A_34, %dma_start3A_35] : memref<2x128x128xf32, #tpu.memory_space<vmem>> -> memref<1x128x128xf32, #tpu.memory_space<vmem>>
    %dma_start3A_37 = tpu.memref_squeeze %dma_start3A_36 : memref<1x128x128xf32, #tpu.memory_space<vmem>> -> memref<128x128xf32, #tpu.memory_space<vmem>>
    %dma_start3A_38 = arith.constant 0 : i32
    %dma_start3A_39 = tpu.memref_slice %arg5[%dma_start3A_38] : memref<10240xi32, #tpu.memory_space<vmem>> -> memref<128xi32, #tpu.memory_space<vmem>>
    %dma_start3A_40 = arith.constant 0 : i32
    %dma_start3A_41 = arith.constant 0 : i32
    %dma_start3A_42 = tpu.memref_slice %arg2[%dma_start3A_40, %dma_start3A_41] : memref<16384x128xf32, #tpu.memory_space<hbm>> -> memref<16384x128xf32, #tpu.memory_space<hbm>>
    tpu.enqueue_indirect_dma source(%dma_start3A_42 : memref<16384x128xf32, #tpu.memory_space<hbm>>) target(%dma_start3A_37 : memref<128x128xf32, #tpu.memory_space<vmem>>) offsets(%dma_start3A_39 : memref<128xi32, #tpu.memory_space<vmem>>) semaphore(%arg7 : memref<!tpu.dma_semaphore, #tpu.memory_space<semaphore_mem>>)
    %scan3A_43 = arith.constant 0 : i32
    %scan3A_44 = arith.constant 0 : i32
    %scan3A_45 = arith.constant 40 : i32
    %scan3A_46 = arith.addi %scan3A_44, %scan3A_45 : i32
    %scan3A_47 = arith.constant 1 : i32
    %scan3A_48 = scf.for %scan3A_50 = %scan3A_44 to %scan3A_46 step %scan3A_47 iter_args(%scan3A_51 = %scan3A_43) -> (i32)  : i32 {
      %mul3A_52 = arith.constant 2 : i32
      %mul3A_53 = arith.muli %mul3A_52, %scan3A_50 : i32
      %add3A_54 = arith.constant 1 : i32
      %add3A_55 = arith.addi %mul3A_53, %add3A_54 : i32
      %mul3A_56 = arith.constant 128 : i32
      %mul3A_57 = arith.muli %add3A_55, %mul3A_56 : i32
      %dma_start3A_58 = arith.constant 1 : i32
      %dma_start3A_59 = arith.constant 0 : i32
      %dma_start3A_60 = arith.constant 0 : i32
      %dma_start3A_61 = tpu.memref_slice %arg6[%dma_start3A_58, %dma_start3A_59, %dma_start3A_60] : memref<2x128x128xf32, #tpu.memory_space<vmem>> -> memref<1x128x128xf32, #tpu.memory_space<vmem>>
      %dma_start3A_62 = tpu.memref_squeeze %dma_start3A_61 : memref<1x128x128xf32, #tpu.memory_space<vmem>> -> memref<128x128xf32, #tpu.memory_space<vmem>>
      %dma_start3A_63 = tpu.memref_slice %arg5[%mul3A_57] : memref<10240xi32, #tpu.memory_space<vmem>> -> memref<128xi32, #tpu.memory_space<vmem>>
      %dma_start3A_64 = arith.constant 0 : i32
      %dma_start3A_65 = arith.constant 0 : i32
      %dma_start3A_66 = tpu.memref_slice %arg2[%dma_start3A_64, %dma_start3A_65] : memref<16384x128xf32, #tpu.memory_space<hbm>> -> memref<16384x128xf32, #tpu.memory_space<hbm>>
      tpu.enqueue_indirect_dma source(%dma_start3A_66 : memref<16384x128xf32, #tpu.memory_space<hbm>>) target(%dma_start3A_62 : memref<128x128xf32, #tpu.memory_space<vmem>>) offsets(%dma_start3A_63 : memref<128xi32, #tpu.memory_space<vmem>>) semaphore(%arg7 : memref<!tpu.dma_semaphore, #tpu.memory_space<semaphore_mem>>)
      %mul3A_67 = arith.constant 128 : i32
      %mul3A_68 = arith.muli %mul3A_53, %mul3A_67 : i32
      %dma_wait3A = arith.constant 0 : i32
      %dma_wait3A_69 = arith.constant 0 : i32
      %dma_wait3A_70 = arith.constant 0 : i32
      %dma_wait3A_71 = tpu.memref_slice %arg6[%dma_wait3A, %dma_wait3A_69, %dma_wait3A_70] : memref<2x128x128xf32, #tpu.memory_space<vmem>> -> memref<1x128x128xf32, #tpu.memory_space<vmem>>
      %dma_wait3A_72 = tpu.memref_squeeze %dma_wait3A_71 : memref<1x128x128xf32, #tpu.memory_space<vmem>> -> memref<128x128xf32, #tpu.memory_space<vmem>>
      %dma_wait3A_73 = tpu.memref_slice %arg5[%mul3A_68] : memref<10240xi32, #tpu.memory_space<vmem>> -> memref<128xi32, #tpu.memory_space<vmem>>
      %dma_wait3A_74 = arith.constant 0 : i32
      %dma_wait3A_75 = arith.constant 0 : i32
      %dma_wait3A_76 = tpu.memref_slice %arg2[%dma_wait3A_74, %dma_wait3A_75] : memref<16384x128xf32, #tpu.memory_space<hbm>> -> memref<16384x128xf32, #tpu.memory_space<hbm>>
      tpu.wait_indirect_dma semaphore(%arg7 : memref<!tpu.dma_semaphore, #tpu.memory_space<semaphore_mem>>) src(%dma_wait3A_76 : memref<16384x128xf32, #tpu.memory_space<hbm>>) dst(%dma_wait3A_72 : memref<128x128xf32, #tpu.memory_space<vmem>>)
      %mul3A_77 = arith.constant 128 : i32
      %mul3A_78 = arith.muli %mul3A_53, %mul3A_77 : i32
      %add3A_79 = arith.addi %mul3A_33, %mul3A_78 : i32
      %dma_start3A_80 = arith.constant 0 : i32
      %dma_start3A_81 = arith.constant 0 : i32
      %dma_start3A_82 = arith.constant 0 : i32
      %dma_start3A_83 = tpu.memref_slice %arg6[%dma_start3A_80, %dma_start3A_81, %dma_start3A_82] : memref<2x128x128xf32, #tpu.memory_space<vmem>> -> memref<1x128x128xf32, #tpu.memory_space<vmem>>
      %dma_start3A_84 = tpu.memref_squeeze %dma_start3A_83 : memref<1x128x128xf32, #tpu.memory_space<vmem>> -> memref<128x128xf32, #tpu.memory_space<vmem>>
      %dma_start3A_85 = arith.constant 0 : i32
      %dma_start3A_86 = tpu.memref_slice %arg4[%add3A_79, %dma_start3A_85] : memref<327680x128xf32, #tpu.memory_space<hbm>> -> memref<128x128xf32, #tpu.memory_space<hbm>>
      %dma_start3A_87 = arith.constant 0 : i32
      %dma_start3A_88 = tpu.memref_slice %arg4[%add3A_79, %dma_start3A_87] : memref<327680x128xf32, #tpu.memory_space<hbm>> -> memref<128x128xf32, #tpu.memory_space<hbm>>
      %dma_start3A_89 = arith.constant 0 : i32
      %dma_start3A_90 = arith.constant 0 : i32
      %dma_start3A_91 = tpu.memref_slice %arg6[%dma_start3A_80, %dma_start3A_89, %dma_start3A_90] : memref<2x128x128xf32, #tpu.memory_space<vmem>> -> memref<1x128x128xf32, #tpu.memory_space<vmem>>
      %dma_start3A_92 = tpu.memref_squeeze %dma_start3A_91 : memref<1x128x128xf32, #tpu.memory_space<vmem>> -> memref<128x128xf32, #tpu.memory_space<vmem>>
      tpu.enqueue_dma source(%dma_start3A_92 : memref<128x128xf32, #tpu.memory_space<vmem>>) target(%dma_start3A_88 : memref<128x128xf32, #tpu.memory_space<hbm>>) target_semaphore(%arg8 : memref<!tpu.dma_semaphore, #tpu.memory_space<semaphore_mem>>)
      %mul3A_93 = arith.constant 128 : i32
      %mul3A_94 = arith.muli %mul3A_53, %mul3A_93 : i32
      %add3A_95 = arith.addi %mul3A_33, %mul3A_94 : i32
      %dma_wait3A_96 = arith.constant 0 : i32
      %dma_wait3A_97 = arith.constant 0 : i32
      %dma_wait3A_98 = arith.constant 0 : i32
      %dma_wait3A_99 = tpu.memref_slice %arg6[%dma_wait3A_96, %dma_wait3A_97, %dma_wait3A_98] : memref<2x128x128xf32, #tpu.memory_space<vmem>> -> memref<1x128x128xf32, #tpu.memory_space<vmem>>
      %dma_wait3A_100 = tpu.memref_squeeze %dma_wait3A_99 : memref<1x128x128xf32, #tpu.memory_space<vmem>> -> memref<128x128xf32, #tpu.memory_space<vmem>>
      %dma_wait3A_101 = arith.constant 0 : i32
      %dma_wait3A_102 = tpu.memref_slice %arg4[%add3A_95, %dma_wait3A_101] : memref<327680x128xf32, #tpu.memory_space<hbm>> -> memref<128x128xf32, #tpu.memory_space<hbm>>
      %dma_wait3A_103 = arith.constant 0 : i32
      %dma_wait3A_104 = tpu.memref_slice %arg4[%add3A_95, %dma_wait3A_103] : memref<327680x128xf32, #tpu.memory_space<hbm>> -> memref<128x128xf32, #tpu.memory_space<hbm>>
      %dma_wait3A_105 = arith.constant 0 : i32
      %dma_wait3A_106 = arith.constant 0 : i32
      %dma_wait3A_107 = tpu.memref_slice %arg6[%dma_wait3A_96, %dma_wait3A_105, %dma_wait3A_106] : memref<2x128x128xf32, #tpu.memory_space<vmem>> -> memref<1x128x128xf32, #tpu.memory_space<vmem>>
      %dma_wait3A_108 = tpu.memref_squeeze %dma_wait3A_107 : memref<1x128x128xf32, #tpu.memory_space<vmem>> -> memref<128x128xf32, #tpu.memory_space<vmem>>
      tpu.wait_dma2 semaphore(%arg8 : memref<!tpu.dma_semaphore, #tpu.memory_space<semaphore_mem>>) src(%dma_wait3A_108 : memref<128x128xf32, #tpu.memory_space<vmem>>) dst(%dma_wait3A_104 : memref<128x128xf32, #tpu.memory_space<hbm>>)
      %add3A_109 = arith.constant 2 : i32
      %add3A_110 = arith.addi %mul3A_53, %add3A_109 : i32
      %lt3A = arith.constant 80 : i32
      %lt3A_111 = arith.cmpi slt, %add3A_110, %lt3A : i32
      %convert_element_type3A = arith.extui %lt3A_111 : i1 to i32
      %cond3A = arith.constant 0 : i32
      %cond3A_112 = arith.cmpi ne, %convert_element_type3A, %cond3A : i32
      scf.if %cond3A_112 {
        %add3A_157 = arith.constant 2 : i32
        %add3A_158 = arith.addi %mul3A_53, %add3A_157 : i32
        %mul3A_159 = arith.constant 128 : i32
        %mul3A_160 = arith.muli %add3A_158, %mul3A_159 : i32
        %dma_start3A_161 = arith.constant 0 : i32
        %dma_start3A_162 = arith.constant 0 : i32
        %dma_start3A_163 = arith.constant 0 : i32
        %dma_start3A_164 = tpu.memref_slice %arg6[%dma_start3A_161, %dma_start3A_162, %dma_start3A_163] : memref<2x128x128xf32, #tpu.memory_space<vmem>> -> memref<1x128x128xf32, #tpu.memory_space<vmem>>
        %dma_start3A_165 = tpu.memref_squeeze %dma_start3A_164 : memref<1x128x128xf32, #tpu.memory_space<vmem>> -> memref<128x128xf32, #tpu.memory_space<vmem>>
        %dma_start3A_166 = tpu.memref_slice %arg5[%mul3A_160] : memref<10240xi32, #tpu.memory_space<vmem>> -> memref<128xi32, #tpu.memory_space<vmem>>
        %dma_start3A_167 = arith.constant 0 : i32
        %dma_start3A_168 = arith.constant 0 : i32
        %dma_start3A_169 = tpu.memref_slice %arg2[%dma_start3A_167, %dma_start3A_168] : memref<16384x128xf32, #tpu.memory_space<hbm>> -> memref<16384x128xf32, #tpu.memory_space<hbm>>
        tpu.enqueue_indirect_dma source(%dma_start3A_169 : memref<16384x128xf32, #tpu.memory_space<hbm>>) target(%dma_start3A_165 : memref<128x128xf32, #tpu.memory_space<vmem>>) offsets(%dma_start3A_166 : memref<128xi32, #tpu.memory_space<vmem>>) semaphore(%arg7 : memref<!tpu.dma_semaphore, #tpu.memory_space<semaphore_mem>>)
      } else {
      }
      %mul3A_113 = arith.constant 128 : i32
      %mul3A_114 = arith.muli %add3A_55, %mul3A_113 : i32
      %dma_wait3A_115 = arith.constant 1 : i32
      %dma_wait3A_116 = arith.constant 0 : i32
      %dma_wait3A_117 = arith.constant 0 : i32
      %dma_wait3A_118 = tpu.memref_slice %arg6[%dma_wait3A_115, %dma_wait3A_116, %dma_wait3A_117] : memref<2x128x128xf32, #tpu.memory_space<vmem>> -> memref<1x128x128xf32, #tpu.memory_space<vmem>>
      %dma_wait3A_119 = tpu.memref_squeeze %dma_wait3A_118 : memref<1x128x128xf32, #tpu.memory_space<vmem>> -> memref<128x128xf32, #tpu.memory_space<vmem>>
      %dma_wait3A_120 = tpu.memref_slice %arg5[%mul3A_114] : memref<10240xi32, #tpu.memory_space<vmem>> -> memref<128xi32, #tpu.memory_space<vmem>>
      %dma_wait3A_121 = arith.constant 0 : i32
      %dma_wait3A_122 = arith.constant 0 : i32
      %dma_wait3A_123 = tpu.memref_slice %arg2[%dma_wait3A_121, %dma_wait3A_122] : memref<16384x128xf32, #tpu.memory_space<hbm>> -> memref<16384x128xf32, #tpu.memory_space<hbm>>
      tpu.wait_indirect_dma semaphore(%arg7 : memref<!tpu.dma_semaphore, #tpu.memory_space<semaphore_mem>>) src(%dma_wait3A_123 : memref<16384x128xf32, #tpu.memory_space<hbm>>) dst(%dma_wait3A_119 : memref<128x128xf32, #tpu.memory_space<vmem>>)
      %mul3A_124 = arith.constant 128 : i32
      %mul3A_125 = arith.muli %add3A_55, %mul3A_124 : i32
      %add3A_126 = arith.addi %mul3A_33, %mul3A_125 : i32
      %dma_start3A_127 = arith.constant 1 : i32
      %dma_start3A_128 = arith.constant 0 : i32
      %dma_start3A_129 = arith.constant 0 : i32
      %dma_start3A_130 = tpu.memref_slice %arg6[%dma_start3A_127, %dma_start3A_128, %dma_start3A_129] : memref<2x128x128xf32, #tpu.memory_space<vmem>> -> memref<1x128x128xf32, #tpu.memory_space<vmem>>
      %dma_start3A_131 = tpu.memref_squeeze %dma_start3A_130 : memref<1x128x128xf32, #tpu.memory_space<vmem>> -> memref<128x128xf32, #tpu.memory_space<vmem>>
      %dma_start3A_132 = arith.constant 0 : i32
      %dma_start3A_133 = tpu.memref_slice %arg4[%add3A_126, %dma_start3A_132] : memref<327680x128xf32, #tpu.memory_space<hbm>> -> memref<128x128xf32, #tpu.memory_space<hbm>>
      %dma_start3A_134 = arith.constant 0 : i32
      %dma_start3A_135 = tpu.memref_slice %arg4[%add3A_126, %dma_start3A_134] : memref<327680x128xf32, #tpu.memory_space<hbm>> -> memref<128x128xf32, #tpu.memory_space<hbm>>
      %dma_start3A_136 = arith.constant 0 : i32
      %dma_start3A_137 = arith.constant 0 : i32
      %dma_start3A_138 = tpu.memref_slice %arg6[%dma_start3A_127, %dma_start3A_136, %dma_start3A_137] : memref<2x128x128xf32, #tpu.memory_space<vmem>> -> memref<1x128x128xf32, #tpu.memory_space<vmem>>
      %dma_start3A_139 = tpu.memref_squeeze %dma_start3A_138 : memref<1x128x128xf32, #tpu.memory_space<vmem>> -> memref<128x128xf32, #tpu.memory_space<vmem>>
      tpu.enqueue_dma source(%dma_start3A_139 : memref<128x128xf32, #tpu.memory_space<vmem>>) target(%dma_start3A_135 : memref<128x128xf32, #tpu.memory_space<hbm>>) target_semaphore(%arg8 : memref<!tpu.dma_semaphore, #tpu.memory_space<semaphore_mem>>)
      %mul3A_140 = arith.constant 128 : i32
      %mul3A_141 = arith.muli %add3A_55, %mul3A_140 : i32
      %add3A_142 = arith.addi %mul3A_33, %mul3A_141 : i32
      %dma_wait3A_143 = arith.constant 1 : i32
      %dma_wait3A_144 = arith.constant 0 : i32
      %dma_wait3A_145 = arith.constant 0 : i32
      %dma_wait3A_146 = tpu.memref_slice %arg6[%dma_wait3A_143, %dma_wait3A_144, %dma_wait3A_145] : memref<2x128x128xf32, #tpu.memory_space<vmem>> -> memref<1x128x128xf32, #tpu.memory_space<vmem>>
      %dma_wait3A_147 = tpu.memref_squeeze %dma_wait3A_146 : memref<1x128x128xf32, #tpu.memory_space<vmem>> -> memref<128x128xf32, #tpu.memory_space<vmem>>
      %dma_wait3A_148 = arith.constant 0 : i32
      %dma_wait3A_149 = tpu.memref_slice %arg4[%add3A_142, %dma_wait3A_148] : memref<327680x128xf32, #tpu.memory_space<hbm>> -> memref<128x128xf32, #tpu.memory_space<hbm>>
      %dma_wait3A_150 = arith.constant 0 : i32
      %dma_wait3A_151 = tpu.memref_slice %arg4[%add3A_142, %dma_wait3A_150] : memref<327680x128xf32, #tpu.memory_space<hbm>> -> memref<128x128xf32, #tpu.memory_space<hbm>>
      %dma_wait3A_152 = arith.constant 0 : i32
      %dma_wait3A_153 = arith.constant 0 : i32
      %dma_wait3A_154 = tpu.memref_slice %arg6[%dma_wait3A_143, %dma_wait3A_152, %dma_wait3A_153] : memref<2x128x128xf32, #tpu.memory_space<vmem>> -> memref<1x128x128xf32, #tpu.memory_space<vmem>>
      %dma_wait3A_155 = tpu.memref_squeeze %dma_wait3A_154 : memref<1x128x128xf32, #tpu.memory_space<vmem>> -> memref<128x128xf32, #tpu.memory_space<vmem>>
      tpu.wait_dma2 semaphore(%arg8 : memref<!tpu.dma_semaphore, #tpu.memory_space<semaphore_mem>>) src(%dma_wait3A_155 : memref<128x128xf32, #tpu.memory_space<vmem>>) dst(%dma_wait3A_151 : memref<128x128xf32, #tpu.memory_space<hbm>>)
      %scan3A_156 = arith.constant 0 : i32
      scf.yield %scan3A_156 : i32
    }
    %scan3A_49 = arith.constant 40 : i32
    return
  }
}

module attributes {stable_mosaic.version = 14 : i64} {
  func.func @_topk_body(%arg0: i32, %arg1: i32, %arg2: memref<1x512x8xf32, #tpu.memory_space<vmem>>, %arg3: memref<1x8x2048xf32, #tpu.memory_space<vmem>>, %arg4: memref<1x512x20xi32, #tpu.memory_space<vmem>>, %arg5: memref<512x2048xf32, #tpu.memory_space<vmem>>) attributes {dimension_semantics = [#tpu.dimension_semantics<arbitrary>, #tpu.dimension_semantics<arbitrary>], iteration_bounds = array<i64: 8, 4>, scalar_prefetch = 0 : i64, scratch_operands = 1 : i64, tpu.core_type = #tpu.core_type<tc>, window_params = [{transform_indices = @transform_0, window_bounds = array<i64: 1, 512, 8>}, {transform_indices = @transform_1, window_bounds = array<i64: 1, 8, 2048>}, {transform_indices = @transform_2, window_bounds = array<i64: 1, 512, 20>}]} {
    %get3A = arith.constant 0 : index
    %get3A_0 = arith.constant 0 : index
    %get3A_1 = arith.constant 0 : index
    %get3A_2 = vector.load %arg2[%get3A, %get3A_0, %get3A_1] : memref<1x512x8xf32, #tpu.memory_space<vmem>>, vector<1x512x8xf32>
    %get3A_3 = vector.shape_cast %get3A_2 : vector<1x512x8xf32> to vector<512x8xf32>
    %get3A_4 = arith.constant 0 : index
    %get3A_5 = arith.constant 0 : index
    %get3A_6 = arith.constant 0 : index
    %get3A_7 = vector.load %arg3[%get3A_4, %get3A_5, %get3A_6] : memref<1x8x2048xf32, #tpu.memory_space<vmem>>, vector<1x8x2048xf32>
    %get3A_8 = vector.shape_cast %get3A_7 : vector<1x8x2048xf32> to vector<8x2048xf32>
    %convert_element_type3A = arith.truncf %get3A_3 : vector<512x8xf32> to vector<512x8xbf16>
    %convert_element_type3A_9 = arith.truncf %get3A_8 : vector<8x2048xf32> to vector<8x2048xbf16>
    %dot_general3A = arith.constant dense<0.000000e+00> : vector<512x2048xf32>
    %dot_general3A_10 = tpu.matmul %convert_element_type3A, %convert_element_type3A_9, %dot_general3A {dimension_numbers = #tpu.dot_dimension_numbers<[1], [0], [0], [1], [0, 0, 1, 1], [], []>, transpose_lhs_hint = false} : vector<512x8xbf16>, vector<8x2048xbf16>, vector<512x2048xf32> -> vector<512x2048xf32>
    %mul3A = arith.mulf %get3A_3, %get3A_3 : vector<512x8xf32>
    %reduce_sum3A = arith.constant dense<0.000000e+00> : vector<512xf32>
    %reduce_sum3A_11 = vector.multi_reduction <add>, %mul3A, %reduce_sum3A [1] : vector<512x8xf32> to vector<512xf32>
    %broadcast_in_dim3A = vector.shape_cast %reduce_sum3A_11 : vector<512xf32> to vector<512x1xf32>
    %mul3A_12 = arith.mulf %get3A_8, %get3A_8 : vector<8x2048xf32>
    %reduce_sum3A_13 = arith.constant dense<0.000000e+00> : vector<2048xf32>
    %reduce_sum3A_14 = vector.multi_reduction <add>, %mul3A_12, %reduce_sum3A_13 [0] : vector<8x2048xf32> to vector<2048xf32>
    %broadcast_in_dim3A_15 = vector.shape_cast %reduce_sum3A_14 : vector<2048xf32> to vector<1x2048xf32>
    %mul3A_16 = arith.constant 2.000000e+00 : f32
    %mul3A_17 = vector.broadcast %mul3A_16 : f32 to vector<512x2048xf32>
    %mul3A_18 = arith.mulf %mul3A_17, %dot_general3A_10 : vector<512x2048xf32>
    %sub3A = vector.broadcast %broadcast_in_dim3A : vector<512x1xf32> to vector<512x2048xf32>
    %sub3A_19 = arith.subf %mul3A_18, %sub3A : vector<512x2048xf32>
    %sub3A_20 = vector.broadcast %broadcast_in_dim3A_15 : vector<1x2048xf32> to vector<512x2048xf32>
    %sub3A_21 = arith.subf %sub3A_19, %sub3A_20 : vector<512x2048xf32>
    %swap3A = arith.constant 0 : index
    %swap3A_22 = arith.constant 0 : index
    %swap3A_23 = vector.load %arg5[%swap3A, %swap3A_22] : memref<512x2048xf32, #tpu.memory_space<vmem>>, vector<512x2048xf32>
    tpu.vector_store %arg5[%swap3A, %swap3A_22], %sub3A_21 {strides = array<i32>} : memref<512x2048xf32, #tpu.memory_space<vmem>>, vector<512x2048xf32>,
    %iota3A = tpu.iota {dimensions = array<i32: 1>} : vector<512x2048xi32>
    %iota3A_24 = tpu.iota {dimensions = array<i32: 1>} : vector<512x20xi32>
    %broadcast_in_dim3A_25 = arith.constant 0 : i32
    %broadcast_in_dim3A_26 = vector.broadcast %broadcast_in_dim3A_25 : i32 to vector<512x20xi32>
    %scan3A = arith.constant 0 : i32
    %scan3A_27 = arith.constant 20 : i32
    %scan3A_28 = arith.addi %scan3A, %scan3A_27 : i32
    %scan3A_29 = arith.constant 1 : i32
    %scan3A_30 = scf.for %scan3A_38 = %scan3A to %scan3A_28 step %scan3A_29 iter_args(%scan3A_39 = %broadcast_in_dim3A_26) -> (vector<512x20xi32>)  : i32 {
      %get3A_40 = arith.constant 0 : index
      %get3A_41 = arith.constant 0 : index
      %get3A_42 = vector.load %arg5[%get3A_40, %get3A_41] : memref<512x2048xf32, #tpu.memory_space<vmem>>, vector<512x2048xf32>
      %reduce_max3A = arith.constant dense<0xFF800000> : vector<512xf32>
      %reduce_max3A_43 = vector.multi_reduction <maximumf>, %get3A_42, %reduce_max3A [1] : vector<512x2048xf32> to vector<512xf32>
      %broadcast_in_dim3A_44 = vector.shape_cast %reduce_max3A_43 : vector<512xf32> to vector<512x1xf32>
      %eq3A = vector.broadcast %broadcast_in_dim3A_44 : vector<512x1xf32> to vector<512x2048xf32>
      %eq3A_45 = arith.cmpf oeq, %get3A_42, %eq3A : vector<512x2048xf32>
      %jit3A = arith.constant 2048 : i32
      %broadcast_in_dim3A_46 = vector.broadcast %jit3A : i32 to vector<512x2048xi32>
      %select_n3A = arith.select %eq3A_45, %iota3A, %broadcast_in_dim3A_46 : vector<512x2048xi1>, vector<512x2048xi32>
      %reduce_min3A = arith.constant dense<2147483647> : vector<512xi32>
      %reduce_min3A_47 = vector.multi_reduction <minsi>, %select_n3A, %reduce_min3A [1] : vector<512x2048xi32> to vector<512xi32>
      %broadcast_in_dim3A_48 = vector.shape_cast %reduce_min3A_47 : vector<512xi32> to vector<512x1xi32>
      %eq3A_49 = vector.broadcast %broadcast_in_dim3A_48 : vector<512x1xi32> to vector<512x2048xi32>
      %eq3A_50 = arith.cmpi eq, %iota3A, %eq3A_49 : vector<512x2048xi32>
      %jit3A_51 = arith.constant 0xFF800000 : f32
      %broadcast_in_dim3A_52 = vector.broadcast %jit3A_51 : f32 to vector<512x2048xf32>
      %select_n3A_53 = arith.select %eq3A_50, %broadcast_in_dim3A_52, %get3A_42 : vector<512x2048xi1>, vector<512x2048xf32>
      %swap3A_54 = arith.constant 0 : index
      %swap3A_55 = arith.constant 0 : index
      %swap3A_56 = vector.load %arg5[%swap3A_54, %swap3A_55] : memref<512x2048xf32, #tpu.memory_space<vmem>>, vector<512x2048xf32>
      tpu.vector_store %arg5[%swap3A_54, %swap3A_55], %select_n3A_53 {strides = array<i32>} : memref<512x2048xf32, #tpu.memory_space<vmem>>, vector<512x2048xf32>,
      %eq3A_57 = vector.broadcast %scan3A_38 : i32 to vector<512x20xi32>
      %eq3A_58 = arith.cmpi eq, %iota3A_24, %eq3A_57 : vector<512x20xi32>
      %broadcast_in_dim3A_59 = vector.shape_cast %broadcast_in_dim3A_48 : vector<512x1xi32> to vector<512x1xi32>
      %broadcast_in_dim3A_60 = vector.broadcast %broadcast_in_dim3A_59 : vector<512x1xi32> to vector<512x20xi32>
      %select_n3A_61 = arith.select %eq3A_58, %broadcast_in_dim3A_60, %scan3A_39 : vector<512x20xi1>, vector<512x20xi32>
      scf.yield %select_n3A_61 : vector<512x20xi32>
    }
    %scan3A_31 = arith.constant 20 : i32
    %swap3A_32 = arith.constant 0 : index
    %swap3A_33 = arith.constant 0 : index
    %swap3A_34 = arith.constant 0 : index
    %swap3A_35 = vector.load %arg4[%swap3A_32, %swap3A_33, %swap3A_34] : memref<1x512x20xi32, #tpu.memory_space<vmem>>, vector<1x512x20xi32>
    %swap3A_36 = vector.shape_cast %swap3A_35 : vector<1x512x20xi32> to vector<512x20xi32>
    %swap3A_37 = vector.shape_cast %scan3A_30 : vector<512x20xi32> to vector<1x512x20xi32>
    tpu.vector_store %arg4[%swap3A_32, %swap3A_33, %swap3A_34], %swap3A_37 {strides = array<i32>} : memref<1x512x20xi32, #tpu.memory_space<vmem>>, vector<1x512x20xi32>,
    return
  }
  func.func @transform_0(%arg0: i32, %arg1: i32) -> (i32, i32, i32) {
    %c0_i32 = arith.constant 0 : i32
    %c0_i32_0 = arith.constant 0 : i32
    return %arg0, %arg1, %c0_i32 : i32, i32, i32
  }
  func.func @transform_1(%arg0: i32, %arg1: i32) -> (i32, i32, i32) {
    %c0_i32 = arith.constant 0 : i32
    %c0_i32_0 = arith.constant 0 : i32
    %c0_i32_1 = arith.constant 0 : i32
    return %arg0, %c0_i32, %c0_i32_0 : i32, i32, i32
  }
  func.func @transform_2(%arg0: i32, %arg1: i32) -> (i32, i32, i32) {
    %c0_i32 = arith.constant 0 : i32
    %c0_i32_0 = arith.constant 0 : i32
    return %arg0, %arg1, %c0_i32 : i32, i32, i32
  }
}

module attributes {stable_mosaic.version = 14 : i64} {
  func.func @_patch_mlp_body(%arg0: i32, %arg1: i32, %arg2: memref<1x512x160xf32, #tpu.memory_space<vmem>>, %arg3: memref<1x512x8xf32, #tpu.memory_space<vmem>>, %arg4: memref<8x160xf32, #tpu.memory_space<vmem>>, %arg5: memref<64x160xbf16, #tpu.memory_space<vmem>>, %arg6: memref<64x64xbf16, #tpu.memory_space<vmem>>, %arg7: memref<1x512x64xf32, #tpu.memory_space<vmem>>) attributes {dimension_semantics = [#tpu.dimension_semantics<arbitrary>, #tpu.dimension_semantics<arbitrary>], iteration_bounds = array<i64: 8, 4>, scalar_prefetch = 0 : i64, scratch_operands = 0 : i64, tpu.core_type = #tpu.core_type<tc>, window_params = [{transform_indices = @transform_0, window_bounds = array<i64: 1, 512, 160>}, {transform_indices = @transform_1, window_bounds = array<i64: 1, 512, 8>}, {pipeline_mode = #tpu.pipeline_mode<synchronous>, transform_indices = @transform_2, window_bounds = array<i64: 8, 160>}, {pipeline_mode = #tpu.pipeline_mode<synchronous>, transform_indices = @transform_3, window_bounds = array<i64: 64, 160>}, {pipeline_mode = #tpu.pipeline_mode<synchronous>, transform_indices = @transform_4, window_bounds = array<i64: 64, 64>}, {transform_indices = @transform_5, window_bounds = array<i64: 1, 512, 64>}]} {
    %get3A = arith.constant 0 : index
    %get3A_0 = arith.constant 0 : index
    %get3A_1 = arith.constant 0 : index
    %get3A_2 = vector.load %arg3[%get3A, %get3A_0, %get3A_1] : memref<1x512x8xf32, #tpu.memory_space<vmem>>, vector<1x512x8xf32>
    %get3A_3 = vector.shape_cast %get3A_2 : vector<1x512x8xf32> to vector<512x8xf32>
    %get3A_4 = arith.constant 0 : index
    %get3A_5 = arith.constant 0 : index
    %get3A_6 = vector.load %arg4[%get3A_4, %get3A_5] : memref<8x160xf32, #tpu.memory_space<vmem>>, vector<8x160xf32>
    %dot_general3A = arith.constant dense<0.000000e+00> : vector<512x160xf32>
    %dot_general3A_7 = tpu.matmul %get3A_3, %get3A_6, %dot_general3A {dimension_numbers = #tpu.dot_dimension_numbers<[1], [0], [0], [1], [0, 0, 1, 1], [], []>, precision = #tpu.contract_precision<fp32>, transpose_lhs_hint = false} : vector<512x8xf32>, vector<8x160xf32>, vector<512x160xf32> -> vector<512x160xf32>
    %get3A_8 = arith.constant 0 : index
    %get3A_9 = arith.constant 0 : index
    %get3A_10 = arith.constant 0 : index
    %get3A_11 = vector.load %arg2[%get3A_8, %get3A_9, %get3A_10] : memref<1x512x160xf32, #tpu.memory_space<vmem>>, vector<1x512x160xf32>
    %get3A_12 = vector.shape_cast %get3A_11 : vector<1x512x160xf32> to vector<512x160xf32>
    %sub3A = arith.subf %get3A_12, %dot_general3A_7 : vector<512x160xf32>
    %convert_element_type3A = arith.truncf %sub3A : vector<512x160xf32> to vector<512x160xbf16>
    %get3A_13 = arith.constant 0 : index
    %get3A_14 = arith.constant 0 : index
    %get3A_15 = vector.load %arg5[%get3A_13, %get3A_14] : memref<64x160xbf16, #tpu.memory_space<vmem>>, vector<64x160xbf16>
    %dot_general3A_16 = arith.constant dense<0.000000e+00> : vector<512x64xf32>
    %dot_general3A_17 = tpu.matmul %convert_element_type3A, %get3A_15, %dot_general3A_16 {dimension_numbers = #tpu.dot_dimension_numbers<[1], [1], [0], [0], [0, 0, 1, 0], [], []>, transpose_lhs_hint = false} : vector<512x160xbf16>, vector<64x160xbf16>, vector<512x64xf32> -> vector<512x64xf32>
    %jit3A = arith.constant 2.000000e-01 : f32
    %ge3A = arith.constant 0.000000e+00 : f32
    %ge3A_18 = vector.broadcast %ge3A : f32 to vector<512x64xf32>
    %ge3A_19 = arith.cmpf oge, %dot_general3A_17, %ge3A_18 : vector<512x64xf32>
    %mul3A = vector.broadcast %jit3A : f32 to vector<512x64xf32>
    %mul3A_20 = arith.mulf %mul3A, %dot_general3A_17 : vector<512x64xf32>
    %select_n3A = arith.select %ge3A_19, %dot_general3A_17, %mul3A_20 : vector<512x64xi1>, vector<512x64xf32>
    %convert_element_type3A_21 = arith.truncf %select_n3A : vector<512x64xf32> to vector<512x64xbf16>
    %get3A_22 = arith.constant 0 : index
    %get3A_23 = arith.constant 0 : index
    %get3A_24 = vector.load %arg6[%get3A_22, %get3A_23] : memref<64x64xbf16, #tpu.memory_space<vmem>>, vector<64x64xbf16>
    %dot_general3A_25 = arith.constant dense<0.000000e+00> : vector<512x64xf32>
    %dot_general3A_26 = tpu.matmul %convert_element_type3A_21, %get3A_24, %dot_general3A_25 {dimension_numbers = #tpu.dot_dimension_numbers<[1], [1], [0], [0], [0, 0, 1, 0], [], []>, transpose_lhs_hint = false} : vector<512x64xbf16>, vector<64x64xbf16>, vector<512x64xf32> -> vector<512x64xf32>
    %jit3A_27 = arith.constant 2.000000e-01 : f32
    %ge3A_28 = arith.constant 0.000000e+00 : f32
    %ge3A_29 = vector.broadcast %ge3A_28 : f32 to vector<512x64xf32>
    %ge3A_30 = arith.cmpf oge, %dot_general3A_26, %ge3A_29 : vector<512x64xf32>
    %mul3A_31 = vector.broadcast %jit3A_27 : f32 to vector<512x64xf32>
    %mul3A_32 = arith.mulf %mul3A_31, %dot_general3A_26 : vector<512x64xf32>
    %select_n3A_33 = arith.select %ge3A_30, %dot_general3A_26, %mul3A_32 : vector<512x64xi1>, vector<512x64xf32>
    %swap3A = arith.constant 0 : index
    %swap3A_34 = arith.constant 0 : index
    %swap3A_35 = arith.constant 0 : index
    %swap3A_36 = vector.load %arg7[%swap3A, %swap3A_34, %swap3A_35] : memref<1x512x64xf32, #tpu.memory_space<vmem>>, vector<1x512x64xf32>
    %swap3A_37 = vector.shape_cast %swap3A_36 : vector<1x512x64xf32> to vector<512x64xf32>
    %swap3A_38 = vector.shape_cast %select_n3A_33 : vector<512x64xf32> to vector<1x512x64xf32>
    tpu.vector_store %arg7[%swap3A, %swap3A_34, %swap3A_35], %swap3A_38 {strides = array<i32>} : memref<1x512x64xf32, #tpu.memory_space<vmem>>, vector<1x512x64xf32>,
    return
  }
  func.func @transform_0(%arg0: i32, %arg1: i32) -> (i32, i32, i32) {
    %c0_i32 = arith.constant 0 : i32
    %c0_i32_0 = arith.constant 0 : i32
    return %arg0, %arg1, %c0_i32 : i32, i32, i32
  }
  func.func @transform_1(%arg0: i32, %arg1: i32) -> (i32, i32, i32) {
    %c0_i32 = arith.constant 0 : i32
    %c0_i32_0 = arith.constant 0 : i32
    return %arg0, %arg1, %c0_i32 : i32, i32, i32
  }
  func.func @transform_2(%arg0: i32, %arg1: i32) -> (i32, i32) {
    %c0_i32 = arith.constant 0 : i32
    %c0_i32_0 = arith.constant 0 : i32
    %c0_i32_1 = arith.constant 0 : i32
    return %c0_i32, %c0_i32_0 : i32, i32
  }
  func.func @transform_3(%arg0: i32, %arg1: i32) -> (i32, i32) {
    %c0_i32 = arith.constant 0 : i32
    %c0_i32_0 = arith.constant 0 : i32
    %c0_i32_1 = arith.constant 0 : i32
    return %c0_i32, %c0_i32_0 : i32, i32
  }
  func.func @transform_4(%arg0: i32, %arg1: i32) -> (i32, i32) {
    %c0_i32 = arith.constant 0 : i32
    %c0_i32_0 = arith.constant 0 : i32
    %c0_i32_1 = arith.constant 0 : i32
    return %c0_i32, %c0_i32_0 : i32, i32
  }
  func.func @transform_5(%arg0: i32, %arg1: i32) -> (i32, i32, i32) {
    %c0_i32 = arith.constant 0 : i32
    %c0_i32_0 = arith.constant 0 : i32
    return %arg0, %arg1, %c0_i32 : i32, i32, i32
  }
}

module attributes {stable_mosaic.version = 14 : i64} {
  func.func @_topk_body(%arg0: i32, %arg1: i32, %arg2: memref<1x512x64xf32, #tpu.memory_space<vmem>>, %arg3: memref<1x64x2048xf32, #tpu.memory_space<vmem>>, %arg4: memref<1x512x20xi32, #tpu.memory_space<vmem>>, %arg5: memref<512x2048xf32, #tpu.memory_space<vmem>>) attributes {dimension_semantics = [#tpu.dimension_semantics<arbitrary>, #tpu.dimension_semantics<arbitrary>], iteration_bounds = array<i64: 8, 4>, scalar_prefetch = 0 : i64, scratch_operands = 1 : i64, tpu.core_type = #tpu.core_type<tc>, window_params = [{transform_indices = @transform_0, window_bounds = array<i64: 1, 512, 64>}, {transform_indices = @transform_1, window_bounds = array<i64: 1, 64, 2048>}, {transform_indices = @transform_2, window_bounds = array<i64: 1, 512, 20>}]} {
    %get3A = arith.constant 0 : index
    %get3A_0 = arith.constant 0 : index
    %get3A_1 = arith.constant 0 : index
    %get3A_2 = vector.load %arg2[%get3A, %get3A_0, %get3A_1] : memref<1x512x64xf32, #tpu.memory_space<vmem>>, vector<1x512x64xf32>
    %get3A_3 = vector.shape_cast %get3A_2 : vector<1x512x64xf32> to vector<512x64xf32>
    %get3A_4 = arith.constant 0 : index
    %get3A_5 = arith.constant 0 : index
    %get3A_6 = arith.constant 0 : index
    %get3A_7 = vector.load %arg3[%get3A_4, %get3A_5, %get3A_6] : memref<1x64x2048xf32, #tpu.memory_space<vmem>>, vector<1x64x2048xf32>
    %get3A_8 = vector.shape_cast %get3A_7 : vector<1x64x2048xf32> to vector<64x2048xf32>
    %convert_element_type3A = arith.truncf %get3A_3 : vector<512x64xf32> to vector<512x64xbf16>
    %convert_element_type3A_9 = arith.truncf %get3A_8 : vector<64x2048xf32> to vector<64x2048xbf16>
    %dot_general3A = arith.constant dense<0.000000e+00> : vector<512x2048xf32>
    %dot_general3A_10 = tpu.matmul %convert_element_type3A, %convert_element_type3A_9, %dot_general3A {dimension_numbers = #tpu.dot_dimension_numbers<[1], [0], [0], [1], [0, 0, 1, 1], [], []>, transpose_lhs_hint = false} : vector<512x64xbf16>, vector<64x2048xbf16>, vector<512x2048xf32> -> vector<512x2048xf32>
    %mul3A = arith.mulf %get3A_3, %get3A_3 : vector<512x64xf32>
    %reduce_sum3A = arith.constant dense<0.000000e+00> : vector<512xf32>
    %reduce_sum3A_11 = vector.multi_reduction <add>, %mul3A, %reduce_sum3A [1] : vector<512x64xf32> to vector<512xf32>
    %broadcast_in_dim3A = vector.shape_cast %reduce_sum3A_11 : vector<512xf32> to vector<512x1xf32>
    %mul3A_12 = arith.mulf %get3A_8, %get3A_8 : vector<64x2048xf32>
    %reduce_sum3A_13 = arith.constant dense<0.000000e+00> : vector<2048xf32>
    %reduce_sum3A_14 = vector.multi_reduction <add>, %mul3A_12, %reduce_sum3A_13 [0] : vector<64x2048xf32> to vector<2048xf32>
    %broadcast_in_dim3A_15 = vector.shape_cast %reduce_sum3A_14 : vector<2048xf32> to vector<1x2048xf32>
    %mul3A_16 = arith.constant 2.000000e+00 : f32
    %mul3A_17 = vector.broadcast %mul3A_16 : f32 to vector<512x2048xf32>
    %mul3A_18 = arith.mulf %mul3A_17, %dot_general3A_10 : vector<512x2048xf32>
    %sub3A = vector.broadcast %broadcast_in_dim3A : vector<512x1xf32> to vector<512x2048xf32>
    %sub3A_19 = arith.subf %mul3A_18, %sub3A : vector<512x2048xf32>
    %sub3A_20 = vector.broadcast %broadcast_in_dim3A_15 : vector<1x2048xf32> to vector<512x2048xf32>
    %sub3A_21 = arith.subf %sub3A_19, %sub3A_20 : vector<512x2048xf32>
    %swap3A = arith.constant 0 : index
    %swap3A_22 = arith.constant 0 : index
    %swap3A_23 = vector.load %arg5[%swap3A, %swap3A_22] : memref<512x2048xf32, #tpu.memory_space<vmem>>, vector<512x2048xf32>
    tpu.vector_store %arg5[%swap3A, %swap3A_22], %sub3A_21 {strides = array<i32>} : memref<512x2048xf32, #tpu.memory_space<vmem>>, vector<512x2048xf32>,
    %iota3A = tpu.iota {dimensions = array<i32: 1>} : vector<512x2048xi32>
    %iota3A_24 = tpu.iota {dimensions = array<i32: 1>} : vector<512x20xi32>
    %broadcast_in_dim3A_25 = arith.constant 0 : i32
    %broadcast_in_dim3A_26 = vector.broadcast %broadcast_in_dim3A_25 : i32 to vector<512x20xi32>
    %scan3A = arith.constant 0 : i32
    %scan3A_27 = arith.constant 20 : i32
    %scan3A_28 = arith.addi %scan3A, %scan3A_27 : i32
    %scan3A_29 = arith.constant 1 : i32
    %scan3A_30 = scf.for %scan3A_38 = %scan3A to %scan3A_28 step %scan3A_29 iter_args(%scan3A_39 = %broadcast_in_dim3A_26) -> (vector<512x20xi32>)  : i32 {
      %get3A_40 = arith.constant 0 : index
      %get3A_41 = arith.constant 0 : index
      %get3A_42 = vector.load %arg5[%get3A_40, %get3A_41] : memref<512x2048xf32, #tpu.memory_space<vmem>>, vector<512x2048xf32>
      %reduce_max3A = arith.constant dense<0xFF800000> : vector<512xf32>
      %reduce_max3A_43 = vector.multi_reduction <maximumf>, %get3A_42, %reduce_max3A [1] : vector<512x2048xf32> to vector<512xf32>
      %broadcast_in_dim3A_44 = vector.shape_cast %reduce_max3A_43 : vector<512xf32> to vector<512x1xf32>
      %eq3A = vector.broadcast %broadcast_in_dim3A_44 : vector<512x1xf32> to vector<512x2048xf32>
      %eq3A_45 = arith.cmpf oeq, %get3A_42, %eq3A : vector<512x2048xf32>
      %jit3A = arith.constant 2048 : i32
      %broadcast_in_dim3A_46 = vector.broadcast %jit3A : i32 to vector<512x2048xi32>
      %select_n3A = arith.select %eq3A_45, %iota3A, %broadcast_in_dim3A_46 : vector<512x2048xi1>, vector<512x2048xi32>
      %reduce_min3A = arith.constant dense<2147483647> : vector<512xi32>
      %reduce_min3A_47 = vector.multi_reduction <minsi>, %select_n3A, %reduce_min3A [1] : vector<512x2048xi32> to vector<512xi32>
      %broadcast_in_dim3A_48 = vector.shape_cast %reduce_min3A_47 : vector<512xi32> to vector<512x1xi32>
      %eq3A_49 = vector.broadcast %broadcast_in_dim3A_48 : vector<512x1xi32> to vector<512x2048xi32>
      %eq3A_50 = arith.cmpi eq, %iota3A, %eq3A_49 : vector<512x2048xi32>
      %jit3A_51 = arith.constant 0xFF800000 : f32
      %broadcast_in_dim3A_52 = vector.broadcast %jit3A_51 : f32 to vector<512x2048xf32>
      %select_n3A_53 = arith.select %eq3A_50, %broadcast_in_dim3A_52, %get3A_42 : vector<512x2048xi1>, vector<512x2048xf32>
      %swap3A_54 = arith.constant 0 : index
      %swap3A_55 = arith.constant 0 : index
      %swap3A_56 = vector.load %arg5[%swap3A_54, %swap3A_55] : memref<512x2048xf32, #tpu.memory_space<vmem>>, vector<512x2048xf32>
      tpu.vector_store %arg5[%swap3A_54, %swap3A_55], %select_n3A_53 {strides = array<i32>} : memref<512x2048xf32, #tpu.memory_space<vmem>>, vector<512x2048xf32>,
      %eq3A_57 = vector.broadcast %scan3A_38 : i32 to vector<512x20xi32>
      %eq3A_58 = arith.cmpi eq, %iota3A_24, %eq3A_57 : vector<512x20xi32>
      %broadcast_in_dim3A_59 = vector.shape_cast %broadcast_in_dim3A_48 : vector<512x1xi32> to vector<512x1xi32>
      %broadcast_in_dim3A_60 = vector.broadcast %broadcast_in_dim3A_59 : vector<512x1xi32> to vector<512x20xi32>
      %select_n3A_61 = arith.select %eq3A_58, %broadcast_in_dim3A_60, %scan3A_39 : vector<512x20xi1>, vector<512x20xi32>
      scf.yield %select_n3A_61 : vector<512x20xi32>
    }
    %scan3A_31 = arith.constant 20 : i32
    %swap3A_32 = arith.constant 0 : index
    %swap3A_33 = arith.constant 0 : index
    %swap3A_34 = arith.constant 0 : index
    %swap3A_35 = vector.load %arg4[%swap3A_32, %swap3A_33, %swap3A_34] : memref<1x512x20xi32, #tpu.memory_space<vmem>>, vector<1x512x20xi32>
    %swap3A_36 = vector.shape_cast %swap3A_35 : vector<1x512x20xi32> to vector<512x20xi32>
    %swap3A_37 = vector.shape_cast %scan3A_30 : vector<512x20xi32> to vector<1x512x20xi32>
    tpu.vector_store %arg4[%swap3A_32, %swap3A_33, %swap3A_34], %swap3A_37 {strides = array<i32>} : memref<1x512x20xi32, #tpu.memory_space<vmem>>, vector<1x512x20xi32>,
    return
  }
  func.func @transform_0(%arg0: i32, %arg1: i32) -> (i32, i32, i32) {
    %c0_i32 = arith.constant 0 : i32
    %c0_i32_0 = arith.constant 0 : i32
    return %arg0, %arg1, %c0_i32 : i32, i32, i32
  }
  func.func @transform_1(%arg0: i32, %arg1: i32) -> (i32, i32, i32) {
    %c0_i32 = arith.constant 0 : i32
    %c0_i32_0 = arith.constant 0 : i32
    %c0_i32_1 = arith.constant 0 : i32
    return %arg0, %c0_i32, %c0_i32_0 : i32, i32, i32
  }
  func.func @transform_2(%arg0: i32, %arg1: i32) -> (i32, i32, i32) {
    %c0_i32 = arith.constant 0 : i32
    %c0_i32_0 = arith.constant 0 : i32
    return %arg0, %arg1, %c0_i32 : i32, i32, i32
  }
}

module attributes {stable_mosaic.version = 14 : i64} {
  func.func @_econv_body(%arg0: i32, %arg1: i32, %arg2: memref<1x2560x64xf32, #tpu.memory_space<vmem>>, %arg3: memref<1x128x64xf32, #tpu.memory_space<vmem>>, %arg4: memref<64x64xbf16, #tpu.memory_space<vmem>>, %arg5: memref<64x64xbf16, #tpu.memory_space<vmem>>, %arg6: memref<1x128x64xf32, #tpu.memory_space<vmem>>) attributes {dimension_semantics = [#tpu.dimension_semantics<arbitrary>, #tpu.dimension_semantics<arbitrary>], iteration_bounds = array<i64: 8, 16>, scalar_prefetch = 0 : i64, scratch_operands = 0 : i64, tpu.core_type = #tpu.core_type<tc>, window_params = [{transform_indices = @transform_0, window_bounds = array<i64: 1, 2560, 64>}, {transform_indices = @transform_1, window_bounds = array<i64: 1, 128, 64>}, {pipeline_mode = #tpu.pipeline_mode<synchronous>, transform_indices = @transform_2, window_bounds = array<i64: 64, 64>}, {pipeline_mode = #tpu.pipeline_mode<synchronous>, transform_indices = @transform_3, window_bounds = array<i64: 64, 64>}, {transform_indices = @transform_4, window_bounds = array<i64: 1, 128, 64>}]} {
    %get3A = arith.constant 0 : index
    %get3A_0 = arith.constant 0 : index
    %get3A_1 = arith.constant 0 : index
    %get3A_2 = vector.load %arg3[%get3A, %get3A_0, %get3A_1] : memref<1x128x64xf32, #tpu.memory_space<vmem>>, vector<1x128x64xf32>
    %get3A_3 = vector.shape_cast %get3A_2 : vector<1x128x64xf32> to vector<128x64xf32>
    %get3A_4 = arith.constant 0 : index
    %get3A_5 = arith.constant 0 : index
    %get3A_6 = arith.constant 0 : index
    %get3A_7 = vector.load %arg2[%get3A_4, %get3A_5, %get3A_6] : memref<1x2560x64xf32, #tpu.memory_space<vmem>>, vector<1x2560x64xf32>
    %get3A_8 = vector.shape_cast %get3A_7 : vector<1x2560x64xf32> to vector<2560x64xf32>
    %reshape3A = vector.shape_cast %get3A_8 : vector<2560x64xf32> to vector<128x20x64xf32>
    %broadcast_in_dim3A = vector.shape_cast %get3A_3 : vector<128x64xf32> to vector<128x1x64xf32>
    %sub3A = vector.broadcast %broadcast_in_dim3A : vector<128x1x64xf32> to vector<128x20x64xf32>
    %sub3A_9 = arith.subf %reshape3A, %sub3A : vector<128x20x64xf32>
    %convert_element_type3A = arith.truncf %sub3A_9 : vector<128x20x64xf32> to vector<128x20x64xbf16>
    %reshape3A_10 = vector.shape_cast %convert_element_type3A : vector<128x20x64xbf16> to vector<2560x64xbf16>
    %get3A_11 = arith.constant 0 : index
    %get3A_12 = arith.constant 0 : index
    %get3A_13 = vector.load %arg4[%get3A_11, %get3A_12] : memref<64x64xbf16, #tpu.memory_space<vmem>>, vector<64x64xbf16>
    %dot_general3A = arith.constant dense<0.000000e+00> : vector<2560x64xf32>
    %dot_general3A_14 = tpu.matmul %reshape3A_10, %get3A_13, %dot_general3A {dimension_numbers = #tpu.dot_dimension_numbers<[1], [1], [0], [0], [0, 0, 1, 0], [], []>, transpose_lhs_hint = false} : vector<2560x64xbf16>, vector<64x64xbf16>, vector<2560x64xf32> -> vector<2560x64xf32>
    %reshape3A_15 = vector.shape_cast %dot_general3A_14 : vector<2560x64xf32> to vector<128x20x64xf32>
    %convert_element_type3A_16 = arith.truncf %get3A_3 : vector<128x64xf32> to vector<128x64xbf16>
    %get3A_17 = arith.constant 0 : index
    %get3A_18 = arith.constant 0 : index
    %get3A_19 = vector.load %arg5[%get3A_17, %get3A_18] : memref<64x64xbf16, #tpu.memory_space<vmem>>, vector<64x64xbf16>
    %dot_general3A_20 = arith.constant dense<0.000000e+00> : vector<128x64xf32>
    %dot_general3A_21 = tpu.matmul %convert_element_type3A_16, %get3A_19, %dot_general3A_20 {dimension_numbers = #tpu.dot_dimension_numbers<[1], [1], [0], [0], [0, 0, 1, 0], [], []>, transpose_lhs_hint = false} : vector<128x64xbf16>, vector<64x64xbf16>, vector<128x64xf32> -> vector<128x64xf32>
    %reduce_max3A = arith.constant dense<0xFF800000> : vector<128x64xf32>
    %reduce_max3A_22 = vector.multi_reduction <maximumf>, %reshape3A_15, %reduce_max3A [1] : vector<128x20x64xf32> to vector<128x64xf32>
    %add3A = arith.addf %reduce_max3A_22, %dot_general3A_21 : vector<128x64xf32>
    %jit3A = arith.constant 2.000000e-01 : f32
    %ge3A = arith.constant 0.000000e+00 : f32
    %ge3A_23 = vector.broadcast %ge3A : f32 to vector<128x64xf32>
    %ge3A_24 = arith.cmpf oge, %add3A, %ge3A_23 : vector<128x64xf32>
    %mul3A = vector.broadcast %jit3A : f32 to vector<128x64xf32>
    %mul3A_25 = arith.mulf %mul3A, %add3A : vector<128x64xf32>
    %select_n3A = arith.select %ge3A_24, %add3A, %mul3A_25 : vector<128x64xi1>, vector<128x64xf32>
    %swap3A = arith.constant 0 : index
    %swap3A_26 = arith.constant 0 : index
    %swap3A_27 = arith.constant 0 : index
    %swap3A_28 = vector.load %arg6[%swap3A, %swap3A_26, %swap3A_27] : memref<1x128x64xf32, #tpu.memory_space<vmem>>, vector<1x128x64xf32>
    %swap3A_29 = vector.shape_cast %swap3A_28 : vector<1x128x64xf32> to vector<128x64xf32>
    %swap3A_30 = vector.shape_cast %select_n3A : vector<128x64xf32> to vector<1x128x64xf32>
    tpu.vector_store %arg6[%swap3A, %swap3A_26, %swap3A_27], %swap3A_30 {strides = array<i32>} : memref<1x128x64xf32, #tpu.memory_space<vmem>>, vector<1x128x64xf32>,
    return
  }
  func.func @transform_0(%arg0: i32, %arg1: i32) -> (i32, i32, i32) {
    %c0_i32 = arith.constant 0 : i32
    %c0_i32_0 = arith.constant 0 : i32
    return %arg0, %arg1, %c0_i32 : i32, i32, i32
  }
  func.func @transform_1(%arg0: i32, %arg1: i32) -> (i32, i32, i32) {
    %c0_i32 = arith.constant 0 : i32
    %c0_i32_0 = arith.constant 0 : i32
    return %arg0, %arg1, %c0_i32 : i32, i32, i32
  }
  func.func @transform_2(%arg0: i32, %arg1: i32) -> (i32, i32) {
    %c0_i32 = arith.constant 0 : i32
    %c0_i32_0 = arith.constant 0 : i32
    %c0_i32_1 = arith.constant 0 : i32
    return %c0_i32, %c0_i32_0 : i32, i32
  }
  func.func @transform_3(%arg0: i32, %arg1: i32) -> (i32, i32) {
    %c0_i32 = arith.constant 0 : i32
    %c0_i32_0 = arith.constant 0 : i32
    %c0_i32_1 = arith.constant 0 : i32
    return %c0_i32, %c0_i32_0 : i32, i32
  }
  func.func @transform_4(%arg0: i32, %arg1: i32) -> (i32, i32, i32) {
    %c0_i32 = arith.constant 0 : i32
    %c0_i32_0 = arith.constant 0 : i32
    return %arg0, %arg1, %c0_i32 : i32, i32, i32
  }
}

module attributes {stable_mosaic.version = 14 : i64} {
  func.func @_econv_body(%arg0: i32, %arg1: i32, %arg2: memref<1x2560x64xf32, #tpu.memory_space<vmem>>, %arg3: memref<1x128x64xf32, #tpu.memory_space<vmem>>, %arg4: memref<128x64xbf16, #tpu.memory_space<vmem>>, %arg5: memref<128x64xbf16, #tpu.memory_space<vmem>>, %arg6: memref<1x128x128xf32, #tpu.memory_space<vmem>>) attributes {dimension_semantics = [#tpu.dimension_semantics<arbitrary>, #tpu.dimension_semantics<arbitrary>], iteration_bounds = array<i64: 8, 16>, scalar_prefetch = 0 : i64, scratch_operands = 0 : i64, tpu.core_type = #tpu.core_type<tc>, window_params = [{transform_indices = @transform_0, window_bounds = array<i64: 1, 2560, 64>}, {transform_indices = @transform_1, window_bounds = array<i64: 1, 128, 64>}, {pipeline_mode = #tpu.pipeline_mode<synchronous>, transform_indices = @transform_2, window_bounds = array<i64: 128, 64>}, {pipeline_mode = #tpu.pipeline_mode<synchronous>, transform_indices = @transform_3, window_bounds = array<i64: 128, 64>}, {transform_indices = @transform_4, window_bounds = array<i64: 1, 128, 128>}]} {
    %get3A = arith.constant 0 : index
    %get3A_0 = arith.constant 0 : index
    %get3A_1 = arith.constant 0 : index
    %get3A_2 = vector.load %arg3[%get3A, %get3A_0, %get3A_1] : memref<1x128x64xf32, #tpu.memory_space<vmem>>, vector<1x128x64xf32>
    %get3A_3 = vector.shape_cast %get3A_2 : vector<1x128x64xf32> to vector<128x64xf32>
    %get3A_4 = arith.constant 0 : index
    %get3A_5 = arith.constant 0 : index
    %get3A_6 = arith.constant 0 : index
    %get3A_7 = vector.load %arg2[%get3A_4, %get3A_5, %get3A_6] : memref<1x2560x64xf32, #tpu.memory_space<vmem>>, vector<1x2560x64xf32>
    %get3A_8 = vector.shape_cast %get3A_7 : vector<1x2560x64xf32> to vector<2560x64xf32>
    %reshape3A = vector.shape_cast %get3A_8 : vector<2560x64xf32> to vector<128x20x64xf32>
    %broadcast_in_dim3A = vector.shape_cast %get3A_3 : vector<128x64xf32> to vector<128x1x64xf32>
    %sub3A = vector.broadcast %broadcast_in_dim3A : vector<128x1x64xf32> to vector<128x20x64xf32>
    %sub3A_9 = arith.subf %reshape3A, %sub3A : vector<128x20x64xf32>
    %convert_element_type3A = arith.truncf %sub3A_9 : vector<128x20x64xf32> to vector<128x20x64xbf16>
    %reshape3A_10 = vector.shape_cast %convert_element_type3A : vector<128x20x64xbf16> to vector<2560x64xbf16>
    %get3A_11 = arith.constant 0 : index
    %get3A_12 = arith.constant 0 : index
    %get3A_13 = vector.load %arg4[%get3A_11, %get3A_12] : memref<128x64xbf16, #tpu.memory_space<vmem>>, vector<128x64xbf16>
    %dot_general3A = arith.constant dense<0.000000e+00> : vector<2560x128xf32>
    %dot_general3A_14 = tpu.matmul %reshape3A_10, %get3A_13, %dot_general3A {dimension_numbers = #tpu.dot_dimension_numbers<[1], [1], [0], [0], [0, 0, 1, 0], [], []>, transpose_lhs_hint = false} : vector<2560x64xbf16>, vector<128x64xbf16>, vector<2560x128xf32> -> vector<2560x128xf32>
    %reshape3A_15 = vector.shape_cast %dot_general3A_14 : vector<2560x128xf32> to vector<128x20x128xf32>
    %convert_element_type3A_16 = arith.truncf %get3A_3 : vector<128x64xf32> to vector<128x64xbf16>
    %get3A_17 = arith.constant 0 : index
    %get3A_18 = arith.constant 0 : index
    %get3A_19 = vector.load %arg5[%get3A_17, %get3A_18] : memref<128x64xbf16, #tpu.memory_space<vmem>>, vector<128x64xbf16>
    %dot_general3A_20 = arith.constant dense<0.000000e+00> : vector<128x128xf32>
    %dot_general3A_21 = tpu.matmul %convert_element_type3A_16, %get3A_19, %dot_general3A_20 {dimension_numbers = #tpu.dot_dimension_numbers<[1], [1], [0], [0], [0, 0, 1, 0], [], []>, transpose_lhs_hint = false} : vector<128x64xbf16>, vector<128x64xbf16>, vector<128x128xf32> -> vector<128x128xf32>
    %reduce_max3A = arith.constant dense<0xFF800000> : vector<128x128xf32>
    %reduce_max3A_22 = vector.multi_reduction <maximumf>, %reshape3A_15, %reduce_max3A [1] : vector<128x20x128xf32> to vector<128x128xf32>
    %add3A = arith.addf %reduce_max3A_22, %dot_general3A_21 : vector<128x128xf32>
    %jit3A = arith.constant 2.000000e-01 : f32
    %ge3A = arith.constant 0.000000e+00 : f32
    %ge3A_23 = vector.broadcast %ge3A : f32 to vector<128x128xf32>
    %ge3A_24 = arith.cmpf oge, %add3A, %ge3A_23 : vector<128x128xf32>
    %mul3A = vector.broadcast %jit3A : f32 to vector<128x128xf32>
    %mul3A_25 = arith.mulf %mul3A, %add3A : vector<128x128xf32>
    %select_n3A = arith.select %ge3A_24, %add3A, %mul3A_25 : vector<128x128xi1>, vector<128x128xf32>
    %swap3A = arith.constant 0 : index
    %swap3A_26 = arith.constant 0 : index
    %swap3A_27 = arith.constant 0 : index
    %swap3A_28 = vector.load %arg6[%swap3A, %swap3A_26, %swap3A_27] : memref<1x128x128xf32, #tpu.memory_space<vmem>>, vector<1x128x128xf32>
    %swap3A_29 = vector.shape_cast %swap3A_28 : vector<1x128x128xf32> to vector<128x128xf32>
    %swap3A_30 = vector.shape_cast %select_n3A : vector<128x128xf32> to vector<1x128x128xf32>
    tpu.vector_store %arg6[%swap3A, %swap3A_26, %swap3A_27], %swap3A_30 {strides = array<i32>} : memref<1x128x128xf32, #tpu.memory_space<vmem>>, vector<1x128x128xf32>,
    return
  }
  func.func @transform_0(%arg0: i32, %arg1: i32) -> (i32, i32, i32) {
    %c0_i32 = arith.constant 0 : i32
    %c0_i32_0 = arith.constant 0 : i32
    return %arg0, %arg1, %c0_i32 : i32, i32, i32
  }
  func.func @transform_1(%arg0: i32, %arg1: i32) -> (i32, i32, i32) {
    %c0_i32 = arith.constant 0 : i32
    %c0_i32_0 = arith.constant 0 : i32
    return %arg0, %arg1, %c0_i32 : i32, i32, i32
  }
  func.func @transform_2(%arg0: i32, %arg1: i32) -> (i32, i32) {
    %c0_i32 = arith.constant 0 : i32
    %c0_i32_0 = arith.constant 0 : i32
    %c0_i32_1 = arith.constant 0 : i32
    return %c0_i32, %c0_i32_0 : i32, i32
  }
  func.func @transform_3(%arg0: i32, %arg1: i32) -> (i32, i32) {
    %c0_i32 = arith.constant 0 : i32
    %c0_i32_0 = arith.constant 0 : i32
    %c0_i32_1 = arith.constant 0 : i32
    return %c0_i32, %c0_i32_0 : i32, i32
  }
  func.func @transform_4(%arg0: i32, %arg1: i32) -> (i32, i32, i32) {
    %c0_i32 = arith.constant 0 : i32
    %c0_i32_0 = arith.constant 0 : i32
    return %arg0, %arg1, %c0_i32 : i32, i32, i32
  }
}

module attributes {stable_mosaic.version = 14 : i64} {
  func.func @_topk_body(%arg0: i32, %arg1: i32, %arg2: memref<1x512x128xf32, #tpu.memory_space<vmem>>, %arg3: memref<1x128x2048xf32, #tpu.memory_space<vmem>>, %arg4: memref<1x512x20xi32, #tpu.memory_space<vmem>>, %arg5: memref<512x2048xf32, #tpu.memory_space<vmem>>) attributes {dimension_semantics = [#tpu.dimension_semantics<arbitrary>, #tpu.dimension_semantics<arbitrary>], iteration_bounds = array<i64: 8, 4>, scalar_prefetch = 0 : i64, scratch_operands = 1 : i64, tpu.core_type = #tpu.core_type<tc>, window_params = [{transform_indices = @transform_0, window_bounds = array<i64: 1, 512, 128>}, {transform_indices = @transform_1, window_bounds = array<i64: 1, 128, 2048>}, {transform_indices = @transform_2, window_bounds = array<i64: 1, 512, 20>}]} {
    %get3A = arith.constant 0 : index
    %get3A_0 = arith.constant 0 : index
    %get3A_1 = arith.constant 0 : index
    %get3A_2 = vector.load %arg2[%get3A, %get3A_0, %get3A_1] : memref<1x512x128xf32, #tpu.memory_space<vmem>>, vector<1x512x128xf32>
    %get3A_3 = vector.shape_cast %get3A_2 : vector<1x512x128xf32> to vector<512x128xf32>
    %get3A_4 = arith.constant 0 : index
    %get3A_5 = arith.constant 0 : index
    %get3A_6 = arith.constant 0 : index
    %get3A_7 = vector.load %arg3[%get3A_4, %get3A_5, %get3A_6] : memref<1x128x2048xf32, #tpu.memory_space<vmem>>, vector<1x128x2048xf32>
    %get3A_8 = vector.shape_cast %get3A_7 : vector<1x128x2048xf32> to vector<128x2048xf32>
    %convert_element_type3A = arith.truncf %get3A_3 : vector<512x128xf32> to vector<512x128xbf16>
    %convert_element_type3A_9 = arith.truncf %get3A_8 : vector<128x2048xf32> to vector<128x2048xbf16>
    %dot_general3A = arith.constant dense<0.000000e+00> : vector<512x2048xf32>
    %dot_general3A_10 = tpu.matmul %convert_element_type3A, %convert_element_type3A_9, %dot_general3A {dimension_numbers = #tpu.dot_dimension_numbers<[1], [0], [0], [1], [0, 0, 1, 1], [], []>, transpose_lhs_hint = false} : vector<512x128xbf16>, vector<128x2048xbf16>, vector<512x2048xf32> -> vector<512x2048xf32>
    %mul3A = arith.mulf %get3A_3, %get3A_3 : vector<512x128xf32>
    %reduce_sum3A = arith.constant dense<0.000000e+00> : vector<512xf32>
    %reduce_sum3A_11 = vector.multi_reduction <add>, %mul3A, %reduce_sum3A [1] : vector<512x128xf32> to vector<512xf32>
    %broadcast_in_dim3A = vector.shape_cast %reduce_sum3A_11 : vector<512xf32> to vector<512x1xf32>
    %mul3A_12 = arith.mulf %get3A_8, %get3A_8 : vector<128x2048xf32>
    %reduce_sum3A_13 = arith.constant dense<0.000000e+00> : vector<2048xf32>
    %reduce_sum3A_14 = vector.multi_reduction <add>, %mul3A_12, %reduce_sum3A_13 [0] : vector<128x2048xf32> to vector<2048xf32>
    %broadcast_in_dim3A_15 = vector.shape_cast %reduce_sum3A_14 : vector<2048xf32> to vector<1x2048xf32>
    %mul3A_16 = arith.constant 2.000000e+00 : f32
    %mul3A_17 = vector.broadcast %mul3A_16 : f32 to vector<512x2048xf32>
    %mul3A_18 = arith.mulf %mul3A_17, %dot_general3A_10 : vector<512x2048xf32>
    %sub3A = vector.broadcast %broadcast_in_dim3A : vector<512x1xf32> to vector<512x2048xf32>
    %sub3A_19 = arith.subf %mul3A_18, %sub3A : vector<512x2048xf32>
    %sub3A_20 = vector.broadcast %broadcast_in_dim3A_15 : vector<1x2048xf32> to vector<512x2048xf32>
    %sub3A_21 = arith.subf %sub3A_19, %sub3A_20 : vector<512x2048xf32>
    %swap3A = arith.constant 0 : index
    %swap3A_22 = arith.constant 0 : index
    %swap3A_23 = vector.load %arg5[%swap3A, %swap3A_22] : memref<512x2048xf32, #tpu.memory_space<vmem>>, vector<512x2048xf32>
    tpu.vector_store %arg5[%swap3A, %swap3A_22], %sub3A_21 {strides = array<i32>} : memref<512x2048xf32, #tpu.memory_space<vmem>>, vector<512x2048xf32>,
    %iota3A = tpu.iota {dimensions = array<i32: 1>} : vector<512x2048xi32>
    %iota3A_24 = tpu.iota {dimensions = array<i32: 1>} : vector<512x20xi32>
    %broadcast_in_dim3A_25 = arith.constant 0 : i32
    %broadcast_in_dim3A_26 = vector.broadcast %broadcast_in_dim3A_25 : i32 to vector<512x20xi32>
    %scan3A = arith.constant 0 : i32
    %scan3A_27 = arith.constant 20 : i32
    %scan3A_28 = arith.addi %scan3A, %scan3A_27 : i32
    %scan3A_29 = arith.constant 1 : i32
    %scan3A_30 = scf.for %scan3A_38 = %scan3A to %scan3A_28 step %scan3A_29 iter_args(%scan3A_39 = %broadcast_in_dim3A_26) -> (vector<512x20xi32>)  : i32 {
      %get3A_40 = arith.constant 0 : index
      %get3A_41 = arith.constant 0 : index
      %get3A_42 = vector.load %arg5[%get3A_40, %get3A_41] : memref<512x2048xf32, #tpu.memory_space<vmem>>, vector<512x2048xf32>
      %reduce_max3A = arith.constant dense<0xFF800000> : vector<512xf32>
      %reduce_max3A_43 = vector.multi_reduction <maximumf>, %get3A_42, %reduce_max3A [1] : vector<512x2048xf32> to vector<512xf32>
      %broadcast_in_dim3A_44 = vector.shape_cast %reduce_max3A_43 : vector<512xf32> to vector<512x1xf32>
      %eq3A = vector.broadcast %broadcast_in_dim3A_44 : vector<512x1xf32> to vector<512x2048xf32>
      %eq3A_45 = arith.cmpf oeq, %get3A_42, %eq3A : vector<512x2048xf32>
      %jit3A = arith.constant 2048 : i32
      %broadcast_in_dim3A_46 = vector.broadcast %jit3A : i32 to vector<512x2048xi32>
      %select_n3A = arith.select %eq3A_45, %iota3A, %broadcast_in_dim3A_46 : vector<512x2048xi1>, vector<512x2048xi32>
      %reduce_min3A = arith.constant dense<2147483647> : vector<512xi32>
      %reduce_min3A_47 = vector.multi_reduction <minsi>, %select_n3A, %reduce_min3A [1] : vector<512x2048xi32> to vector<512xi32>
      %broadcast_in_dim3A_48 = vector.shape_cast %reduce_min3A_47 : vector<512xi32> to vector<512x1xi32>
      %eq3A_49 = vector.broadcast %broadcast_in_dim3A_48 : vector<512x1xi32> to vector<512x2048xi32>
      %eq3A_50 = arith.cmpi eq, %iota3A, %eq3A_49 : vector<512x2048xi32>
      %jit3A_51 = arith.constant 0xFF800000 : f32
      %broadcast_in_dim3A_52 = vector.broadcast %jit3A_51 : f32 to vector<512x2048xf32>
      %select_n3A_53 = arith.select %eq3A_50, %broadcast_in_dim3A_52, %get3A_42 : vector<512x2048xi1>, vector<512x2048xf32>
      %swap3A_54 = arith.constant 0 : index
      %swap3A_55 = arith.constant 0 : index
      %swap3A_56 = vector.load %arg5[%swap3A_54, %swap3A_55] : memref<512x2048xf32, #tpu.memory_space<vmem>>, vector<512x2048xf32>
      tpu.vector_store %arg5[%swap3A_54, %swap3A_55], %select_n3A_53 {strides = array<i32>} : memref<512x2048xf32, #tpu.memory_space<vmem>>, vector<512x2048xf32>,
      %eq3A_57 = vector.broadcast %scan3A_38 : i32 to vector<512x20xi32>
      %eq3A_58 = arith.cmpi eq, %iota3A_24, %eq3A_57 : vector<512x20xi32>
      %broadcast_in_dim3A_59 = vector.shape_cast %broadcast_in_dim3A_48 : vector<512x1xi32> to vector<512x1xi32>
      %broadcast_in_dim3A_60 = vector.broadcast %broadcast_in_dim3A_59 : vector<512x1xi32> to vector<512x20xi32>
      %select_n3A_61 = arith.select %eq3A_58, %broadcast_in_dim3A_60, %scan3A_39 : vector<512x20xi1>, vector<512x20xi32>
      scf.yield %select_n3A_61 : vector<512x20xi32>
    }
    %scan3A_31 = arith.constant 20 : i32
    %swap3A_32 = arith.constant 0 : index
    %swap3A_33 = arith.constant 0 : index
    %swap3A_34 = arith.constant 0 : index
    %swap3A_35 = vector.load %arg4[%swap3A_32, %swap3A_33, %swap3A_34] : memref<1x512x20xi32, #tpu.memory_space<vmem>>, vector<1x512x20xi32>
    %swap3A_36 = vector.shape_cast %swap3A_35 : vector<1x512x20xi32> to vector<512x20xi32>
    %swap3A_37 = vector.shape_cast %scan3A_30 : vector<512x20xi32> to vector<1x512x20xi32>
    tpu.vector_store %arg4[%swap3A_32, %swap3A_33, %swap3A_34], %swap3A_37 {strides = array<i32>} : memref<1x512x20xi32, #tpu.memory_space<vmem>>, vector<1x512x20xi32>,
    return
  }
  func.func @transform_0(%arg0: i32, %arg1: i32) -> (i32, i32, i32) {
    %c0_i32 = arith.constant 0 : i32
    %c0_i32_0 = arith.constant 0 : i32
    return %arg0, %arg1, %c0_i32 : i32, i32, i32
  }
  func.func @transform_1(%arg0: i32, %arg1: i32) -> (i32, i32, i32) {
    %c0_i32 = arith.constant 0 : i32
    %c0_i32_0 = arith.constant 0 : i32
    %c0_i32_1 = arith.constant 0 : i32
    return %arg0, %c0_i32, %c0_i32_0 : i32, i32, i32
  }
  func.func @transform_2(%arg0: i32, %arg1: i32) -> (i32, i32, i32) {
    %c0_i32 = arith.constant 0 : i32
    %c0_i32_0 = arith.constant 0 : i32
    return %arg0, %arg1, %c0_i32 : i32, i32, i32
  }
}

module attributes {stable_mosaic.version = 14 : i64} {
  func.func @_econv_body(%arg0: i32, %arg1: i32, %arg2: memref<1x2560x128xf32, #tpu.memory_space<vmem>>, %arg3: memref<1x128x128xf32, #tpu.memory_space<vmem>>, %arg4: memref<256x128xbf16, #tpu.memory_space<vmem>>, %arg5: memref<256x128xbf16, #tpu.memory_space<vmem>>, %arg6: memref<1x128x256xf32, #tpu.memory_space<vmem>>) attributes {dimension_semantics = [#tpu.dimension_semantics<arbitrary>, #tpu.dimension_semantics<arbitrary>], iteration_bounds = array<i64: 8, 16>, scalar_prefetch = 0 : i64, scratch_operands = 0 : i64, tpu.core_type = #tpu.core_type<tc>, window_params = [{transform_indices = @transform_0, window_bounds = array<i64: 1, 2560, 128>}, {transform_indices = @transform_1, window_bounds = array<i64: 1, 128, 128>}, {pipeline_mode = #tpu.pipeline_mode<synchronous>, transform_indices = @transform_2, window_bounds = array<i64: 256, 128>}, {pipeline_mode = #tpu.pipeline_mode<synchronous>, transform_indices = @transform_3, window_bounds = array<i64: 256, 128>}, {transform_indices = @transform_4, window_bounds = array<i64: 1, 128, 256>}]} {
    %get3A = arith.constant 0 : index
    %get3A_0 = arith.constant 0 : index
    %get3A_1 = arith.constant 0 : index
    %get3A_2 = vector.load %arg3[%get3A, %get3A_0, %get3A_1] : memref<1x128x128xf32, #tpu.memory_space<vmem>>, vector<1x128x128xf32>
    %get3A_3 = vector.shape_cast %get3A_2 : vector<1x128x128xf32> to vector<128x128xf32>
    %get3A_4 = arith.constant 0 : index
    %get3A_5 = arith.constant 0 : index
    %get3A_6 = arith.constant 0 : index
    %get3A_7 = vector.load %arg2[%get3A_4, %get3A_5, %get3A_6] : memref<1x2560x128xf32, #tpu.memory_space<vmem>>, vector<1x2560x128xf32>
    %get3A_8 = vector.shape_cast %get3A_7 : vector<1x2560x128xf32> to vector<2560x128xf32>
    %reshape3A = vector.shape_cast %get3A_8 : vector<2560x128xf32> to vector<128x20x128xf32>
    %broadcast_in_dim3A = vector.shape_cast %get3A_3 : vector<128x128xf32> to vector<128x1x128xf32>
    %sub3A = vector.broadcast %broadcast_in_dim3A : vector<128x1x128xf32> to vector<128x20x128xf32>
    %sub3A_9 = arith.subf %reshape3A, %sub3A : vector<128x20x128xf32>
    %convert_element_type3A = arith.truncf %sub3A_9 : vector<128x20x128xf32> to vector<128x20x128xbf16>
    %reshape3A_10 = vector.shape_cast %convert_element_type3A : vector<128x20x128xbf16> to vector<2560x128xbf16>
    %get3A_11 = arith.constant 0 : index
    %get3A_12 = arith.constant 0 : index
    %get3A_13 = vector.load %arg4[%get3A_11, %get3A_12] : memref<256x128xbf16, #tpu.memory_space<vmem>>, vector<256x128xbf16>
    %dot_general3A = arith.constant dense<0.000000e+00> : vector<2560x256xf32>
    %dot_general3A_14 = tpu.matmul %reshape3A_10, %get3A_13, %dot_general3A {dimension_numbers = #tpu.dot_dimension_numbers<[1], [1], [0], [0], [0, 0, 1, 0], [], []>, transpose_lhs_hint = false} : vector<2560x128xbf16>, vector<256x128xbf16>, vector<2560x256xf32> -> vector<2560x256xf32>
    %reshape3A_15 = vector.shape_cast %dot_general3A_14 : vector<2560x256xf32> to vector<128x20x256xf32>
    %convert_element_type3A_16 = arith.truncf %get3A_3 : vector<128x128xf32> to vector<128x128xbf16>
    %get3A_17 = arith.constant 0 : index
    %get3A_18 = arith.constant 0 : index
    %get3A_19 = vector.load %arg5[%get3A_17, %get3A_18] : memref<256x128xbf16, #tpu.memory_space<vmem>>, vector<256x128xbf16>
    %dot_general3A_20 = arith.constant dense<0.000000e+00> : vector<128x256xf32>
    %dot_general3A_21 = tpu.matmul %convert_element_type3A_16, %get3A_19, %dot_general3A_20 {dimension_numbers = #tpu.dot_dimension_numbers<[1], [1], [0], [0], [0, 0, 1, 0], [], []>, transpose_lhs_hint = false} : vector<128x128xbf16>, vector<256x128xbf16>, vector<128x256xf32> -> vector<128x256xf32>
    %reduce_max3A = arith.constant dense<0xFF800000> : vector<128x256xf32>
    %reduce_max3A_22 = vector.multi_reduction <maximumf>, %reshape3A_15, %reduce_max3A [1] : vector<128x20x256xf32> to vector<128x256xf32>
    %add3A = arith.addf %reduce_max3A_22, %dot_general3A_21 : vector<128x256xf32>
    %jit3A = arith.constant 2.000000e-01 : f32
    %ge3A = arith.constant 0.000000e+00 : f32
    %ge3A_23 = vector.broadcast %ge3A : f32 to vector<128x256xf32>
    %ge3A_24 = arith.cmpf oge, %add3A, %ge3A_23 : vector<128x256xf32>
    %mul3A = vector.broadcast %jit3A : f32 to vector<128x256xf32>
    %mul3A_25 = arith.mulf %mul3A, %add3A : vector<128x256xf32>
    %select_n3A = arith.select %ge3A_24, %add3A, %mul3A_25 : vector<128x256xi1>, vector<128x256xf32>
    %swap3A = arith.constant 0 : index
    %swap3A_26 = arith.constant 0 : index
    %swap3A_27 = arith.constant 0 : index
    %swap3A_28 = vector.load %arg6[%swap3A, %swap3A_26, %swap3A_27] : memref<1x128x256xf32, #tpu.memory_space<vmem>>, vector<1x128x256xf32>
    %swap3A_29 = vector.shape_cast %swap3A_28 : vector<1x128x256xf32> to vector<128x256xf32>
    %swap3A_30 = vector.shape_cast %select_n3A : vector<128x256xf32> to vector<1x128x256xf32>
    tpu.vector_store %arg6[%swap3A, %swap3A_26, %swap3A_27], %swap3A_30 {strides = array<i32>} : memref<1x128x256xf32, #tpu.memory_space<vmem>>, vector<1x128x256xf32>,
    return
  }
  func.func @transform_0(%arg0: i32, %arg1: i32) -> (i32, i32, i32) {
    %c0_i32 = arith.constant 0 : i32
    %c0_i32_0 = arith.constant 0 : i32
    return %arg0, %arg1, %c0_i32 : i32, i32, i32
  }
  func.func @transform_1(%arg0: i32, %arg1: i32) -> (i32, i32, i32) {
    %c0_i32 = arith.constant 0 : i32
    %c0_i32_0 = arith.constant 0 : i32
    return %arg0, %arg1, %c0_i32 : i32, i32, i32
  }
  func.func @transform_2(%arg0: i32, %arg1: i32) -> (i32, i32) {
    %c0_i32 = arith.constant 0 : i32
    %c0_i32_0 = arith.constant 0 : i32
    %c0_i32_1 = arith.constant 0 : i32
    return %c0_i32, %c0_i32_0 : i32, i32
  }
  func.func @transform_3(%arg0: i32, %arg1: i32) -> (i32, i32) {
    %c0_i32 = arith.constant 0 : i32
    %c0_i32_0 = arith.constant 0 : i32
    %c0_i32_1 = arith.constant 0 : i32
    return %c0_i32, %c0_i32_0 : i32, i32
  }
  func.func @transform_4(%arg0: i32, %arg1: i32) -> (i32, i32, i32) {
    %c0_i32 = arith.constant 0 : i32
    %c0_i32_0 = arith.constant 0 : i32
    return %arg0, %arg1, %c0_i32 : i32, i32, i32
  }
}

module attributes {stable_mosaic.version = 14 : i64} {
  func.func @_pool_body(%arg0: i32, %arg1: i32, %arg2: memref<1x512x64xf32, #tpu.memory_space<vmem>>, %arg3: memref<1x512x64xf32, #tpu.memory_space<vmem>>, %arg4: memref<1x512x128xf32, #tpu.memory_space<vmem>>, %arg5: memref<1x512x256xf32, #tpu.memory_space<vmem>>, %arg6: memref<1024x64xbf16, #tpu.memory_space<vmem>>, %arg7: memref<1024x64xbf16, #tpu.memory_space<vmem>>, %arg8: memref<1024x128xbf16, #tpu.memory_space<vmem>>, %arg9: memref<1024x256xbf16, #tpu.memory_space<vmem>>, %arg10: memref<1x2x1024xf32, #tpu.memory_space<vmem>>) attributes {dimension_semantics = [#tpu.dimension_semantics<arbitrary>, #tpu.dimension_semantics<arbitrary>], iteration_bounds = array<i64: 8, 4>, scalar_prefetch = 0 : i64, scratch_operands = 0 : i64, tpu.core_type = #tpu.core_type<tc>, window_params = [{transform_indices = @transform_0, window_bounds = array<i64: 1, 512, 64>}, {transform_indices = @transform_1, window_bounds = array<i64: 1, 512, 64>}, {transform_indices = @transform_2, window_bounds = array<i64: 1, 512, 128>}, {transform_indices = @transform_3, window_bounds = array<i64: 1, 512, 256>}, {pipeline_mode = #tpu.pipeline_mode<synchronous>, transform_indices = @transform_4, window_bounds = array<i64: 1024, 64>}, {pipeline_mode = #tpu.pipeline_mode<synchronous>, transform_indices = @transform_5, window_bounds = array<i64: 1024, 64>}, {pipeline_mode = #tpu.pipeline_mode<synchronous>, transform_indices = @transform_6, window_bounds = array<i64: 1024, 128>}, {pipeline_mode = #tpu.pipeline_mode<synchronous>, transform_indices = @transform_7, window_bounds = array<i64: 1024, 256>}, {transform_indices = @transform_8, window_bounds = array<i64: 1, 2, 1024>}]} {
    %get3A = arith.constant 0 : index
    %get3A_0 = arith.constant 0 : index
    %get3A_1 = arith.constant 0 : index
    %get3A_2 = vector.load %arg2[%get3A, %get3A_0, %get3A_1] : memref<1x512x64xf32, #tpu.memory_space<vmem>>, vector<1x512x64xf32>
    %get3A_3 = vector.shape_cast %get3A_2 : vector<1x512x64xf32> to vector<512x64xf32>
    %convert_element_type3A = arith.truncf %get3A_3 : vector<512x64xf32> to vector<512x64xbf16>
    %get3A_4 = arith.constant 0 : index
    %get3A_5 = arith.constant 0 : index
    %get3A_6 = vector.load %arg6[%get3A_4, %get3A_5] : memref<1024x64xbf16, #tpu.memory_space<vmem>>, vector<1024x64xbf16>
    %dot_general3A = arith.constant dense<0.000000e+00> : vector<512x1024xf32>
    %dot_general3A_7 = tpu.matmul %convert_element_type3A, %get3A_6, %dot_general3A {dimension_numbers = #tpu.dot_dimension_numbers<[1], [1], [0], [0], [0, 0, 1, 0], [], []>, transpose_lhs_hint = false} : vector<512x64xbf16>, vector<1024x64xbf16>, vector<512x1024xf32> -> vector<512x1024xf32>
    %get3A_8 = arith.constant 0 : index
    %get3A_9 = arith.constant 0 : index
    %get3A_10 = arith.constant 0 : index
    %get3A_11 = vector.load %arg3[%get3A_8, %get3A_9, %get3A_10] : memref<1x512x64xf32, #tpu.memory_space<vmem>>, vector<1x512x64xf32>
    %get3A_12 = vector.shape_cast %get3A_11 : vector<1x512x64xf32> to vector<512x64xf32>
    %convert_element_type3A_13 = arith.truncf %get3A_12 : vector<512x64xf32> to vector<512x64xbf16>
    %get3A_14 = arith.constant 0 : index
    %get3A_15 = arith.constant 0 : index
    %get3A_16 = vector.load %arg7[%get3A_14, %get3A_15] : memref<1024x64xbf16, #tpu.memory_space<vmem>>, vector<1024x64xbf16>
    %dot_general3A_17 = arith.constant dense<0.000000e+00> : vector<512x1024xf32>
    %dot_general3A_18 = tpu.matmul %convert_element_type3A_13, %get3A_16, %dot_general3A_17 {dimension_numbers = #tpu.dot_dimension_numbers<[1], [1], [0], [0], [0, 0, 1, 0], [], []>, transpose_lhs_hint = false} : vector<512x64xbf16>, vector<1024x64xbf16>, vector<512x1024xf32> -> vector<512x1024xf32>
    %add3A = arith.addf %dot_general3A_7, %dot_general3A_18 : vector<512x1024xf32>
    %get3A_19 = arith.constant 0 : index
    %get3A_20 = arith.constant 0 : index
    %get3A_21 = arith.constant 0 : index
    %get3A_22 = vector.load %arg4[%get3A_19, %get3A_20, %get3A_21] : memref<1x512x128xf32, #tpu.memory_space<vmem>>, vector<1x512x128xf32>
    %get3A_23 = vector.shape_cast %get3A_22 : vector<1x512x128xf32> to vector<512x128xf32>
    %convert_element_type3A_24 = arith.truncf %get3A_23 : vector<512x128xf32> to vector<512x128xbf16>
    %get3A_25 = arith.constant 0 : index
    %get3A_26 = arith.constant 0 : index
    %get3A_27 = vector.load %arg8[%get3A_25, %get3A_26] : memref<1024x128xbf16, #tpu.memory_space<vmem>>, vector<1024x128xbf16>
    %dot_general3A_28 = arith.constant dense<0.000000e+00> : vector<512x1024xf32>
    %dot_general3A_29 = tpu.matmul %convert_element_type3A_24, %get3A_27, %dot_general3A_28 {dimension_numbers = #tpu.dot_dimension_numbers<[1], [1], [0], [0], [0, 0, 1, 0], [], []>, transpose_lhs_hint = false} : vector<512x128xbf16>, vector<1024x128xbf16>, vector<512x1024xf32> -> vector<512x1024xf32>
    %add3A_30 = arith.addf %add3A, %dot_general3A_29 : vector<512x1024xf32>
    %get3A_31 = arith.constant 0 : index
    %get3A_32 = arith.constant 0 : index
    %get3A_33 = arith.constant 0 : index
    %get3A_34 = vector.load %arg5[%get3A_31, %get3A_32, %get3A_33] : memref<1x512x256xf32, #tpu.memory_space<vmem>>, vector<1x512x256xf32>
    %get3A_35 = vector.shape_cast %get3A_34 : vector<1x512x256xf32> to vector<512x256xf32>
    %convert_element_type3A_36 = arith.truncf %get3A_35 : vector<512x256xf32> to vector<512x256xbf16>
    %get3A_37 = arith.constant 0 : index
    %get3A_38 = arith.constant 0 : index
    %get3A_39 = vector.load %arg9[%get3A_37, %get3A_38] : memref<1024x256xbf16, #tpu.memory_space<vmem>>, vector<1024x256xbf16>
    %dot_general3A_40 = arith.constant dense<0.000000e+00> : vector<512x1024xf32>
    %dot_general3A_41 = tpu.matmul %convert_element_type3A_36, %get3A_39, %dot_general3A_40 {dimension_numbers = #tpu.dot_dimension_numbers<[1], [1], [0], [0], [0, 0, 1, 0], [], []>, transpose_lhs_hint = false} : vector<512x256xbf16>, vector<1024x256xbf16>, vector<512x1024xf32> -> vector<512x1024xf32>
    %add3A_42 = arith.addf %add3A_30, %dot_general3A_41 : vector<512x1024xf32>
    %jit3A = arith.constant 2.000000e-01 : f32
    %ge3A = arith.constant 0.000000e+00 : f32
    %ge3A_43 = vector.broadcast %ge3A : f32 to vector<512x1024xf32>
    %ge3A_44 = arith.cmpf oge, %add3A_42, %ge3A_43 : vector<512x1024xf32>
    %mul3A = vector.broadcast %jit3A : f32 to vector<512x1024xf32>
    %mul3A_45 = arith.mulf %mul3A, %add3A_42 : vector<512x1024xf32>
    %select_n3A = arith.select %ge3A_44, %add3A_42, %mul3A_45 : vector<512x1024xi1>, vector<512x1024xf32>
    %reduce_max3A = arith.constant dense<0xFF800000> : vector<1024xf32>
    %reduce_max3A_46 = vector.multi_reduction <maximumf>, %select_n3A, %reduce_max3A [0] : vector<512x1024xf32> to vector<1024xf32>
    %broadcast_in_dim3A = vector.shape_cast %reduce_max3A_46 : vector<1024xf32> to vector<1x1024xf32>
    %reduce_sum3A = arith.constant dense<0.000000e+00> : vector<1024xf32>
    %reduce_sum3A_47 = vector.multi_reduction <add>, %select_n3A, %reduce_sum3A [0] : vector<512x1024xf32> to vector<1024xf32>
    %broadcast_in_dim3A_48 = vector.shape_cast %reduce_sum3A_47 : vector<1024xf32> to vector<1x1024xf32>
    %eq3A = arith.constant 0 : i32
    %eq3A_49 = arith.cmpi eq, %arg1, %eq3A : i32
    %convert_element_type3A_50 = arith.extui %eq3A_49 : i1 to i32
    %cond3A = arith.constant 0 : i32
    %cond3A_51 = arith.cmpi ne, %convert_element_type3A_50, %cond3A : i32
    scf.if %cond3A_51 {
      %swap3A = arith.constant 0 : index
      %swap3A_56 = arith.constant 0 : index
      %swap3A_57 = arith.constant 0 : index
      %swap3A_58 = vector.load %arg10[%swap3A, %swap3A_56, %swap3A_57] : memref<1x2x1024xf32, #tpu.memory_space<vmem>>, vector<1x1x1024xf32>
      %swap3A_59 = vector.shape_cast %swap3A_58 : vector<1x1x1024xf32> to vector<1x1024xf32>
      %swap3A_60 = vector.shape_cast %broadcast_in_dim3A : vector<1x1024xf32> to vector<1x1x1024xf32>
      tpu.vector_store %arg10[%swap3A, %swap3A_56, %swap3A_57], %swap3A_60 {strides = array<i32>} : memref<1x2x1024xf32, #tpu.memory_space<vmem>>, vector<1x1x1024xf32>,
      %swap3A_61 = arith.constant 0 : index
      %swap3A_62 = arith.constant 1 : index
      %swap3A_63 = arith.constant 0 : index
      %swap3A_64 = vector.load %arg10[%swap3A_61, %swap3A_62, %swap3A_63] : memref<1x2x1024xf32, #tpu.memory_space<vmem>>, vector<1x1x1024xf32>
      %swap3A_65 = vector.shape_cast %swap3A_64 : vector<1x1x1024xf32> to vector<1x1024xf32>
      %swap3A_66 = vector.shape_cast %broadcast_in_dim3A_48 : vector<1x1024xf32> to vector<1x1x1024xf32>
      tpu.vector_store %arg10[%swap3A_61, %swap3A_62, %swap3A_63], %swap3A_66 {strides = array<i32>} : memref<1x2x1024xf32, #tpu.memory_space<vmem>>, vector<1x1x1024xf32>,
    } else {
    }
    %ne3A = arith.constant 0 : i32
    %ne3A_52 = arith.cmpi ne, %arg1, %ne3A : i32
    %convert_element_type3A_53 = arith.extui %ne3A_52 : i1 to i32
    %cond3A_54 = arith.constant 0 : i32
    %cond3A_55 = arith.cmpi ne, %convert_element_type3A_53, %cond3A_54 : i32
    scf.if %cond3A_55 {
      %get3A_56 = arith.constant 0 : index
      %get3A_57 = arith.constant 0 : index
      %get3A_58 = arith.constant 0 : index
      %get3A_59 = vector.load %arg10[%get3A_56, %get3A_57, %get3A_58] : memref<1x2x1024xf32, #tpu.memory_space<vmem>>, vector<1x1x1024xf32>
      %get3A_60 = vector.shape_cast %get3A_59 : vector<1x1x1024xf32> to vector<1x1024xf32>
      %max3A = arith.maximumf %get3A_60, %broadcast_in_dim3A : vector<1x1024xf32>
      %swap3A = arith.constant 0 : index
      %swap3A_61 = arith.constant 0 : index
      %swap3A_62 = arith.constant 0 : index
      %swap3A_63 = vector.load %arg10[%swap3A, %swap3A_61, %swap3A_62] : memref<1x2x1024xf32, #tpu.memory_space<vmem>>, vector<1x1x1024xf32>
      %swap3A_64 = vector.shape_cast %swap3A_63 : vector<1x1x1024xf32> to vector<1x1024xf32>
      %swap3A_65 = vector.shape_cast %max3A : vector<1x1024xf32> to vector<1x1x1024xf32>
      tpu.vector_store %arg10[%swap3A, %swap3A_61, %swap3A_62], %swap3A_65 {strides = array<i32>} : memref<1x2x1024xf32, #tpu.memory_space<vmem>>, vector<1x1x1024xf32>,
      %get3A_66 = arith.constant 0 : index
      %get3A_67 = arith.constant 1 : index
      %get3A_68 = arith.constant 0 : index
      %get3A_69 = vector.load %arg10[%get3A_66, %get3A_67, %get3A_68] : memref<1x2x1024xf32, #tpu.memory_space<vmem>>, vector<1x1x1024xf32>
      %get3A_70 = vector.shape_cast %get3A_69 : vector<1x1x1024xf32> to vector<1x1024xf32>
      %add3A_71 = arith.addf %get3A_70, %broadcast_in_dim3A_48 : vector<1x1024xf32>
      %swap3A_72 = arith.constant 0 : index
      %swap3A_73 = arith.constant 1 : index
      %swap3A_74 = arith.constant 0 : index
      %swap3A_75 = vector.load %arg10[%swap3A_72, %swap3A_73, %swap3A_74] : memref<1x2x1024xf32, #tpu.memory_space<vmem>>, vector<1x1x1024xf32>
      %swap3A_76 = vector.shape_cast %swap3A_75 : vector<1x1x1024xf32> to vector<1x1024xf32>
      %swap3A_77 = vector.shape_cast %add3A_71 : vector<1x1024xf32> to vector<1x1x1024xf32>
      tpu.vector_store %arg10[%swap3A_72, %swap3A_73, %swap3A_74], %swap3A_77 {strides = array<i32>} : memref<1x2x1024xf32, #tpu.memory_space<vmem>>, vector<1x1x1024xf32>,
    } else {
    }
    return
  }
  func.func @transform_0(%arg0: i32, %arg1: i32) -> (i32, i32, i32) {
    %c0_i32 = arith.constant 0 : i32
    %c0_i32_0 = arith.constant 0 : i32
    return %arg0, %arg1, %c0_i32 : i32, i32, i32
  }
  func.func @transform_1(%arg0: i32, %arg1: i32) -> (i32, i32, i32) {
    %c0_i32 = arith.constant 0 : i32
    %c0_i32_0 = arith.constant 0 : i32
    return %arg0, %arg1, %c0_i32 : i32, i32, i32
  }
  func.func @transform_2(%arg0: i32, %arg1: i32) -> (i32, i32, i32) {
    %c0_i32 = arith.constant 0 : i32
    %c0_i32_0 = arith.constant 0 : i32
    return %arg0, %arg1, %c0_i32 : i32, i32, i32
  }
  func.func @transform_3(%arg0: i32, %arg1: i32) -> (i32, i32, i32) {
    %c0_i32 = arith.constant 0 : i32
    %c0_i32_0 = arith.constant 0 : i32
    return %arg0, %arg1, %c0_i32 : i32, i32, i32
  }
  func.func @transform_4(%arg0: i32, %arg1: i32) -> (i32, i32) {
    %c0_i32 = arith.constant 0 : i32
    %c0_i32_0 = arith.constant 0 : i32
    %c0_i32_1 = arith.constant 0 : i32
    return %c0_i32, %c0_i32_0 : i32, i32
  }
  func.func @transform_5(%arg0: i32, %arg1: i32) -> (i32, i32) {
    %c0_i32 = arith.constant 0 : i32
    %c0_i32_0 = arith.constant 0 : i32
    %c0_i32_1 = arith.constant 0 : i32
    return %c0_i32, %c0_i32_0 : i32, i32
  }
  func.func @transform_6(%arg0: i32, %arg1: i32) -> (i32, i32) {
    %c0_i32 = arith.constant 0 : i32
    %c0_i32_0 = arith.constant 0 : i32
    %c0_i32_1 = arith.constant 0 : i32
    return %c0_i32, %c0_i32_0 : i32, i32
  }
  func.func @transform_7(%arg0: i32, %arg1: i32) -> (i32, i32) {
    %c0_i32 = arith.constant 0 : i32
    %c0_i32_0 = arith.constant 0 : i32
    %c0_i32_1 = arith.constant 0 : i32
    return %c0_i32, %c0_i32_0 : i32, i32
  }
  func.func @transform_8(%arg0: i32, %arg1: i32) -> (i32, i32, i32) {
    %c0_i32 = arith.constant 0 : i32
    %c0_i32_0 = arith.constant 0 : i32
    %c0_i32_1 = arith.constant 0 : i32
    return %arg0, %c0_i32, %c0_i32_0 : i32, i32, i32
  }
}

module attributes {stable_mosaic.version = 14 : i64} {
  func.func @_mlp_tail_body(%arg0: memref<8x2048xf32, #tpu.memory_space<vmem>>, %arg1: memref<512x2048xbf16, #tpu.memory_space<vmem>>, %arg2: memref<256x512xbf16, #tpu.memory_space<vmem>>, %arg3: memref<1x256xf32, #tpu.memory_space<vmem>>, %arg4: memref<40x256xbf16, #tpu.memory_space<vmem>>, %arg5: memref<1x40xf32, #tpu.memory_space<vmem>>, %arg6: memref<8x40xf32, #tpu.memory_space<vmem>>) attributes {dimension_semantics = [], scalar_prefetch = 0 : i64, scratch_operands = 0 : i64, tpu.core_type = #tpu.core_type<tc>} {
    %get3A = arith.constant 0 : index
    %get3A_0 = arith.constant 0 : index
    %get3A_1 = vector.load %arg0[%get3A, %get3A_0] : memref<8x2048xf32, #tpu.memory_space<vmem>>, vector<8x2048xf32>
    %convert_element_type3A = arith.truncf %get3A_1 : vector<8x2048xf32> to vector<8x2048xbf16>
    %get3A_2 = arith.constant 0 : index
    %get3A_3 = arith.constant 0 : index
    %get3A_4 = vector.load %arg1[%get3A_2, %get3A_3] : memref<512x2048xbf16, #tpu.memory_space<vmem>>, vector<512x2048xbf16>
    %dot_general3A = arith.constant dense<0.000000e+00> : vector<8x512xf32>
    %dot_general3A_5 = tpu.matmul %convert_element_type3A, %get3A_4, %dot_general3A {dimension_numbers = #tpu.dot_dimension_numbers<[1], [1], [0], [0], [0, 0, 1, 0], [], []>, transpose_lhs_hint = false} : vector<8x2048xbf16>, vector<512x2048xbf16>, vector<8x512xf32> -> vector<8x512xf32>
    %jit3A = arith.constant 2.000000e-01 : f32
    %ge3A = arith.constant 0.000000e+00 : f32
    %ge3A_6 = vector.broadcast %ge3A : f32 to vector<8x512xf32>
    %ge3A_7 = arith.cmpf oge, %dot_general3A_5, %ge3A_6 : vector<8x512xf32>
    %mul3A = vector.broadcast %jit3A : f32 to vector<8x512xf32>
    %mul3A_8 = arith.mulf %mul3A, %dot_general3A_5 : vector<8x512xf32>
    %select_n3A = arith.select %ge3A_7, %dot_general3A_5, %mul3A_8 : vector<8x512xi1>, vector<8x512xf32>
    %convert_element_type3A_9 = arith.truncf %select_n3A : vector<8x512xf32> to vector<8x512xbf16>
    %get3A_10 = arith.constant 0 : index
    %get3A_11 = arith.constant 0 : index
    %get3A_12 = vector.load %arg2[%get3A_10, %get3A_11] : memref<256x512xbf16, #tpu.memory_space<vmem>>, vector<256x512xbf16>
    %dot_general3A_13 = arith.constant dense<0.000000e+00> : vector<8x256xf32>
    %dot_general3A_14 = tpu.matmul %convert_element_type3A_9, %get3A_12, %dot_general3A_13 {dimension_numbers = #tpu.dot_dimension_numbers<[1], [1], [0], [0], [0, 0, 1, 0], [], []>, transpose_lhs_hint = false} : vector<8x512xbf16>, vector<256x512xbf16>, vector<8x256xf32> -> vector<8x256xf32>
    %get3A_15 = arith.constant 0 : index
    %get3A_16 = arith.constant 0 : index
    %get3A_17 = vector.load %arg3[%get3A_15, %get3A_16] : memref<1x256xf32, #tpu.memory_space<vmem>>, vector<1x256xf32>
    %add3A = vector.broadcast %get3A_17 : vector<1x256xf32> to vector<8x256xf32>
    %add3A_18 = arith.addf %dot_general3A_14, %add3A : vector<8x256xf32>
    %jit3A_19 = arith.constant 2.000000e-01 : f32
    %ge3A_20 = arith.constant 0.000000e+00 : f32
    %ge3A_21 = vector.broadcast %ge3A_20 : f32 to vector<8x256xf32>
    %ge3A_22 = arith.cmpf oge, %add3A_18, %ge3A_21 : vector<8x256xf32>
    %mul3A_23 = vector.broadcast %jit3A_19 : f32 to vector<8x256xf32>
    %mul3A_24 = arith.mulf %mul3A_23, %add3A_18 : vector<8x256xf32>
    %select_n3A_25 = arith.select %ge3A_22, %add3A_18, %mul3A_24 : vector<8x256xi1>, vector<8x256xf32>
    %convert_element_type3A_26 = arith.truncf %select_n3A_25 : vector<8x256xf32> to vector<8x256xbf16>
    %get3A_27 = arith.constant 0 : index
    %get3A_28 = arith.constant 0 : index
    %get3A_29 = vector.load %arg4[%get3A_27, %get3A_28] : memref<40x256xbf16, #tpu.memory_space<vmem>>, vector<40x256xbf16>
    %dot_general3A_30 = arith.constant dense<0.000000e+00> : vector<8x40xf32>
    %dot_general3A_31 = tpu.matmul %convert_element_type3A_26, %get3A_29, %dot_general3A_30 {dimension_numbers = #tpu.dot_dimension_numbers<[1], [1], [0], [0], [0, 0, 1, 0], [], []>, transpose_lhs_hint = false} : vector<8x256xbf16>, vector<40x256xbf16>, vector<8x40xf32> -> vector<8x40xf32>
    %get3A_32 = arith.constant 0 : index
    %get3A_33 = arith.constant 0 : index
    %get3A_34 = vector.load %arg5[%get3A_32, %get3A_33] : memref<1x40xf32, #tpu.memory_space<vmem>>, vector<1x40xf32>
    %add3A_35 = vector.broadcast %get3A_34 : vector<1x40xf32> to vector<8x40xf32>
    %add3A_36 = arith.addf %dot_general3A_31, %add3A_35 : vector<8x40xf32>
    %swap3A = arith.constant 0 : index
    %swap3A_37 = arith.constant 0 : index
    %swap3A_38 = vector.load %arg6[%swap3A, %swap3A_37] : memref<8x40xf32, #tpu.memory_space<vmem>>, vector<8x40xf32>
    tpu.vector_store %arg6[%swap3A, %swap3A_37], %add3A_36 {strides = array<i32>} : memref<8x40xf32, #tpu.memory_space<vmem>>, vector<8x40xf32>,
    return
  }
}

</mosaic_0001>

<sc_bundles>
// kernel: kernel.16.cloned.1.call-start
scs
__scs_entry_jumppad:
0x0: {  	(pc) =	sbr.rel $0x88, $3  }
0x1: {  	(tag) =	ssettag $0x0;
	lr =	simm.s32 $0x1  }
0x2: {  	[smem:$0x3F95] =	sst lr;
	_ =	strace $0xD0000000  }
0x3: {  	_ = 	snop  }
0x4: {  	_ = 	snop  }
0x5: {  	_ = 	snop  }
0x6: {  	_ = 	snop  }
0x7: {  	_ = 	snop  }
__scs_overlays_trampoline_lowered:
0x8: {  	[smem:$0x3FA4] =	sst s0  }
0x9: {  	[smem:$0x3FA5] =	sst s1  }
0xa: {  	[smem:$0x3FA6] =	sst s2  }
0xb: {  	[smem:$0x3FA7] =	sst s3  }
0xc: {  	[smem:$0x3FA8] =	sst s4  }
0xd: {  	[smem:$0x3FA9] =	sst s5  }
0xe: {  	[smem:$0x3FAA] =	sst s6  }
0xf: {  	[smem:$0x3FAB] =	sst s7  }
0x10: {  	[smem:$0x3FAC] =	sst s8  }
0x11: {  	[smem:$0x3FAD] =	sst s9;
	s0 =	simm.s32 @!p0 $0x0  }
0x12: {  	s1 =	sld [smem:$0x3F93];
	s0 =	simm.s32 @p0 $0x1  }
0x13: {  	[smem:$0x3FAE] =	sst s0;
	s0 =	simm.s32 @!p1 $0x0  }
0x14: {  	s2 =	sld [smem:$0x3F92];
	s0 =	simm.s32 @p1 $0x1  }
0x15: {  	[smem:$0x3FAF] =	sst s0;
	s0 =	simm.s32 @!p2 $0x0  }
0x16: {  	s3 =	sld [smem:$0x3FDB];
	s0 =	simm.s32 @p2 $0x1  }
0x17: {  	s4 =	simm.s32 $0x1BF5;
	[smem:$0x3FB1] =	sst s0  }
0x18: {  	s0 =	sld [smem:$0x3F94];
	_ =	swait.ge [sflag:s4], $0x0  }
0x19: {  	s7 =	sld [smem:$0x3F95]  }
0x1a: {  	s8 =	sadd.s32 $0xFFFFE003, lr  }
0x1b: {  	s9 =	sadd.s32 $0xFFFFFEF7, lr;
	s5 =	simm.s32 $0xFFFFFFFF;
	p2 =	slt.u32 s8, $0xFFFFF086  }
0x1c: {  	p1 =	slt.u32 s9, $0xF7A;
	s5 =	simm.s32 @!p2 $0x0  }
0x1d: {  	s5 =	simm.s32 @p1 $0x1;
	p0 =	seq.s32 s7, s2  }
0x1e: {  	s7 =	smul.u32 @!p0 $0xF7A, s2;
	p2 =	seq.s32 @!p0 s5, $0x0  }
0x1f: {  	s9 =	smul.u32 $0xF7A, s1;
	s8 =	simm.s32 @!p0 $0x1BF5;
	p2 =	por !p2, p0  }
0x20: {  	[sflag:s8] =	ssyncset.s32 @!p0 $0xFFFFF086;
	s6 =	sadd.s32 @!p0 s3, s7;
	s7 =	simm.s32 @!p0 $0x108  }
0x21: {  	s3 =	sadd.s32 s3, s9;
	s6 =	sadd.s32 @!p0 $0x88, s6;
	s7 =	simm.s32 @p2 $0x1082  }
0x22: {  	[simem:s7], [sflag:s8] =	dma.local @!p0 [hbm:s6], $0xF7A  }
0x23: {  	s9 =	sor.u32 $0xD0000000, s2;
	s6 =	simm.s32 $0x108;
	_ =	swait.ge @!p0 [sflag:s8], $0x0  }
0x24: {  	s3 =	sadd.s32 $0x88, s3;
	s6 =	simm.s32 @!p1 $0x1082;
	[sflag:s4] =	ssyncset.s32 $0xFFFFF086  }
0x25: {  	[simem:s6], [sflag:s4] =	dma.local [hbm:s3], $0xF7A  }
0x26: {  	[smem:$0x3F95] =	sst s1;
	(tag) =	ssettag s2;
	_ =	strace s9  }
0x27: {  	s1 =	sld [smem:$0x3FA5]  }
0x28: {  	s2 =	sld [smem:$0x3FA6]  }
0x29: {  	s4 =	sld [smem:$0x3FA8]  }
0x2a: {  	p0 =	seq.s32 s5, $0x0;
	s5 =	sld [smem:$0x3FA9]  }
0x2b: {  	s6 =	sld [smem:$0x3FAA]  }
0x2c: {  	s7 =	sld [smem:$0x3FAB]  }
0x2d: {  	s3 =	simm.s32 $0x108;
	s8 =	sld [smem:$0x3FAC]  }
0x2e: {  	s3 =	simm.s32 @!p0 $0x1082;
	s9 =	sld [smem:$0x3FAD]  }
0x2f: {  	lr =	sadd.s32 s0, s3;
	s0 =	sld [smem:$0x3FA4]  }
0x30: {  	s3 =	sld [smem:$0x3FA7]  }
0x31: {  	[smem:$0x3FB0] =	sst s10  }
0x32: {  	s10 =	sld [smem:$0x3FAE];
	_ =	sdelay $0x3  }
0x33: {  	p0 =	seq.s32 s10, $0x1;
	s10 =	sld [smem:$0x3FB0];
	_ =	sdelay $0x3  }
0x34: {  	[smem:$0x3FB0] =	sst s10  }
0x35: {  	s10 =	sld [smem:$0x3FAF];
	_ =	sdelay $0x3  }
0x36: {  	p1 =	seq.s32 s10, $0x1;
	s10 =	sld [smem:$0x3FB0];
	_ =	sdelay $0x3  }
0x37: {  	[smem:$0x3FB0] =	sst s10  }
0x38: {  	s10 =	sld [smem:$0x3FB1]  }
0x39: {  	_ = 	snop;
	(pc) =	sbr.ind lr, $3  }
0x3a: {  	_ = 	snop  }
0x3b: {  	_ = 	snop  }
0x3c: {  	p2 =	seq.s32 s10, $0x1;
	s10 =	sld [smem:$0x3FB0]  }
0x3d: {  	_ =	shalt  }
0x3e: {  	_ =	shalt  }
0x3f: {  	_ =	shalt  }
0x40: {  	_ =	shalt  }
0x41: {  	_ =	shalt  }
0x42: {  	_ =	shalt  }
0x43: {  	_ =	shalt  }
0x44: {  	_ =	shalt  }
0x45: {  	_ =	shalt  }
0x46: {  	_ =	shalt  }
0x47: {  	_ =	shalt  }
0x48: {  	_ =	shalt  }
0x49: {  	_ =	shalt  }
0x4a: {  	_ =	shalt  }
0x4b: {  	_ =	shalt  }
0x4c: {  	_ =	shalt  }
0x4d: {  	_ =	shalt  }
0x4e: {  	_ =	shalt  }
0x4f: {  	_ =	shalt  }
0x50: {  	_ =	shalt  }
0x51: {  	_ =	shalt  }
0x52: {  	_ =	shalt  }
0x53: {  	_ =	shalt  }
0x54: {  	_ =	shalt  }
0x55: {  	_ =	shalt  }
0x56: {  	_ =	shalt  }
0x57: {  	_ =	shalt  }
0x58: {  	_ =	shalt  }
0x59: {  	_ =	shalt  }
0x5a: {  	_ =	shalt  }
0x5b: {  	_ =	shalt  }
0x5c: {  	_ =	shalt  }
0x5d: {  	_ =	shalt  }
0x5e: {  	_ =	shalt  }
0x5f: {  	_ =	shalt  }
0x60: {  	_ =	shalt  }
0x61: {  	_ =	shalt  }
0x62: {  	_ =	shalt  }
0x63: {  	_ =	shalt  }
0x64: {  	_ =	shalt  }
0x65: {  	_ =	shalt  }
0x66: {  	_ =	shalt  }
0x67: {  	_ =	shalt  }
0x68: {  	_ =	shalt  }
0x69: {  	_ =	shalt  }
0x6a: {  	_ =	shalt  }
0x6b: {  	_ =	shalt  }
0x6c: {  	_ =	shalt  }
0x6d: {  	_ =	shalt  }
0x6e: {  	_ =	shalt  }
0x6f: {  	_ =	shalt  }
0x70: {  	_ =	shalt  }
0x71: {  	_ =	shalt  }
0x72: {  	_ =	shalt  }
0x73: {  	_ =	shalt  }
0x74: {  	_ =	shalt  }
0x75: {  	_ =	shalt  }
0x76: {  	_ =	shalt  }
0x77: {  	_ =	shalt  }
0x78: {  	_ =	shalt  }
0x79: {  	_ =	shalt  }
0x7a: {  	_ =	shalt  }
0x7b: {  	_ =	shalt  }
0x7c: {  	_ =	shalt  }
0x7d: {  	_ =	shalt  }
0x7e: {  	_ =	shalt  }
0x7f: {  	_ =	shalt  }
0x80: {  	_ =	shalt  }
0x81: {  	_ =	shalt  }
0x82: {  	_ =	shalt  }
0x83: {  	_ =	shalt  }
0x84: {  	_ =	shalt  }
0x85: {  	_ =	shalt  }
0x86: {  	_ =	shalt  }
0x87: {  	_ =	shalt  }
.Lfunc_end0:
.L_simem_size_0:
called_computation_lowered:
.L_overlay_start_0:
0x88: {  	s2 =	sld [smem:$0x3FD9]  }
0x89: {  	s3 =	sld [smem:$0x3FFE];
	_ =	sdelay $0x1  }
0x8a: {  	s1 =	srdreg.scid  }
0x8b: {  	s0 =	sand.u32 $0x1, s1  }
0x8c: {  	s16 =	sshll.u32 s0, $0xA;
	s2 =	sadd.s32 s3, s2  }
0x8d: {  	s2 =	sadd.s32 s2, s16  }
0x8e: {  	[smem:$0x3FBC] =	sst s2  }
0x8f: {  	_ = 	snop  }
0x90: {  	(tm) =	ssettm $0x1  }
0x91: {  	s17 =	sld [smem:$0x3FFB];
	_ =	sdelay $0x3  }
0x92: {  	_ =	strace s17  }
0x93: {  	s2 =	sld [smem:$0x3FFC];
	_ =	sdelay $0x3  }
0x94: {  	_ =	strace s2  }
0x95: {  	s2 =	sld [smem:$0x3FFD];
	_ =	sdelay $0x3  }
0x96: {  	_ =	strace s2  }
0x97: {  	_ =	strace $0x8FFFFFFF  }
0x98: {  	s18 =	sld [smem:$0x3FDB];
	_ =	sdelay $0x1  }
0x99: {  	s19 =	simm.s32 $_scs_section_size  }
0x9a: {  	s4 =	simm.s32 $_size__tile_overlayer_lowered;
	s5 =	simm.s32 $_tile_overlayer_lowered  }
0x9b: {  	s22 =	simm.s32 $0x1BFF;
	s21 =	sshll.u32 s5, $0x1;
	s2 =	sadd.s32 s19, s18  }
0x9c: {  	s6 =	simm.s32 $0x0;
	s20 =	sshll.u32 s4, $0x1;
	s4 =	sadd.s32 s21, s2  }
0x9d: {  	[timem:s6], [sflag:s22] =	dma.local [hbm:s4], s20  }
0x9e: {  	_ =	swait.ge [sflag:s22], s20  }
0x9f: {  	s3 =	ssub.s32 $0x0, s20;
	[sflag:s22] =	ssyncset.done $0x0  }
0xa0: {  	[sflag:s22] =	ssyncadd.s32 s3;
	_ =	sdelay $0x1  }
0xa1: {  	s23 =	simm.s32 $0x1B8B  }
0xa2: {  	_ =	swait.ge [sflag:s23], $0x1  }
0xa3: {  	[sflag:s23] =	ssyncset.done $0x0  }
0xa4: {  	s25 =	simm.s32 $0x1B8E;
	s24 =	sld [smem:$0x3FFE];
	[sflag:s23] =	ssyncadd.s32 $0xFFFFFFFF  }
0xa5: {  	s26 =	simm.s32 $execute0_lowered;
	[smem:$0x3FD2] =	sst s25  }
0xa6: {  	s4 =	sshll.u32 s26, $0x1;
	_ =	strace $0x80000046;
	[dreg:$0x1] =	wrdreg $0xFFFFFFFF  }
0xa7: {  	s28 =	simm.s32 $_size_execute0_lowered;
	s2 =	sadd.s32 s2, s4;
	[dreg:$0x0] =	wrdreg $0x0  }
0xa8: {  	s4 =	sshll.u32 s28, $0x1;
	[dreg:$0x2] =	wrdreg s2  }
0xa9: {  	[dreg:$0x3] =	wrdreg s4  }
0xaa: {  	[dreg:$0x4] =	wrdreg $0xC0  }
0xab: {  	_ =	task [dreg:s6], $0x5FFFF  }
0xac: {  	[dreg:$0x1] =	wrdreg $0xFFFFFFFF  }
0xad: {  	[dreg:$0x0] =	wrdreg $0x60  }
0xae: {  	[dreg:$0x2] =	wrdreg s24  }
0xaf: {  	[dreg:$0x3] =	wrdreg $0x9  }
0xb0: {  	_ =	task.clear_ibuf [dreg:s6], $0x4FFFF;
	_ =	strace $0x90000046  }
0xb1: {  	s29 =	simm.s32 $0x9;
	_ =	strace $0x80000048  }
0xb2: {  	_ =	swait.ge [sflag:s29], $0x1  }
0xb3: {  	[sflag:s29] =	ssyncadd.s32 $0xFFFFFFFF  }
0xb4: {  	_ =	strace $0x90000048  }
0xb5: {  	_ =	sfence  }
0xb6: {  	s30 =	sld [smem:$0x0];
	_ =	sdelay $0x2  }
0xb7: {  	s31 =	sshll.u32 s1, $0xD;
	s1 =	sshrl.u32 s1, $0x2  }
0xb8: {  	s3 =	sand.u32 $0x4000, s31;
	s1 =	sadd.s32 s1, s30  }
0xb9: {  	s0 =	sor.u32 s3, s0;
	s1 =	sshll.u32 s1, $0x11  }
0xba: {  	s0 =	sor.u32 s1, s0  }
0xbb: {  	s0 =	sadd.s32 $0x8F2B, s0  }
0xbc: {  	[sflag:s0] =	ssyncadd.remote.s32 $0x1  }
0xbd: {  	_ =	sfence.sel $0xFFFF  }
0xbe: {  	[dreg:$0x0] =	wrdreg $0xFFFFFFFF;
	(pc) =	sbr.abs _section_cstart, $3  }
0xbf: {  	[dreg:$0x1] =	wrdreg $0xFFFFFFFF  }
0xc0: {  	_ =	task.clear_ibuf [dreg:s6], $0x2FFFF;
	_ =	strace $0x9FFFFFFF  }
0xc1: {  	(tm) =	ssettm $0x7FFFFFFF  }
tec
execute0_lowered:
.L_overlay_start_1:
0x0: {  	(tag) =	ssettag $0x1  }
0x1: {  	s1 =	srdreg.scid  }
0x2: {  	s0 =	stileid.u32;
	s4 =	rddreg [dreg:$0x0];
	s2 =	simm.s32 $0x0  }
0x3: {  	s13 =	simm.s32 $0x2C00;
	s14 =	simm.s32 $0x1;
	s16 =	simm.s32 $0x2780  }
0x4: {  	s17 =	simm.s32 $0x0;
	s6 =	sand.u32 $0x1, s1;
	s1 =	rddreg [dreg:$0x1]  }
0x5: {  	s23 =	sshll.u32 s0, $0x1;
	[smem:$0x7FF] =	sst s2;
	s26 =	smul.u32 $0x28000, s0  }
0x6: {  	s3 =	sadd.s32 $0xEA00, s4;
	s11 =	sadd.s32 $0x12A00, s4;
	s29 =	smul.u32 $0x5000, s0  }
0x7: {  	s25 =	sshll.u32 s0, $0xA;
	s5 =	sor.u32 s6, s23;
	s12 =	smul.u32 $0x14000, s6  }
0x8: {  	_ =	strace $0x80000047;
	s9 =	ssub.s32 $0x2, s6;
	s30 =	smul.u32 $0x2800, s6  }
0x9: {  	s15 =	sand.u32 $0x3800, s25;
	s7 =	smul.u32 $0x2800, s5;
	s10 =	sshrl.u32 s9, $0x1  }
0xa: {  	s24 =	smul.u32 $0x14000, s5;
	s31 =	sadd.s32 s29, s11;
	v0 =	vmov s15;
	s15 =	simm.s32 $0x2  }
0xb: {  	s9 =	ssub.s32 s9, s10;
	s10 =	simm.s32 $0x3;
	s8 =	sshrl.u32 s7, $0x3  }
0xc: {  	s7 =	sadd.s32 s11, s7;
	s5 =	smax.u32 s9, $0x1;
	s28 =	sshrl.u32 s24, $0x3  }
0xd: {  	s8 =	sadd.s32 s8, s4;
	s9 =	sadd.s32 s11, s28;
	s7 =	sadd.s32 $0x2780, s7  }
0xe: {  	s4 =	sadd.s32 $0x4A00, s8;
	s8 =	sadd.s32 s12, s26;
	s6 =	sadd.s32 $0x2700, s9  }
0xf: {  	s9 =	sadd.s32 s30, s31;
	s12 =	simm.s32 $0x80;
	s8 =	sshrl.u32 s8, $0x3  }
0x10: {  	s9 =	sadd.s32 $0x80, s9;
	s8 =	sadd.s32 s8, s11;
	s11 =	simm.s32 $0x2800  }
.LBB2_1:
0x11: {  	[tilespmem:s2], [sflag:$0x3] =	stream.linear.gather [hbm4b:s4+s2], $0x2800, $0x38;
	[tilespmem:$0x3000] =	vst v63  }
0x12: {  	_ =	swait.ge [sflag:s10], $0x2800  }
0x13: {  	[sflag:s10] =	ssyncset.done $0x0  }
0x14: {  	s18 =	simm.s32 $0x0;
	s19 =	simm.s32 $0x40;
	[sflag:s10] =	ssyncadd.s32 $0xFFFFD800  }
.LBB2_2:
0x15: {  	p0 =	sne.s32 s19, $0x9FC0;
	v1 =	vld [tilespmem:s18+$0x0];
	_ =	sdelay $0x1  }
.Ltmp0:
0x16: {  	(pc) =	sbr.rel @p0 .LBB2_2-.Ltmp0, $3  }
0x17: {  	_ =	sdelay $0x1  }
0x18: {  	v1 =	vadd.s32 v0, v1  }
0x19: {  	[tilespmem:s18+$0x0] =	vst v1;
	s18 =	sshra.s32 s19, $0x2;
	s19 =	sadd.s32 $0x40, s19  }
0x1a: {  	v1 =	vld [tilespmem:s18+$0x0];
	_ =	sdelay $0x4  }
0x1b: {  	v1 =	vadd.s32 v0, v1  }
0x1c: {  	s19 =	simm.s32 $0x0;
	[tilespmem:s18+$0x0] =	vst v1;
	s18 =	simm.s32 $0x80  }
0x1d: {  	[tilespmem:s11], [sflag:$0x1] =	stream.indirect.gather [hbm4b:s3+s18], $0x8, s19, s18, $0xb8;
	[tilespmem:$0x3000] =	vst v63  }
0x1e: {  	_ = 	snop  }
0x1f: {  	[tilespmem:s13], [sflag:$0x1] =	stream.indirect.gather [hbm4b:s3+s12], $0x8, s18, s12, $0xb8;
	[tilespmem:$0x3000] =	vst v63  }
0x20: {  	_ =	swait.ge [sflag:s14], $0x400  }
0x21: {  	[sflag:s14] =	ssyncset.done $0x0  }
0x22: {  	s29 =	sadd.s32 $0x0, s8;
	[sflag:s14] =	ssyncadd.s32 $0xFFFFFC00  }
0x23: {  	[hbm4b:s29+s2] =	stream.linear.scatter [tilespmem:s11], [sflag:$0x2], $0x400, $0x38;
	[tilespmem:$0x3000] =	vst v63  }
0x24: {  	_ =	swait.ge [sflag:s15], $0x400  }
0x25: {  	[sflag:s15] =	ssyncset.done $0x0  }
0x26: {  	s30 =	simm.s32 $0x100;
	[sflag:s15] =	ssyncadd.s32 $0xFFFFFC00  }
0x27: {  	[tilespmem:s11], [sflag:$0x1] =	stream.indirect.gather [hbm4b:s3+s12], $0x8, s30, s12, $0xb8;
	[tilespmem:$0x3000] =	vst v63  }
0x28: {  	_ =	swait.ge [sflag:s14], $0x400  }
0x29: {  	[sflag:s14] =	ssyncset.done $0x0  }
0x2a: {  	s31 =	sadd.s32 $0x0, s9;
	[sflag:s14] =	ssyncadd.s32 $0xFFFFFC00  }
0x2b: {  	[hbm4b:s31+s2] =	stream.linear.scatter [tilespmem:s13], [sflag:$0x2], $0x400, $0x38;
	[tilespmem:$0x3000] =	vst v63  }
0x2c: {  	_ =	swait.ge [sflag:s15], $0x400  }
0x2d: {  	s19 =	simm.s32 $0x100;
	[sflag:s15] =	ssyncset.done $0x0  }
.LBB2_4:
0x2e: {  	p0 =	sne.s32 s19, $0x2600;
	[sflag:s15] =	ssyncadd.s32 $0xFFFFFC00;
	s18 =	sadd.s32 $0x100, s18  }
0x2f: {  	[tilespmem:s13], [sflag:$0x1] =	stream.indirect.gather [hbm4b:s3+s12], $0x8, s18, s12, $0xb8;
	[tilespmem:$0x3000] =	vst v63  }
0x30: {  	s20 =	smov.u32 s19;
	s19 =	sadd.s32 $0x100, s19;
	_ =	swait.ge [sflag:s14], $0x400  }
0x31: {  	[sflag:s14] =	ssyncset.done $0x0  }
0x32: {  	s21 =	sadd.s32 s20, s8;
	[sflag:s14] =	ssyncadd.s32 $0xFFFFFC00  }
0x33: {  	[hbm4b:s21+s2] =	stream.linear.scatter [tilespmem:s11], [sflag:$0x2], $0x400, $0x38;
	[tilespmem:$0x3000] =	vst v63  }
0x34: {  	_ =	swait.ge [sflag:s15], $0x400  }
0x35: {  	[sflag:s15] =	ssyncset.done $0x0  }
0x36: {  	s21 =	sadd.s32 $0x80, s18;
	[sflag:s15] =	ssyncadd.s32 $0xFFFFFC00  }
0x37: {  	[tilespmem:s11], [sflag:$0x1] =	stream.indirect.gather [hbm4b:s3+s12], $0x8, s21, s12, $0xb8;
	[tilespmem:$0x3000] =	vst v63  }
0x38: {  	_ =	swait.ge [sflag:s14], $0x400  }
.Ltmp1:
0x39: {  	[sflag:s14] =	ssyncset.done $0x0;
	(pc) =	sbr.rel @p0 .LBB2_4-.Ltmp1, $4  }
0x3a: {  	s20 =	sadd.s32 s20, s9;
	[sflag:s14] =	ssyncadd.s32 $0xFFFFFC00  }
0x3b: {  	[hbm4b:s20+s2] =	stream.linear.scatter [tilespmem:s13], [sflag:$0x2], $0x400, $0x38;
	[tilespmem:$0x3000] =	vst v63  }
0x3c: {  	_ =	swait.ge [sflag:s15], $0x400  }
0x3d: {  	[sflag:s15] =	ssyncset.done $0x0  }
0x3e: {  	[sflag:s15] =	ssyncadd.s32 $0xFFFFFC00  }
0x3f: {  	[tilespmem:s13], [sflag:$0x1] =	stream.indirect.gather [hbm4b:s3+s12], $0x8, s16, s12, $0xb8;
	[tilespmem:$0x3000] =	vst v63  }
0x40: {  	_ =	swait.ge [sflag:s14], $0x400  }
0x41: {  	[sflag:s14] =	ssyncset.done $0x0  }
0x42: {  	[sflag:s14] =	ssyncadd.s32 $0xFFFFFC00  }
0x43: {  	[hbm4b:s6+s2] =	stream.linear.scatter [tilespmem:s11], [sflag:$0x2], $0x400, $0x38;
	[tilespmem:$0x3000] =	vst v63  }
0x44: {  	_ =	swait.ge [sflag:s15], $0x400  }
0x45: {  	[sflag:s15] =	ssyncset.done $0x0  }
0x46: {  	[sflag:s15] =	ssyncadd.s32 $0xFFFFFC00  }
0x47: {  	s17 =	sadd.s32 $0x1, s17;
	_ =	swait.ge [sflag:s14], $0x400  }
0x48: {  	p0 =	sne.s32 s17, s5;
	[sflag:s14] =	ssyncset.done $0x0  }
.Ltmp2:
0x49: {  	[sflag:s14] =	ssyncadd.s32 $0xFFFFFC00;
	(pc) =	sbr.rel @p0 .LBB2_1-.Ltmp2, $4  }
0x4a: {  	[hbm4b:s7+s2] =	stream.linear.scatter [tilespmem:s13], [sflag:$0x2], $0x400, $0x38;
	[tilespmem:$0x3000] =	vst v63  }
0x4b: {  	_ =	swait.ge [sflag:s15], $0x400  }
0x4c: {  	[sflag:s15] =	ssyncset.done $0x0  }
0x4d: {  	[sflag:s15] =	ssyncadd.s32 $0xFFFFFC00  }
0x4e: {  	_ =	sfence.sel $0x180000  }
0x4f: {  	[bflag:$0x0] =	sbarrier.arrive $0xFFFF  }
0x50: {  	p0 =	sne.s32 s0, $0x0;
	_ =	strace $0x90000047  }
0x51: {  	s0 =	sadd.s32 @!p0 $0x100000, s1;
	[bflag:$0x2] =	sbarrier.arrive $0xFFFF  }
0x52: {  	[sflag:s0] =	ssyncadd.tile.s32 @!p0 $0x1;
	_ =	shalt  }
.Lfunc_end2:
_tile_overlayer_lowered:
.L_overlay_start_2:
0x53: {  	(tag) =	ssettag $0x2  }
0x54: {  	s0 =	rddreg [dreg:$0x0];
	s2 =	stileid.u32  }
0x55: {  	s1 =	rddreg [dreg:$0x1];
	p0 =	sne.s32 s2, $0x0  }
0x56: {  	s3 =	rddreg [dreg:$0x2];
	[bflag:$0x3] =	sbarrier.arrive $0xFFFF;
	s2 =	simm.s32 @!p0 $0x1C03  }
0x57: {  	[timem:s3], [sflag:s2] =	dma.local @!p0 [hbm:s0], s1  }
0x58: {  	s0 =	simm.s32 @!p0 $0x3  }
0x59: {  	_ =	swait.ge @!p0 [sflag:s0], s1  }
0x5a: {  	s1 =	ssub.s32 @!p0 $0x0, s1;
	[sflag:s0] =	ssyncset.done @!p0 $0x0  }
0x5b: {  	[sflag:s0] =	ssyncadd.s32 @!p0 s1  }
0x5c: {  	[bflag:$0x3] =	sbarrier.arrive $0xFFFF  }
0x5d: {  	_ =	shalt  }

// kernel: kernel.19.cloned.1.call-start
scs
__scs_entry_jumppad:
0x0: {  	(pc) =	sbr.rel $0x88, $3  }
0x1: {  	(tag) =	ssettag $0x0;
	lr =	simm.s32 $0x1  }
0x2: {  	[smem:$0x3F95] =	sst lr;
	_ =	strace $0xD0000000  }
0x3: {  	_ = 	snop  }
0x4: {  	_ = 	snop  }
0x5: {  	_ = 	snop  }
0x6: {  	_ = 	snop  }
0x7: {  	_ = 	snop  }
__scs_overlays_trampoline_lowered:
0x8: {  	[smem:$0x3FA4] =	sst s0  }
0x9: {  	[smem:$0x3FA5] =	sst s1  }
0xa: {  	[smem:$0x3FA6] =	sst s2  }
0xb: {  	[smem:$0x3FA7] =	sst s3  }
0xc: {  	[smem:$0x3FA8] =	sst s4  }
0xd: {  	[smem:$0x3FA9] =	sst s5  }
0xe: {  	[smem:$0x3FAA] =	sst s6  }
0xf: {  	[smem:$0x3FAB] =	sst s7  }
0x10: {  	[smem:$0x3FAC] =	sst s8  }
0x11: {  	[smem:$0x3FAD] =	sst s9;
	s0 =	simm.s32 @!p0 $0x0  }
0x12: {  	s1 =	sld [smem:$0x3F93];
	s0 =	simm.s32 @p0 $0x1  }
0x13: {  	[smem:$0x3FAE] =	sst s0;
	s0 =	simm.s32 @!p1 $0x0  }
0x14: {  	s2 =	sld [smem:$0x3F92];
	s0 =	simm.s32 @p1 $0x1  }
0x15: {  	[smem:$0x3FAF] =	sst s0;
	s0 =	simm.s32 @!p2 $0x0  }
0x16: {  	s3 =	sld [smem:$0x3FDB];
	s0 =	simm.s32 @p2 $0x1  }
0x17: {  	s4 =	simm.s32 $0x1BF5;
	[smem:$0x3FB1] =	sst s0  }
0x18: {  	s0 =	sld [smem:$0x3F94];
	_ =	swait.ge [sflag:s4], $0x0  }
0x19: {  	s7 =	sld [smem:$0x3F95]  }
0x1a: {  	s8 =	sadd.s32 $0xFFFFE003, lr  }
0x1b: {  	s9 =	sadd.s32 $0xFFFFFEF7, lr;
	s5 =	simm.s32 $0xFFFFFFFF;
	p2 =	slt.u32 s8, $0xFFFFF086  }
0x1c: {  	p1 =	slt.u32 s9, $0xF7A;
	s5 =	simm.s32 @!p2 $0x0  }
0x1d: {  	s5 =	simm.s32 @p1 $0x1;
	p0 =	seq.s32 s7, s2  }
0x1e: {  	s7 =	smul.u32 @!p0 $0xF7A, s2;
	p2 =	seq.s32 @!p0 s5, $0x0  }
0x1f: {  	s9 =	smul.u32 $0xF7A, s1;
	s8 =	simm.s32 @!p0 $0x1BF5;
	p2 =	por !p2, p0  }
0x20: {  	[sflag:s8] =	ssyncset.s32 @!p0 $0xFFFFF086;
	s6 =	sadd.s32 @!p0 s3, s7;
	s7 =	simm.s32 @!p0 $0x108  }
0x21: {  	s3 =	sadd.s32 s3, s9;
	s6 =	sadd.s32 @!p0 $0x88, s6;
	s7 =	simm.s32 @p2 $0x1082  }
0x22: {  	[simem:s7], [sflag:s8] =	dma.local @!p0 [hbm:s6], $0xF7A  }
0x23: {  	s9 =	sor.u32 $0xD0000000, s2;
	s6 =	simm.s32 $0x108;
	_ =	swait.ge @!p0 [sflag:s8], $0x0  }
0x24: {  	s3 =	sadd.s32 $0x88, s3;
	s6 =	simm.s32 @!p1 $0x1082;
	[sflag:s4] =	ssyncset.s32 $0xFFFFF086  }
0x25: {  	[simem:s6], [sflag:s4] =	dma.local [hbm:s3], $0xF7A  }
0x26: {  	[smem:$0x3F95] =	sst s1;
	(tag) =	ssettag s2;
	_ =	strace s9  }
0x27: {  	s1 =	sld [smem:$0x3FA5]  }
0x28: {  	s2 =	sld [smem:$0x3FA6]  }
0x29: {  	s4 =	sld [smem:$0x3FA8]  }
0x2a: {  	p0 =	seq.s32 s5, $0x0;
	s5 =	sld [smem:$0x3FA9]  }
0x2b: {  	s6 =	sld [smem:$0x3FAA]  }
0x2c: {  	s7 =	sld [smem:$0x3FAB]  }
0x2d: {  	s3 =	simm.s32 $0x108;
	s8 =	sld [smem:$0x3FAC]  }
0x2e: {  	s3 =	simm.s32 @!p0 $0x1082;
	s9 =	sld [smem:$0x3FAD]  }
0x2f: {  	lr =	sadd.s32 s0, s3;
	s0 =	sld [smem:$0x3FA4]  }
0x30: {  	s3 =	sld [smem:$0x3FA7]  }
0x31: {  	[smem:$0x3FB0] =	sst s10  }
0x32: {  	s10 =	sld [smem:$0x3FAE];
	_ =	sdelay $0x3  }
0x33: {  	p0 =	seq.s32 s10, $0x1;
	s10 =	sld [smem:$0x3FB0];
	_ =	sdelay $0x3  }
0x34: {  	[smem:$0x3FB0] =	sst s10  }
0x35: {  	s10 =	sld [smem:$0x3FAF];
	_ =	sdelay $0x3  }
0x36: {  	p1 =	seq.s32 s10, $0x1;
	s10 =	sld [smem:$0x3FB0];
	_ =	sdelay $0x3  }
0x37: {  	[smem:$0x3FB0] =	sst s10  }
0x38: {  	s10 =	sld [smem:$0x3FB1]  }
0x39: {  	_ = 	snop;
	(pc) =	sbr.ind lr, $3  }
0x3a: {  	_ = 	snop  }
0x3b: {  	_ = 	snop  }
0x3c: {  	p2 =	seq.s32 s10, $0x1;
	s10 =	sld [smem:$0x3FB0]  }
0x3d: {  	_ =	shalt  }
0x3e: {  	_ =	shalt  }
0x3f: {  	_ =	shalt  }
0x40: {  	_ =	shalt  }
0x41: {  	_ =	shalt  }
0x42: {  	_ =	shalt  }
0x43: {  	_ =	shalt  }
0x44: {  	_ =	shalt  }
0x45: {  	_ =	shalt  }
0x46: {  	_ =	shalt  }
0x47: {  	_ =	shalt  }
0x48: {  	_ =	shalt  }
0x49: {  	_ =	shalt  }
0x4a: {  	_ =	shalt  }
0x4b: {  	_ =	shalt  }
0x4c: {  	_ =	shalt  }
0x4d: {  	_ =	shalt  }
0x4e: {  	_ =	shalt  }
0x4f: {  	_ =	shalt  }
0x50: {  	_ =	shalt  }
0x51: {  	_ =	shalt  }
0x52: {  	_ =	shalt  }
0x53: {  	_ =	shalt  }
0x54: {  	_ =	shalt  }
0x55: {  	_ =	shalt  }
0x56: {  	_ =	shalt  }
0x57: {  	_ =	shalt  }
0x58: {  	_ =	shalt  }
0x59: {  	_ =	shalt  }
0x5a: {  	_ =	shalt  }
0x5b: {  	_ =	shalt  }
0x5c: {  	_ =	shalt  }
0x5d: {  	_ =	shalt  }
0x5e: {  	_ =	shalt  }
0x5f: {  	_ =	shalt  }
0x60: {  	_ =	shalt  }
0x61: {  	_ =	shalt  }
0x62: {  	_ =	shalt  }
0x63: {  	_ =	shalt  }
0x64: {  	_ =	shalt  }
0x65: {  	_ =	shalt  }
0x66: {  	_ =	shalt  }
0x67: {  	_ =	shalt  }
0x68: {  	_ =	shalt  }
0x69: {  	_ =	shalt  }
0x6a: {  	_ =	shalt  }
0x6b: {  	_ =	shalt  }
0x6c: {  	_ =	shalt  }
0x6d: {  	_ =	shalt  }
0x6e: {  	_ =	shalt  }
0x6f: {  	_ =	shalt  }
0x70: {  	_ =	shalt  }
0x71: {  	_ =	shalt  }
0x72: {  	_ =	shalt  }
0x73: {  	_ =	shalt  }
0x74: {  	_ =	shalt  }
0x75: {  	_ =	shalt  }
0x76: {  	_ =	shalt  }
0x77: {  	_ =	shalt  }
0x78: {  	_ =	shalt  }
0x79: {  	_ =	shalt  }
0x7a: {  	_ =	shalt  }
0x7b: {  	_ =	shalt  }
0x7c: {  	_ =	shalt  }
0x7d: {  	_ =	shalt  }
0x7e: {  	_ =	shalt  }
0x7f: {  	_ =	shalt  }
0x80: {  	_ =	shalt  }
0x81: {  	_ =	shalt  }
0x82: {  	_ =	shalt  }
0x83: {  	_ =	shalt  }
0x84: {  	_ =	shalt  }
0x85: {  	_ =	shalt  }
0x86: {  	_ =	shalt  }
0x87: {  	_ =	shalt  }
.Lfunc_end0:
.L_simem_size_0:
called_computation.1_lowered:
.L_overlay_start_0:
0x88: {  	s2 =	sld [smem:$0x3FD9]  }
0x89: {  	s3 =	sld [smem:$0x3FFE];
	_ =	sdelay $0x1  }
0x8a: {  	s1 =	srdreg.scid  }
0x8b: {  	s0 =	sand.u32 $0x1, s1  }
0x8c: {  	s16 =	sshll.u32 s0, $0xA;
	s2 =	sadd.s32 s3, s2  }
0x8d: {  	s2 =	sadd.s32 s2, s16  }
0x8e: {  	[smem:$0x3FBC] =	sst s2  }
0x8f: {  	_ = 	snop  }
0x90: {  	(tm) =	ssettm $0x1  }
0x91: {  	s17 =	sld [smem:$0x3FFB];
	_ =	sdelay $0x3  }
0x92: {  	_ =	strace s17  }
0x93: {  	s2 =	sld [smem:$0x3FFC];
	_ =	sdelay $0x3  }
0x94: {  	_ =	strace s2  }
0x95: {  	s2 =	sld [smem:$0x3FFD];
	_ =	sdelay $0x3  }
0x96: {  	_ =	strace s2  }
0x97: {  	_ =	strace $0x8FFFFFFF  }
0x98: {  	s18 =	sld [smem:$0x3FDB];
	_ =	sdelay $0x1  }
0x99: {  	s19 =	simm.s32 $_scs_section_size  }
0x9a: {  	s4 =	simm.s32 $_size__tile_overlayer_lowered;
	s5 =	simm.s32 $_tile_overlayer_lowered  }
0x9b: {  	s22 =	simm.s32 $0x1BFF;
	s21 =	sshll.u32 s5, $0x1;
	s2 =	sadd.s32 s19, s18  }
0x9c: {  	s6 =	simm.s32 $0x0;
	s20 =	sshll.u32 s4, $0x1;
	s4 =	sadd.s32 s21, s2  }
0x9d: {  	[timem:s6], [sflag:s22] =	dma.local [hbm:s4], s20  }
0x9e: {  	_ =	swait.ge [sflag:s22], s20  }
0x9f: {  	s3 =	ssub.s32 $0x0, s20;
	[sflag:s22] =	ssyncset.done $0x0  }
0xa0: {  	[sflag:s22] =	ssyncadd.s32 s3;
	_ =	sdelay $0x1  }
0xa1: {  	s23 =	simm.s32 $0x1B8B  }
0xa2: {  	_ =	swait.ge [sflag:s23], $0x1  }
0xa3: {  	[sflag:s23] =	ssyncset.done $0x0  }
0xa4: {  	s25 =	simm.s32 $0x1B8E;
	s24 =	sld [smem:$0x3FFE];
	[sflag:s23] =	ssyncadd.s32 $0xFFFFFFFF  }
0xa5: {  	s26 =	simm.s32 $execute0_lowered;
	[smem:$0x3FD2] =	sst s25  }
0xa6: {  	s4 =	sshll.u32 s26, $0x1;
	_ =	strace $0x80000049;
	[dreg:$0x1] =	wrdreg $0xFFFFFFFF  }
0xa7: {  	s28 =	simm.s32 $_size_execute0_lowered;
	s2 =	sadd.s32 s2, s4;
	[dreg:$0x0] =	wrdreg $0x0  }
0xa8: {  	s4 =	sshll.u32 s28, $0x1;
	[dreg:$0x2] =	wrdreg s2  }
0xa9: {  	[dreg:$0x3] =	wrdreg s4  }
0xaa: {  	[dreg:$0x4] =	wrdreg $0xC0  }
0xab: {  	_ =	task [dreg:s6], $0x5FFFF  }
0xac: {  	[dreg:$0x1] =	wrdreg $0xFFFFFFFF  }
0xad: {  	[dreg:$0x0] =	wrdreg $0x60  }
0xae: {  	[dreg:$0x2] =	wrdreg s24  }
0xaf: {  	[dreg:$0x3] =	wrdreg $0x9  }
0xb0: {  	_ =	task.clear_ibuf [dreg:s6], $0x4FFFF;
	_ =	strace $0x90000049  }
0xb1: {  	s29 =	simm.s32 $0x9;
	_ =	strace $0x8000004B  }
0xb2: {  	_ =	swait.ge [sflag:s29], $0x1  }
0xb3: {  	[sflag:s29] =	ssyncadd.s32 $0xFFFFFFFF  }
0xb4: {  	_ =	strace $0x9000004B  }
0xb5: {  	_ =	sfence  }
0xb6: {  	s30 =	sld [smem:$0x0];
	_ =	sdelay $0x2  }
0xb7: {  	s31 =	sshll.u32 s1, $0xD;
	s1 =	sshrl.u32 s1, $0x2  }
0xb8: {  	s3 =	sand.u32 $0x4000, s31;
	s1 =	sadd.s32 s1, s30  }
0xb9: {  	s0 =	sor.u32 s3, s0;
	s1 =	sshll.u32 s1, $0x11  }
0xba: {  	s0 =	sor.u32 s1, s0  }
0xbb: {  	s0 =	sadd.s32 $0x8F2B, s0  }
0xbc: {  	[sflag:s0] =	ssyncadd.remote.s32 $0x1  }
0xbd: {  	_ =	sfence.sel $0xFFFF  }
0xbe: {  	[dreg:$0x0] =	wrdreg $0xFFFFFFFF;
	(pc) =	sbr.abs _section_cstart, $3  }
0xbf: {  	[dreg:$0x1] =	wrdreg $0xFFFFFFFF  }
0xc0: {  	_ =	task.clear_ibuf [dreg:s6], $0x2FFFF;
	_ =	strace $0x9FFFFFFF  }
0xc1: {  	(tm) =	ssettm $0x7FFFFFFF  }
tec
execute0_lowered:
.L_overlay_start_1:
0x0: {  	(tag) =	ssettag $0x1  }
0x1: {  	s1 =	srdreg.scid  }
0x2: {  	s0 =	stileid.u32;
	s4 =	rddreg [dreg:$0x0]  }
0x3: {  	s2 =	simm.s32 $0x0;
	s14 =	simm.s32 $0x1;
	s16 =	simm.s32 $0x2780  }
0x4: {  	s17 =	simm.s32 $0x0;
	s5 =	sand.u32 $0x1, s1;
	s11 =	smul.u32 $0x140000, s0  }
0x5: {  	s3 =	sshll.u32 s0, $0x1;
	s1 =	rddreg [dreg:$0x1];
	s13 =	smul.u32 $0x5000, s0  }
0x6: {  	[smem:$0x7FF] =	sst s2;
	s12 =	sadd.s32 $0x6EA00, s4;
	s25 =	smul.u32 $0xA0000, s5  }
0x7: {  	s26 =	sshll.u32 s0, $0xA;
	s6 =	sor.u32 s5, s3;
	s29 =	smul.u32 $0x2800, s5  }
0x8: {  	_ =	strace $0x8000004A;
	s3 =	sadd.s32 $0x4EA00, s4;
	s7 =	smul.u32 $0x2800, s6  }
0x9: {  	s8 =	ssub.s32 $0x2, s5;
	s15 =	sand.u32 $0x3800, s26;
	s9 =	smul.u32 $0xA0000, s6  }
0xa: {  	s10 =	sshrl.u32 s8, $0x1;
	s30 =	smul.u32 $0x14000, s6;
	v0 =	vmov s15;
	s15 =	simm.s32 $0x2  }
0xb: {  	s8 =	ssub.s32 s8, s10;
	s31 =	sadd.s32 s25, s11;
	s11 =	simm.s32 $0x2800  }
0xc: {  	s7 =	sshrl.u32 s7, $0x3;
	s28 =	sshrl.u32 s9, $0x3;
	s5 =	smax.u32 s8, $0x1  }
0xd: {  	s9 =	sadd.s32 s29, s13;
	s8 =	sadd.s32 s12, s30;
	s10 =	sshrl.u32 s31, $0x3  }
0xe: {  	s13 =	simm.s32 $0x4800;
	s7 =	sadd.s32 s7, s4;
	s9 =	sshll.u32 s9, $0x3  }
0xf: {  	s4 =	sadd.s32 $0x44A00, s7;
	s7 =	sadd.s32 s12, s28;
	s9 =	sadd.s32 s9, s12  }
0x10: {  	s6 =	sadd.s32 $0x13800, s7;
	s7 =	sadd.s32 $0x13C00, s8;
	s8 =	sadd.s32 s10, s12  }
0x11: {  	s9 =	sadd.s32 $0x400, s9;
	s10 =	simm.s32 $0x3;
	s12 =	simm.s32 $0x80  }
.LBB2_1:
0x12: {  	[tilespmem:s2], [sflag:$0x3] =	stream.linear.gather [hbm4b:s4+s2], $0x2800, $0x38;
	[tilespmem:$0x6800] =	vst v63  }
0x13: {  	_ =	swait.ge [sflag:s10], $0x2800  }
0x14: {  	[sflag:s10] =	ssyncset.done $0x0  }
0x15: {  	s18 =	simm.s32 $0x0;
	s19 =	simm.s32 $0x40;
	[sflag:s10] =	ssyncadd.s32 $0xFFFFD800  }
.LBB2_2:
0x16: {  	p0 =	sne.s32 s19, $0x9FC0;
	v1 =	vld [tilespmem:s18+$0x0];
	_ =	sdelay $0x1  }
.Ltmp0:
0x17: {  	(pc) =	sbr.rel @p0 .LBB2_2-.Ltmp0, $3  }
0x18: {  	_ =	sdelay $0x1  }
0x19: {  	v1 =	vadd.s32 v0, v1  }
0x1a: {  	[tilespmem:s18+$0x0] =	vst v1;
	s18 =	sshra.s32 s19, $0x2;
	s19 =	sadd.s32 $0x40, s19  }
0x1b: {  	v1 =	vld [tilespmem:s18+$0x0];
	_ =	sdelay $0x4  }
0x1c: {  	v1 =	vadd.s32 v0, v1  }
0x1d: {  	s19 =	simm.s32 $0x0;
	[tilespmem:s18+$0x0] =	vst v1;
	s18 =	simm.s32 $0x80  }
0x1e: {  	[tilespmem:s11], [sflag:$0x1] =	stream.indirect.gather [hbm4b:s3+s18], $0x40, s19, s18, $0xb8;
	[tilespmem:$0x6800] =	vst v63  }
0x1f: {  	_ = 	snop  }
0x20: {  	[tilespmem:s13], [sflag:$0x1] =	stream.indirect.gather [hbm4b:s3+s12], $0x40, s18, s12, $0xb8;
	[tilespmem:$0x6800] =	vst v63  }
0x21: {  	_ =	swait.ge [sflag:s14], $0x2000  }
0x22: {  	[sflag:s14] =	ssyncset.done $0x0  }
0x23: {  	s29 =	sadd.s32 $0x0, s8;
	[sflag:s14] =	ssyncadd.s32 $0xFFFFE000  }
0x24: {  	[hbm4b:s29+s2] =	stream.linear.scatter [tilespmem:s11], [sflag:$0x2], $0x2000, $0x38;
	[tilespmem:$0x6800] =	vst v63  }
0x25: {  	_ =	swait.ge [sflag:s15], $0x2000  }
0x26: {  	[sflag:s15] =	ssyncset.done $0x0  }
0x27: {  	s30 =	simm.s32 $0x100;
	[sflag:s15] =	ssyncadd.s32 $0xFFFFE000  }
0x28: {  	[tilespmem:s11], [sflag:$0x1] =	stream.indirect.gather [hbm4b:s3+s12], $0x40, s30, s12, $0xb8;
	[tilespmem:$0x6800] =	vst v63  }
0x29: {  	_ =	swait.ge [sflag:s14], $0x2000  }
0x2a: {  	[sflag:s14] =	ssyncset.done $0x0  }
0x2b: {  	s31 =	sadd.s32 $0x0, s9;
	[sflag:s14] =	ssyncadd.s32 $0xFFFFE000  }
0x2c: {  	[hbm4b:s31+s2] =	stream.linear.scatter [tilespmem:s13], [sflag:$0x2], $0x2000, $0x38;
	[tilespmem:$0x6800] =	vst v63  }
0x2d: {  	_ =	swait.ge [sflag:s15], $0x2000  }
0x2e: {  	s19 =	simm.s32 $0x800;
	[sflag:s15] =	ssyncset.done $0x0  }
.LBB2_4:
0x2f: {  	p0 =	sne.s32 s19, $0x13000;
	[sflag:s15] =	ssyncadd.s32 $0xFFFFE000;
	s18 =	sadd.s32 $0x100, s18  }
0x30: {  	[tilespmem:s13], [sflag:$0x1] =	stream.indirect.gather [hbm4b:s3+s12], $0x40, s18, s12, $0xb8;
	[tilespmem:$0x6800] =	vst v63  }
0x31: {  	s20 =	smov.u32 s19;
	s19 =	sadd.s32 $0x800, s19;
	_ =	swait.ge [sflag:s14], $0x2000  }
0x32: {  	[sflag:s14] =	ssyncset.done $0x0  }
0x33: {  	s21 =	sadd.s32 s20, s8;
	[sflag:s14] =	ssyncadd.s32 $0xFFFFE000  }
0x34: {  	[hbm4b:s21+s2] =	stream.linear.scatter [tilespmem:s11], [sflag:$0x2], $0x2000, $0x38;
	[tilespmem:$0x6800] =	vst v63  }
0x35: {  	_ =	swait.ge [sflag:s15], $0x2000  }
0x36: {  	[sflag:s15] =	ssyncset.done $0x0  }
0x37: {  	s21 =	sadd.s32 $0x80, s18;
	[sflag:s15] =	ssyncadd.s32 $0xFFFFE000  }
0x38: {  	[tilespmem:s11], [sflag:$0x1] =	stream.indirect.gather [hbm4b:s3+s12], $0x40, s21, s12, $0xb8;
	[tilespmem:$0x6800] =	vst v63  }
0x39: {  	_ =	swait.ge [sflag:s14], $0x2000  }
.Ltmp1:
0x3a: {  	[sflag:s14] =	ssyncset.done $0x0;
	(pc) =	sbr.rel @p0 .LBB2_4-.Ltmp1, $4  }
0x3b: {  	s20 =	sadd.s32 s20, s9;
	[sflag:s14] =	ssyncadd.s32 $0xFFFFE000  }
0x3c: {  	[hbm4b:s20+s2] =	stream.linear.scatter [tilespmem:s13], [sflag:$0x2], $0x2000, $0x38;
	[tilespmem:$0x6800] =	vst v63  }
0x3d: {  	_ =	swait.ge [sflag:s15], $0x2000  }
0x3e: {  	[sflag:s15] =	ssyncset.done $0x0  }
0x3f: {  	[sflag:s15] =	ssyncadd.s32 $0xFFFFE000  }
0x40: {  	[tilespmem:s13], [sflag:$0x1] =	stream.indirect.gather [hbm4b:s3+s12], $0x40, s16, s12, $0xb8;
	[tilespmem:$0x6800] =	vst v63  }
0x41: {  	_ =	swait.ge [sflag:s14], $0x2000  }
0x42: {  	[sflag:s14] =	ssyncset.done $0x0  }
0x43: {  	[sflag:s14] =	ssyncadd.s32 $0xFFFFE000  }
0x44: {  	[hbm4b:s6+s2] =	stream.linear.scatter [tilespmem:s11], [sflag:$0x2], $0x2000, $0x38;
	[tilespmem:$0x6800] =	vst v63  }
0x45: {  	_ =	swait.ge [sflag:s15], $0x2000  }
0x46: {  	[sflag:s15] =	ssyncset.done $0x0  }
0x47: {  	[sflag:s15] =	ssyncadd.s32 $0xFFFFE000  }
0x48: {  	s17 =	sadd.s32 $0x1, s17;
	_ =	swait.ge [sflag:s14], $0x2000  }
0x49: {  	p0 =	sne.s32 s17, s5;
	[sflag:s14] =	ssyncset.done $0x0  }
.Ltmp2:
0x4a: {  	[sflag:s14] =	ssyncadd.s32 $0xFFFFE000;
	(pc) =	sbr.rel @p0 .LBB2_1-.Ltmp2, $4  }
0x4b: {  	[hbm4b:s7+s2] =	stream.linear.scatter [tilespmem:s13], [sflag:$0x2], $0x2000, $0x38;
	[tilespmem:$0x6800] =	vst v63  }
0x4c: {  	_ =	swait.ge [sflag:s15], $0x2000  }
0x4d: {  	[sflag:s15] =	ssyncset.done $0x0  }
0x4e: {  	[sflag:s15] =	ssyncadd.s32 $0xFFFFE000  }
0x4f: {  	_ =	sfence.sel $0x180000  }
0x50: {  	[bflag:$0x0] =	sbarrier.arrive $0xFFFF  }
0x51: {  	p0 =	sne.s32 s0, $0x0;
	_ =	strace $0x9000004A  }
0x52: {  	s0 =	sadd.s32 @!p0 $0x100000, s1;
	[bflag:$0x2] =	sbarrier.arrive $0xFFFF  }
0x53: {  	[sflag:s0] =	ssyncadd.tile.s32 @!p0 $0x1;
	_ =	shalt  }
.Lfunc_end2:
_tile_overlayer_lowered:
.L_overlay_start_2:
0x54: {  	(tag) =	ssettag $0x2  }
0x55: {  	s0 =	rddreg [dreg:$0x0];
	s2 =	stileid.u32  }
0x56: {  	s1 =	rddreg [dreg:$0x1];
	p0 =	sne.s32 s2, $0x0  }
0x57: {  	s3 =	rddreg [dreg:$0x2];
	[bflag:$0x3] =	sbarrier.arrive $0xFFFF;
	s2 =	simm.s32 @!p0 $0x1C03  }
0x58: {  	[timem:s3], [sflag:s2] =	dma.local @!p0 [hbm:s0], s1  }
0x59: {  	s0 =	simm.s32 @!p0 $0x3  }
0x5a: {  	_ =	swait.ge @!p0 [sflag:s0], s1  }
0x5b: {  	s1 =	ssub.s32 @!p0 $0x0, s1;
	[sflag:s0] =	ssyncset.done @!p0 $0x0  }
0x5c: {  	[sflag:s0] =	ssyncadd.s32 @!p0 s1  }
0x5d: {  	[bflag:$0x3] =	sbarrier.arrive $0xFFFF  }
0x5e: {  	_ =	shalt  }

// kernel: kernel.22.cloned.1.call-start
scs
__scs_entry_jumppad:
0x0: {  	(pc) =	sbr.rel $0x88, $3  }
0x1: {  	(tag) =	ssettag $0x0;
	lr =	simm.s32 $0x1  }
0x2: {  	[smem:$0x3F95] =	sst lr;
	_ =	strace $0xD0000000  }
0x3: {  	_ = 	snop  }
0x4: {  	_ = 	snop  }
0x5: {  	_ = 	snop  }
0x6: {  	_ = 	snop  }
0x7: {  	_ = 	snop  }
__scs_overlays_trampoline_lowered:
0x8: {  	[smem:$0x3FA4] =	sst s0  }
0x9: {  	[smem:$0x3FA5] =	sst s1  }
0xa: {  	[smem:$0x3FA6] =	sst s2  }
0xb: {  	[smem:$0x3FA7] =	sst s3  }
0xc: {  	[smem:$0x3FA8] =	sst s4  }
0xd: {  	[smem:$0x3FA9] =	sst s5  }
0xe: {  	[smem:$0x3FAA] =	sst s6  }
0xf: {  	[smem:$0x3FAB] =	sst s7  }
0x10: {  	[smem:$0x3FAC] =	sst s8  }
0x11: {  	[smem:$0x3FAD] =	sst s9;
	s0 =	simm.s32 @!p0 $0x0  }
0x12: {  	s1 =	sld [smem:$0x3F93];
	s0 =	simm.s32 @p0 $0x1  }
0x13: {  	[smem:$0x3FAE] =	sst s0;
	s0 =	simm.s32 @!p1 $0x0  }
0x14: {  	s2 =	sld [smem:$0x3F92];
	s0 =	simm.s32 @p1 $0x1  }
0x15: {  	[smem:$0x3FAF] =	sst s0;
	s0 =	simm.s32 @!p2 $0x0  }
0x16: {  	s3 =	sld [smem:$0x3FDB];
	s0 =	simm.s32 @p2 $0x1  }
0x17: {  	s4 =	simm.s32 $0x1BF5;
	[smem:$0x3FB1] =	sst s0  }
0x18: {  	s0 =	sld [smem:$0x3F94];
	_ =	swait.ge [sflag:s4], $0x0  }
0x19: {  	s7 =	sld [smem:$0x3F95]  }
0x1a: {  	s8 =	sadd.s32 $0xFFFFE003, lr  }
0x1b: {  	s9 =	sadd.s32 $0xFFFFFEF7, lr;
	s5 =	simm.s32 $0xFFFFFFFF;
	p2 =	slt.u32 s8, $0xFFFFF086  }
0x1c: {  	p1 =	slt.u32 s9, $0xF7A;
	s5 =	simm.s32 @!p2 $0x0  }
0x1d: {  	s5 =	simm.s32 @p1 $0x1;
	p0 =	seq.s32 s7, s2  }
0x1e: {  	s7 =	smul.u32 @!p0 $0xF7A, s2;
	p2 =	seq.s32 @!p0 s5, $0x0  }
0x1f: {  	s9 =	smul.u32 $0xF7A, s1;
	s8 =	simm.s32 @!p0 $0x1BF5;
	p2 =	por !p2, p0  }
0x20: {  	[sflag:s8] =	ssyncset.s32 @!p0 $0xFFFFF086;
	s6 =	sadd.s32 @!p0 s3, s7;
	s7 =	simm.s32 @!p0 $0x108  }
0x21: {  	s3 =	sadd.s32 s3, s9;
	s6 =	sadd.s32 @!p0 $0x88, s6;
	s7 =	simm.s32 @p2 $0x1082  }
0x22: {  	[simem:s7], [sflag:s8] =	dma.local @!p0 [hbm:s6], $0xF7A  }
0x23: {  	s9 =	sor.u32 $0xD0000000, s2;
	s6 =	simm.s32 $0x108;
	_ =	swait.ge @!p0 [sflag:s8], $0x0  }
0x24: {  	s3 =	sadd.s32 $0x88, s3;
	s6 =	simm.s32 @!p1 $0x1082;
	[sflag:s4] =	ssyncset.s32 $0xFFFFF086  }
0x25: {  	[simem:s6], [sflag:s4] =	dma.local [hbm:s3], $0xF7A  }
0x26: {  	[smem:$0x3F95] =	sst s1;
	(tag) =	ssettag s2;
	_ =	strace s9  }
0x27: {  	s1 =	sld [smem:$0x3FA5]  }
0x28: {  	s2 =	sld [smem:$0x3FA6]  }
0x29: {  	s4 =	sld [smem:$0x3FA8]  }
0x2a: {  	p0 =	seq.s32 s5, $0x0;
	s5 =	sld [smem:$0x3FA9]  }
0x2b: {  	s6 =	sld [smem:$0x3FAA]  }
0x2c: {  	s7 =	sld [smem:$0x3FAB]  }
0x2d: {  	s3 =	simm.s32 $0x108;
	s8 =	sld [smem:$0x3FAC]  }
0x2e: {  	s3 =	simm.s32 @!p0 $0x1082;
	s9 =	sld [smem:$0x3FAD]  }
0x2f: {  	lr =	sadd.s32 s0, s3;
	s0 =	sld [smem:$0x3FA4]  }
0x30: {  	s3 =	sld [smem:$0x3FA7]  }
0x31: {  	[smem:$0x3FB0] =	sst s10  }
0x32: {  	s10 =	sld [smem:$0x3FAE];
	_ =	sdelay $0x3  }
0x33: {  	p0 =	seq.s32 s10, $0x1;
	s10 =	sld [smem:$0x3FB0];
	_ =	sdelay $0x3  }
0x34: {  	[smem:$0x3FB0] =	sst s10  }
0x35: {  	s10 =	sld [smem:$0x3FAF];
	_ =	sdelay $0x3  }
0x36: {  	p1 =	seq.s32 s10, $0x1;
	s10 =	sld [smem:$0x3FB0];
	_ =	sdelay $0x3  }
0x37: {  	[smem:$0x3FB0] =	sst s10  }
0x38: {  	s10 =	sld [smem:$0x3FB1]  }
0x39: {  	_ = 	snop;
	(pc) =	sbr.ind lr, $3  }
0x3a: {  	_ = 	snop  }
0x3b: {  	_ = 	snop  }
0x3c: {  	p2 =	seq.s32 s10, $0x1;
	s10 =	sld [smem:$0x3FB0]  }
0x3d: {  	_ =	shalt  }
0x3e: {  	_ =	shalt  }
0x3f: {  	_ =	shalt  }
0x40: {  	_ =	shalt  }
0x41: {  	_ =	shalt  }
0x42: {  	_ =	shalt  }
0x43: {  	_ =	shalt  }
0x44: {  	_ =	shalt  }
0x45: {  	_ =	shalt  }
0x46: {  	_ =	shalt  }
0x47: {  	_ =	shalt  }
0x48: {  	_ =	shalt  }
0x49: {  	_ =	shalt  }
0x4a: {  	_ =	shalt  }
0x4b: {  	_ =	shalt  }
0x4c: {  	_ =	shalt  }
0x4d: {  	_ =	shalt  }
0x4e: {  	_ =	shalt  }
0x4f: {  	_ =	shalt  }
0x50: {  	_ =	shalt  }
0x51: {  	_ =	shalt  }
0x52: {  	_ =	shalt  }
0x53: {  	_ =	shalt  }
0x54: {  	_ =	shalt  }
0x55: {  	_ =	shalt  }
0x56: {  	_ =	shalt  }
0x57: {  	_ =	shalt  }
0x58: {  	_ =	shalt  }
0x59: {  	_ =	shalt  }
0x5a: {  	_ =	shalt  }
0x5b: {  	_ =	shalt  }
0x5c: {  	_ =	shalt  }
0x5d: {  	_ =	shalt  }
0x5e: {  	_ =	shalt  }
0x5f: {  	_ =	shalt  }
0x60: {  	_ =	shalt  }
0x61: {  	_ =	shalt  }
0x62: {  	_ =	shalt  }
0x63: {  	_ =	shalt  }
0x64: {  	_ =	shalt  }
0x65: {  	_ =	shalt  }
0x66: {  	_ =	shalt  }
0x67: {  	_ =	shalt  }
0x68: {  	_ =	shalt  }
0x69: {  	_ =	shalt  }
0x6a: {  	_ =	shalt  }
0x6b: {  	_ =	shalt  }
0x6c: {  	_ =	shalt  }
0x6d: {  	_ =	shalt  }
0x6e: {  	_ =	shalt  }
0x6f: {  	_ =	shalt  }
0x70: {  	_ =	shalt  }
0x71: {  	_ =	shalt  }
0x72: {  	_ =	shalt  }
0x73: {  	_ =	shalt  }
0x74: {  	_ =	shalt  }
0x75: {  	_ =	shalt  }
0x76: {  	_ =	shalt  }
0x77: {  	_ =	shalt  }
0x78: {  	_ =	shalt  }
0x79: {  	_ =	shalt  }
0x7a: {  	_ =	shalt  }
0x7b: {  	_ =	shalt  }
0x7c: {  	_ =	shalt  }
0x7d: {  	_ =	shalt  }
0x7e: {  	_ =	shalt  }
0x7f: {  	_ =	shalt  }
0x80: {  	_ =	shalt  }
0x81: {  	_ =	shalt  }
0x82: {  	_ =	shalt  }
0x83: {  	_ =	shalt  }
0x84: {  	_ =	shalt  }
0x85: {  	_ =	shalt  }
0x86: {  	_ =	shalt  }
0x87: {  	_ =	shalt  }
.Lfunc_end0:
.L_simem_size_0:
called_computation.2_lowered:
.L_overlay_start_0:
0x88: {  	s2 =	sld [smem:$0x3FD9]  }
0x89: {  	s3 =	sld [smem:$0x3FFE];
	_ =	sdelay $0x1  }
0x8a: {  	s1 =	srdreg.scid  }
0x8b: {  	s0 =	sand.u32 $0x1, s1  }
0x8c: {  	s16 =	sshll.u32 s0, $0xA;
	s2 =	sadd.s32 s3, s2  }
0x8d: {  	s2 =	sadd.s32 s2, s16  }
0x8e: {  	[smem:$0x3FBC] =	sst s2  }
0x8f: {  	_ = 	snop  }
0x90: {  	(tm) =	ssettm $0x1  }
0x91: {  	s17 =	sld [smem:$0x3FFB];
	_ =	sdelay $0x3  }
0x92: {  	_ =	strace s17  }
0x93: {  	s2 =	sld [smem:$0x3FFC];
	_ =	sdelay $0x3  }
0x94: {  	_ =	strace s2  }
0x95: {  	s2 =	sld [smem:$0x3FFD];
	_ =	sdelay $0x3  }
0x96: {  	_ =	strace s2  }
0x97: {  	_ =	strace $0x8FFFFFFF  }
0x98: {  	s18 =	sld [smem:$0x3FDB];
	_ =	sdelay $0x1  }
0x99: {  	s19 =	simm.s32 $_scs_section_size  }
0x9a: {  	s4 =	simm.s32 $_size__tile_overlayer_lowered;
	s5 =	simm.s32 $_tile_overlayer_lowered  }
0x9b: {  	s22 =	simm.s32 $0x1BFF;
	s21 =	sshll.u32 s5, $0x1;
	s2 =	sadd.s32 s19, s18  }
0x9c: {  	s6 =	simm.s32 $0x0;
	s20 =	sshll.u32 s4, $0x1;
	s4 =	sadd.s32 s21, s2  }
0x9d: {  	[timem:s6], [sflag:s22] =	dma.local [hbm:s4], s20  }
0x9e: {  	_ =	swait.ge [sflag:s22], s20  }
0x9f: {  	s3 =	ssub.s32 $0x0, s20;
	[sflag:s22] =	ssyncset.done $0x0  }
0xa0: {  	[sflag:s22] =	ssyncadd.s32 s3;
	_ =	sdelay $0x1  }
0xa1: {  	s23 =	simm.s32 $0x1B8B  }
0xa2: {  	_ =	swait.ge [sflag:s23], $0x1  }
0xa3: {  	[sflag:s23] =	ssyncset.done $0x0  }
0xa4: {  	s25 =	simm.s32 $0x1B8E;
	s24 =	sld [smem:$0x3FFE];
	[sflag:s23] =	ssyncadd.s32 $0xFFFFFFFF  }
0xa5: {  	s26 =	simm.s32 $execute0_lowered;
	[smem:$0x3FD2] =	sst s25  }
0xa6: {  	s4 =	sshll.u32 s26, $0x1;
	_ =	strace $0x8000004C;
	[dreg:$0x1] =	wrdreg $0xFFFFFFFF  }
0xa7: {  	s28 =	simm.s32 $_size_execute0_lowered;
	s2 =	sadd.s32 s2, s4;
	[dreg:$0x0] =	wrdreg $0x0  }
0xa8: {  	s4 =	sshll.u32 s28, $0x1;
	[dreg:$0x2] =	wrdreg s2  }
0xa9: {  	[dreg:$0x3] =	wrdreg s4  }
0xaa: {  	[dreg:$0x4] =	wrdreg $0xC0  }
0xab: {  	_ =	task [dreg:s6], $0x5FFFF  }
0xac: {  	[dreg:$0x1] =	wrdreg $0xFFFFFFFF  }
0xad: {  	[dreg:$0x0] =	wrdreg $0x60  }
0xae: {  	[dreg:$0x2] =	wrdreg s24  }
0xaf: {  	[dreg:$0x3] =	wrdreg $0x9  }
0xb0: {  	_ =	task.clear_ibuf [dreg:s6], $0x4FFFF;
	_ =	strace $0x9000004C  }
0xb1: {  	s29 =	simm.s32 $0x9;
	_ =	strace $0x8000004E  }
0xb2: {  	_ =	swait.ge [sflag:s29], $0x1  }
0xb3: {  	[sflag:s29] =	ssyncadd.s32 $0xFFFFFFFF  }
0xb4: {  	_ =	strace $0x9000004E  }
0xb5: {  	_ =	sfence  }
0xb6: {  	s30 =	sld [smem:$0x0];
	_ =	sdelay $0x2  }
0xb7: {  	s31 =	sshll.u32 s1, $0xD;
	s1 =	sshrl.u32 s1, $0x2  }
0xb8: {  	s3 =	sand.u32 $0x4000, s31;
	s1 =	sadd.s32 s1, s30  }
0xb9: {  	s0 =	sor.u32 s3, s0;
	s1 =	sshll.u32 s1, $0x11  }
0xba: {  	s0 =	sor.u32 s1, s0  }
0xbb: {  	s0 =	sadd.s32 $0x8F2B, s0  }
0xbc: {  	[sflag:s0] =	ssyncadd.remote.s32 $0x1  }
0xbd: {  	_ =	sfence.sel $0xFFFF  }
0xbe: {  	[dreg:$0x0] =	wrdreg $0xFFFFFFFF;
	(pc) =	sbr.abs _section_cstart, $3  }
0xbf: {  	[dreg:$0x1] =	wrdreg $0xFFFFFFFF  }
0xc0: {  	_ =	task.clear_ibuf [dreg:s6], $0x2FFFF;
	_ =	strace $0x9FFFFFFF  }
0xc1: {  	(tm) =	ssettm $0x7FFFFFFF  }
tec
execute0_lowered:
.L_overlay_start_1:
0x0: {  	(tag) =	ssettag $0x1  }
0x1: {  	s1 =	srdreg.scid  }
0x2: {  	s0 =	stileid.u32;
	s4 =	rddreg [dreg:$0x0]  }
0x3: {  	s2 =	simm.s32 $0x0;
	s14 =	simm.s32 $0x1;
	s16 =	simm.s32 $0x2780  }
0x4: {  	s17 =	simm.s32 $0x0;
	s5 =	sand.u32 $0x1, s1;
	s11 =	smul.u32 $0x140000, s0  }
0x5: {  	s3 =	sshll.u32 s0, $0x1;
	s1 =	rddreg [dreg:$0x1];
	s13 =	smul.u32 $0x5000, s0  }
0x6: {  	[smem:$0x7FF] =	sst s2;
	s12 =	sadd.s32 $0xAEA00, s4;
	s25 =	smul.u32 $0xA0000, s5  }
0x7: {  	s26 =	sshll.u32 s0, $0xA;
	s6 =	sor.u32 s5, s3;
	s29 =	smul.u32 $0x2800, s5  }
0x8: {  	_ =	strace $0x8000004D;
	s3 =	sadd.s32 $0x8EA00, s4;
	s7 =	smul.u32 $0x2800, s6  }
0x9: {  	s8 =	ssub.s32 $0x2, s5;
	s15 =	sand.u32 $0x3800, s26;
	s9 =	smul.u32 $0xA0000, s6  }
0xa: {  	s10 =	sshrl.u32 s8, $0x1;
	s30 =	smul.u32 $0x14000, s6;
	v0 =	vmov s15;
	s15 =	simm.s32 $0x2  }
0xb: {  	s8 =	ssub.s32 s8, s10;
	s31 =	sadd.s32 s25, s11;
	s11 =	simm.s32 $0x2800  }
0xc: {  	s7 =	sshrl.u32 s7, $0x3;
	s28 =	sshrl.u32 s9, $0x3;
	s5 =	smax.u32 s8, $0x1  }
0xd: {  	s9 =	sadd.s32 s29, s13;
	s8 =	sadd.s32 s12, s30;
	s10 =	sshrl.u32 s31, $0x3  }
0xe: {  	s13 =	simm.s32 $0x4800;
	s7 =	sadd.s32 s7, s4;
	s9 =	sshll.u32 s9, $0x3  }
0xf: {  	s4 =	sadd.s32 $0x84A00, s7;
	s7 =	sadd.s32 s12, s28;
	s9 =	sadd.s32 s9, s12  }
0x10: {  	s6 =	sadd.s32 $0x13800, s7;
	s7 =	sadd.s32 $0x13C00, s8;
	s8 =	sadd.s32 s10, s12  }
0x11: {  	s9 =	sadd.s32 $0x400, s9;
	s10 =	simm.s32 $0x3;
	s12 =	simm.s32 $0x80  }
.LBB2_1:
0x12: {  	[tilespmem:s2], [sflag:$0x3] =	stream.linear.gather [hbm4b:s4+s2], $0x2800, $0x38;
	[tilespmem:$0x6800] =	vst v63  }
0x13: {  	_ =	swait.ge [sflag:s10], $0x2800  }
0x14: {  	[sflag:s10] =	ssyncset.done $0x0  }
0x15: {  	s18 =	simm.s32 $0x0;
	s19 =	simm.s32 $0x40;
	[sflag:s10] =	ssyncadd.s32 $0xFFFFD800  }
.LBB2_2:
0x16: {  	p0 =	sne.s32 s19, $0x9FC0;
	v1 =	vld [tilespmem:s18+$0x0];
	_ =	sdelay $0x1  }
.Ltmp0:
0x17: {  	(pc) =	sbr.rel @p0 .LBB2_2-.Ltmp0, $3  }
0x18: {  	_ =	sdelay $0x1  }
0x19: {  	v1 =	vadd.s32 v0, v1  }
0x1a: {  	[tilespmem:s18+$0x0] =	vst v1;
	s18 =	sshra.s32 s19, $0x2;
	s19 =	sadd.s32 $0x40, s19  }
0x1b: {  	v1 =	vld [tilespmem:s18+$0x0];
	_ =	sdelay $0x4  }
0x1c: {  	v1 =	vadd.s32 v0, v1  }
0x1d: {  	s19 =	simm.s32 $0x0;
	[tilespmem:s18+$0x0] =	vst v1;
	s18 =	simm.s32 $0x80  }
0x1e: {  	[tilespmem:s11], [sflag:$0x1] =	stream.indirect.gather [hbm4b:s3+s18], $0x40, s19, s18, $0xb8;
	[tilespmem:$0x6800] =	vst v63  }
0x1f: {  	_ = 	snop  }
0x20: {  	[tilespmem:s13], [sflag:$0x1] =	stream.indirect.gather [hbm4b:s3+s12], $0x40, s18, s12, $0xb8;
	[tilespmem:$0x6800] =	vst v63  }
0x21: {  	_ =	swait.ge [sflag:s14], $0x2000  }
0x22: {  	[sflag:s14] =	ssyncset.done $0x0  }
0x23: {  	s29 =	sadd.s32 $0x0, s8;
	[sflag:s14] =	ssyncadd.s32 $0xFFFFE000  }
0x24: {  	[hbm4b:s29+s2] =	stream.linear.scatter [tilespmem:s11], [sflag:$0x2], $0x2000, $0x38;
	[tilespmem:$0x6800] =	vst v63  }
0x25: {  	_ =	swait.ge [sflag:s15], $0x2000  }
0x26: {  	[sflag:s15] =	ssyncset.done $0x0  }
0x27: {  	s30 =	simm.s32 $0x100;
	[sflag:s15] =	ssyncadd.s32 $0xFFFFE000  }
0x28: {  	[tilespmem:s11], [sflag:$0x1] =	stream.indirect.gather [hbm4b:s3+s12], $0x40, s30, s12, $0xb8;
	[tilespmem:$0x6800] =	vst v63  }
0x29: {  	_ =	swait.ge [sflag:s14], $0x2000  }
0x2a: {  	[sflag:s14] =	ssyncset.done $0x0  }
0x2b: {  	s31 =	sadd.s32 $0x0, s9;
	[sflag:s14] =	ssyncadd.s32 $0xFFFFE000  }
0x2c: {  	[hbm4b:s31+s2] =	stream.linear.scatter [tilespmem:s13], [sflag:$0x2], $0x2000, $0x38;
	[tilespmem:$0x6800] =	vst v63  }
0x2d: {  	_ =	swait.ge [sflag:s15], $0x2000  }
0x2e: {  	s19 =	simm.s32 $0x800;
	[sflag:s15] =	ssyncset.done $0x0  }
.LBB2_4:
0x2f: {  	p0 =	sne.s32 s19, $0x13000;
	[sflag:s15] =	ssyncadd.s32 $0xFFFFE000;
	s18 =	sadd.s32 $0x100, s18  }
0x30: {  	[tilespmem:s13], [sflag:$0x1] =	stream.indirect.gather [hbm4b:s3+s12], $0x40, s18, s12, $0xb8;
	[tilespmem:$0x6800] =	vst v63  }
0x31: {  	s20 =	smov.u32 s19;
	s19 =	sadd.s32 $0x800, s19;
	_ =	swait.ge [sflag:s14], $0x2000  }
0x32: {  	[sflag:s14] =	ssyncset.done $0x0  }
0x33: {  	s21 =	sadd.s32 s20, s8;
	[sflag:s14] =	ssyncadd.s32 $0xFFFFE000  }
0x34: {  	[hbm4b:s21+s2] =	stream.linear.scatter [tilespmem:s11], [sflag:$0x2], $0x2000, $0x38;
	[tilespmem:$0x6800] =	vst v63  }
0x35: {  	_ =	swait.ge [sflag:s15], $0x2000  }
0x36: {  	[sflag:s15] =	ssyncset.done $0x0  }
0x37: {  	s21 =	sadd.s32 $0x80, s18;
	[sflag:s15] =	ssyncadd.s32 $0xFFFFE000  }
0x38: {  	[tilespmem:s11], [sflag:$0x1] =	stream.indirect.gather [hbm4b:s3+s12], $0x40, s21, s12, $0xb8;
	[tilespmem:$0x6800] =	vst v63  }
0x39: {  	_ =	swait.ge [sflag:s14], $0x2000  }
.Ltmp1:
0x3a: {  	[sflag:s14] =	ssyncset.done $0x0;
	(pc) =	sbr.rel @p0 .LBB2_4-.Ltmp1, $4  }
0x3b: {  	s20 =	sadd.s32 s20, s9;
	[sflag:s14] =	ssyncadd.s32 $0xFFFFE000  }
0x3c: {  	[hbm4b:s20+s2] =	stream.linear.scatter [tilespmem:s13], [sflag:$0x2], $0x2000, $0x38;
	[tilespmem:$0x6800] =	vst v63  }
0x3d: {  	_ =	swait.ge [sflag:s15], $0x2000  }
0x3e: {  	[sflag:s15] =	ssyncset.done $0x0  }
0x3f: {  	[sflag:s15] =	ssyncadd.s32 $0xFFFFE000  }
0x40: {  	[tilespmem:s13], [sflag:$0x1] =	stream.indirect.gather [hbm4b:s3+s12], $0x40, s16, s12, $0xb8;
	[tilespmem:$0x6800] =	vst v63  }
0x41: {  	_ =	swait.ge [sflag:s14], $0x2000  }
0x42: {  	[sflag:s14] =	ssyncset.done $0x0  }
0x43: {  	[sflag:s14] =	ssyncadd.s32 $0xFFFFE000  }
0x44: {  	[hbm4b:s6+s2] =	stream.linear.scatter [tilespmem:s11], [sflag:$0x2], $0x2000, $0x38;
	[tilespmem:$0x6800] =	vst v63  }
0x45: {  	_ =	swait.ge [sflag:s15], $0x2000  }
0x46: {  	[sflag:s15] =	ssyncset.done $0x0  }
0x47: {  	[sflag:s15] =	ssyncadd.s32 $0xFFFFE000  }
0x48: {  	s17 =	sadd.s32 $0x1, s17;
	_ =	swait.ge [sflag:s14], $0x2000  }
0x49: {  	p0 =	sne.s32 s17, s5;
	[sflag:s14] =	ssyncset.done $0x0  }
.Ltmp2:
0x4a: {  	[sflag:s14] =	ssyncadd.s32 $0xFFFFE000;
	(pc) =	sbr.rel @p0 .LBB2_1-.Ltmp2, $4  }
0x4b: {  	[hbm4b:s7+s2] =	stream.linear.scatter [tilespmem:s13], [sflag:$0x2], $0x2000, $0x38;
	[tilespmem:$0x6800] =	vst v63  }
0x4c: {  	_ =	swait.ge [sflag:s15], $0x2000  }
0x4d: {  	[sflag:s15] =	ssyncset.done $0x0  }
0x4e: {  	[sflag:s15] =	ssyncadd.s32 $0xFFFFE000  }
0x4f: {  	_ =	sfence.sel $0x180000  }
0x50: {  	[bflag:$0x0] =	sbarrier.arrive $0xFFFF  }
0x51: {  	p0 =	sne.s32 s0, $0x0;
	_ =	strace $0x9000004D  }
0x52: {  	s0 =	sadd.s32 @!p0 $0x100000, s1;
	[bflag:$0x2] =	sbarrier.arrive $0xFFFF  }
0x53: {  	[sflag:s0] =	ssyncadd.tile.s32 @!p0 $0x1;
	_ =	shalt  }
.Lfunc_end2:
_tile_overlayer_lowered:
.L_overlay_start_2:
0x54: {  	(tag) =	ssettag $0x2  }
0x55: {  	s0 =	rddreg [dreg:$0x0];
	s2 =	stileid.u32  }
0x56: {  	s1 =	rddreg [dreg:$0x1];
	p0 =	sne.s32 s2, $0x0  }
0x57: {  	s3 =	rddreg [dreg:$0x2];
	[bflag:$0x3] =	sbarrier.arrive $0xFFFF;
	s2 =	simm.s32 @!p0 $0x1C03  }
0x58: {  	[timem:s3], [sflag:s2] =	dma.local @!p0 [hbm:s0], s1  }
0x59: {  	s0 =	simm.s32 @!p0 $0x3  }
0x5a: {  	_ =	swait.ge @!p0 [sflag:s0], s1  }
0x5b: {  	s1 =	ssub.s32 @!p0 $0x0, s1;
	[sflag:s0] =	ssyncset.done @!p0 $0x0  }
0x5c: {  	[sflag:s0] =	ssyncadd.s32 @!p0 s1  }
0x5d: {  	[bflag:$0x3] =	sbarrier.arrive $0xFFFF  }
0x5e: {  	_ =	shalt  }

// kernel: kernel.25.cloned.1.call-start
scs
__scs_entry_jumppad:
0x0: {  	(pc) =	sbr.rel $0x88, $3  }
0x1: {  	(tag) =	ssettag $0x0;
	lr =	simm.s32 $0x1  }
0x2: {  	[smem:$0x3F95] =	sst lr;
	_ =	strace $0xD0000000  }
0x3: {  	_ = 	snop  }
0x4: {  	_ = 	snop  }
0x5: {  	_ = 	snop  }
0x6: {  	_ = 	snop  }
0x7: {  	_ = 	snop  }
__scs_overlays_trampoline_lowered:
0x8: {  	[smem:$0x3FA4] =	sst s0  }
0x9: {  	[smem:$0x3FA5] =	sst s1  }
0xa: {  	[smem:$0x3FA6] =	sst s2  }
0xb: {  	[smem:$0x3FA7] =	sst s3  }
0xc: {  	[smem:$0x3FA8] =	sst s4  }
0xd: {  	[smem:$0x3FA9] =	sst s5  }
0xe: {  	[smem:$0x3FAA] =	sst s6  }
0xf: {  	[smem:$0x3FAB] =	sst s7  }
0x10: {  	[smem:$0x3FAC] =	sst s8  }
0x11: {  	[smem:$0x3FAD] =	sst s9;
	s0 =	simm.s32 @!p0 $0x0  }
0x12: {  	s1 =	sld [smem:$0x3F93];
	s0 =	simm.s32 @p0 $0x1  }
0x13: {  	[smem:$0x3FAE] =	sst s0;
	s0 =	simm.s32 @!p1 $0x0  }
0x14: {  	s2 =	sld [smem:$0x3F92];
	s0 =	simm.s32 @p1 $0x1  }
0x15: {  	[smem:$0x3FAF] =	sst s0;
	s0 =	simm.s32 @!p2 $0x0  }
0x16: {  	s3 =	sld [smem:$0x3FDB];
	s0 =	simm.s32 @p2 $0x1  }
0x17: {  	s4 =	simm.s32 $0x1BF5;
	[smem:$0x3FB1] =	sst s0  }
0x18: {  	s0 =	sld [smem:$0x3F94];
	_ =	swait.ge [sflag:s4], $0x0  }
0x19: {  	s7 =	sld [smem:$0x3F95]  }
0x1a: {  	s8 =	sadd.s32 $0xFFFFE003, lr  }
0x1b: {  	s9 =	sadd.s32 $0xFFFFFEF7, lr;
	s5 =	simm.s32 $0xFFFFFFFF;
	p2 =	slt.u32 s8, $0xFFFFF086  }
0x1c: {  	p1 =	slt.u32 s9, $0xF7A;
	s5 =	simm.s32 @!p2 $0x0  }
0x1d: {  	s5 =	simm.s32 @p1 $0x1;
	p0 =	seq.s32 s7, s2  }
0x1e: {  	s7 =	smul.u32 @!p0 $0xF7A, s2;
	p2 =	seq.s32 @!p0 s5, $0x0  }
0x1f: {  	s9 =	smul.u32 $0xF7A, s1;
	s8 =	simm.s32 @!p0 $0x1BF5;
	p2 =	por !p2, p0  }
0x20: {  	[sflag:s8] =	ssyncset.s32 @!p0 $0xFFFFF086;
	s6 =	sadd.s32 @!p0 s3, s7;
	s7 =	simm.s32 @!p0 $0x108  }
0x21: {  	s3 =	sadd.s32 s3, s9;
	s6 =	sadd.s32 @!p0 $0x88, s6;
	s7 =	simm.s32 @p2 $0x1082  }
0x22: {  	[simem:s7], [sflag:s8] =	dma.local @!p0 [hbm:s6], $0xF7A  }
0x23: {  	s9 =	sor.u32 $0xD0000000, s2;
	s6 =	simm.s32 $0x108;
	_ =	swait.ge @!p0 [sflag:s8], $0x0  }
0x24: {  	s3 =	sadd.s32 $0x88, s3;
	s6 =	simm.s32 @!p1 $0x1082;
	[sflag:s4] =	ssyncset.s32 $0xFFFFF086  }
0x25: {  	[simem:s6], [sflag:s4] =	dma.local [hbm:s3], $0xF7A  }
0x26: {  	[smem:$0x3F95] =	sst s1;
	(tag) =	ssettag s2;
	_ =	strace s9  }
0x27: {  	s1 =	sld [smem:$0x3FA5]  }
0x28: {  	s2 =	sld [smem:$0x3FA6]  }
0x29: {  	s4 =	sld [smem:$0x3FA8]  }
0x2a: {  	p0 =	seq.s32 s5, $0x0;
	s5 =	sld [smem:$0x3FA9]  }
0x2b: {  	s6 =	sld [smem:$0x3FAA]  }
0x2c: {  	s7 =	sld [smem:$0x3FAB]  }
0x2d: {  	s3 =	simm.s32 $0x108;
	s8 =	sld [smem:$0x3FAC]  }
0x2e: {  	s3 =	simm.s32 @!p0 $0x1082;
	s9 =	sld [smem:$0x3FAD]  }
0x2f: {  	lr =	sadd.s32 s0, s3;
	s0 =	sld [smem:$0x3FA4]  }
0x30: {  	s3 =	sld [smem:$0x3FA7]  }
0x31: {  	[smem:$0x3FB0] =	sst s10  }
0x32: {  	s10 =	sld [smem:$0x3FAE];
	_ =	sdelay $0x3  }
0x33: {  	p0 =	seq.s32 s10, $0x1;
	s10 =	sld [smem:$0x3FB0];
	_ =	sdelay $0x3  }
0x34: {  	[smem:$0x3FB0] =	sst s10  }
0x35: {  	s10 =	sld [smem:$0x3FAF];
	_ =	sdelay $0x3  }
0x36: {  	p1 =	seq.s32 s10, $0x1;
	s10 =	sld [smem:$0x3FB0];
	_ =	sdelay $0x3  }
0x37: {  	[smem:$0x3FB0] =	sst s10  }
0x38: {  	s10 =	sld [smem:$0x3FB1]  }
0x39: {  	_ = 	snop;
	(pc) =	sbr.ind lr, $3  }
0x3a: {  	_ = 	snop  }
0x3b: {  	_ = 	snop  }
0x3c: {  	p2 =	seq.s32 s10, $0x1;
	s10 =	sld [smem:$0x3FB0]  }
0x3d: {  	_ =	shalt  }
0x3e: {  	_ =	shalt  }
0x3f: {  	_ =	shalt  }
0x40: {  	_ =	shalt  }
0x41: {  	_ =	shalt  }
0x42: {  	_ =	shalt  }
0x43: {  	_ =	shalt  }
0x44: {  	_ =	shalt  }
0x45: {  	_ =	shalt  }
0x46: {  	_ =	shalt  }
0x47: {  	_ =	shalt  }
0x48: {  	_ =	shalt  }
0x49: {  	_ =	shalt  }
0x4a: {  	_ =	shalt  }
0x4b: {  	_ =	shalt  }
0x4c: {  	_ =	shalt  }
0x4d: {  	_ =	shalt  }
0x4e: {  	_ =	shalt  }
0x4f: {  	_ =	shalt  }
0x50: {  	_ =	shalt  }
0x51: {  	_ =	shalt  }
0x52: {  	_ =	shalt  }
0x53: {  	_ =	shalt  }
0x54: {  	_ =	shalt  }
0x55: {  	_ =	shalt  }
0x56: {  	_ =	shalt  }
0x57: {  	_ =	shalt  }
0x58: {  	_ =	shalt  }
0x59: {  	_ =	shalt  }
0x5a: {  	_ =	shalt  }
0x5b: {  	_ =	shalt  }
0x5c: {  	_ =	shalt  }
0x5d: {  	_ =	shalt  }
0x5e: {  	_ =	shalt  }
0x5f: {  	_ =	shalt  }
0x60: {  	_ =	shalt  }
0x61: {  	_ =	shalt  }
0x62: {  	_ =	shalt  }
0x63: {  	_ =	shalt  }
0x64: {  	_ =	shalt  }
0x65: {  	_ =	shalt  }
0x66: {  	_ =	shalt  }
0x67: {  	_ =	shalt  }
0x68: {  	_ =	shalt  }
0x69: {  	_ =	shalt  }
0x6a: {  	_ =	shalt  }
0x6b: {  	_ =	shalt  }
0x6c: {  	_ =	shalt  }
0x6d: {  	_ =	shalt  }
0x6e: {  	_ =	shalt  }
0x6f: {  	_ =	shalt  }
0x70: {  	_ =	shalt  }
0x71: {  	_ =	shalt  }
0x72: {  	_ =	shalt  }
0x73: {  	_ =	shalt  }
0x74: {  	_ =	shalt  }
0x75: {  	_ =	shalt  }
0x76: {  	_ =	shalt  }
0x77: {  	_ =	shalt  }
0x78: {  	_ =	shalt  }
0x79: {  	_ =	shalt  }
0x7a: {  	_ =	shalt  }
0x7b: {  	_ =	shalt  }
0x7c: {  	_ =	shalt  }
0x7d: {  	_ =	shalt  }
0x7e: {  	_ =	shalt  }
0x7f: {  	_ =	shalt  }
0x80: {  	_ =	shalt  }
0x81: {  	_ =	shalt  }
0x82: {  	_ =	shalt  }
0x83: {  	_ =	shalt  }
0x84: {  	_ =	shalt  }
0x85: {  	_ =	shalt  }
0x86: {  	_ =	shalt  }
0x87: {  	_ =	shalt  }
.Lfunc_end0:
.L_simem_size_0:
called_computation.3_lowered:
.L_overlay_start_0:
0x88: {  	s2 =	sld [smem:$0x3FD9]  }
0x89: {  	s3 =	sld [smem:$0x3FFE];
	_ =	sdelay $0x1  }
0x8a: {  	s1 =	srdreg.scid  }
0x8b: {  	s0 =	sand.u32 $0x1, s1  }
0x8c: {  	s16 =	sshll.u32 s0, $0xA;
	s2 =	sadd.s32 s3, s2  }
0x8d: {  	s2 =	sadd.s32 s2, s16  }
0x8e: {  	[smem:$0x3FBC] =	sst s2  }
0x8f: {  	_ = 	snop  }
0x90: {  	(tm) =	ssettm $0x1  }
0x91: {  	s17 =	sld [smem:$0x3FFB];
	_ =	sdelay $0x3  }
0x92: {  	_ =	strace s17  }
0x93: {  	s2 =	sld [smem:$0x3FFC];
	_ =	sdelay $0x3  }
0x94: {  	_ =	strace s2  }
0x95: {  	s2 =	sld [smem:$0x3FFD];
	_ =	sdelay $0x3  }
0x96: {  	_ =	strace s2  }
0x97: {  	_ =	strace $0x8FFFFFFF  }
0x98: {  	s18 =	sld [smem:$0x3FDB];
	_ =	sdelay $0x1  }
0x99: {  	s19 =	simm.s32 $_scs_section_size  }
0x9a: {  	s4 =	simm.s32 $_size__tile_overlayer_lowered;
	s5 =	simm.s32 $_tile_overlayer_lowered  }
0x9b: {  	s22 =	simm.s32 $0x1BFF;
	s21 =	sshll.u32 s5, $0x1;
	s2 =	sadd.s32 s19, s18  }
0x9c: {  	s6 =	simm.s32 $0x0;
	s20 =	sshll.u32 s4, $0x1;
	s4 =	sadd.s32 s21, s2  }
0x9d: {  	[timem:s6], [sflag:s22] =	dma.local [hbm:s4], s20  }
0x9e: {  	_ =	swait.ge [sflag:s22], s20  }
0x9f: {  	s3 =	ssub.s32 $0x0, s20;
	[sflag:s22] =	ssyncset.done $0x0  }
0xa0: {  	[sflag:s22] =	ssyncadd.s32 s3;
	_ =	sdelay $0x1  }
0xa1: {  	s23 =	simm.s32 $0x1B8B  }
0xa2: {  	_ =	swait.ge [sflag:s23], $0x1  }
0xa3: {  	[sflag:s23] =	ssyncset.done $0x0  }
0xa4: {  	s25 =	simm.s32 $0x1B8E;
	s24 =	sld [smem:$0x3FFE];
	[sflag:s23] =	ssyncadd.s32 $0xFFFFFFFF  }
0xa5: {  	s26 =	simm.s32 $execute0_lowered;
	[smem:$0x3FD2] =	sst s25  }
0xa6: {  	s4 =	sshll.u32 s26, $0x1;
	_ =	strace $0x8000004F;
	[dreg:$0x1] =	wrdreg $0xFFFFFFFF  }
0xa7: {  	s28 =	simm.s32 $_size_execute0_lowered;
	s2 =	sadd.s32 s2, s4;
	[dreg:$0x0] =	wrdreg $0x0  }
0xa8: {  	s4 =	sshll.u32 s28, $0x1;
	[dreg:$0x2] =	wrdreg s2  }
0xa9: {  	[dreg:$0x3] =	wrdreg s4  }
0xaa: {  	[dreg:$0x4] =	wrdreg $0xC0  }
0xab: {  	_ =	task [dreg:s6], $0x5FFFF  }
0xac: {  	[dreg:$0x1] =	wrdreg $0xFFFFFFFF  }
0xad: {  	[dreg:$0x0] =	wrdreg $0x60  }
0xae: {  	[dreg:$0x2] =	wrdreg s24  }
0xaf: {  	[dreg:$0x3] =	wrdreg $0x9  }
0xb0: {  	_ =	task.clear_ibuf [dreg:s6], $0x4FFFF;
	_ =	strace $0x9000004F  }
0xb1: {  	s29 =	simm.s32 $0x9;
	_ =	strace $0x80000051  }
0xb2: {  	_ =	swait.ge [sflag:s29], $0x1  }
0xb3: {  	[sflag:s29] =	ssyncadd.s32 $0xFFFFFFFF  }
0xb4: {  	_ =	strace $0x90000051  }
0xb5: {  	_ =	sfence  }
0xb6: {  	s30 =	sld [smem:$0x0];
	_ =	sdelay $0x2  }
0xb7: {  	s31 =	sshll.u32 s1, $0xD;
	s1 =	sshrl.u32 s1, $0x2  }
0xb8: {  	s3 =	sand.u32 $0x4000, s31;
	s1 =	sadd.s32 s1, s30  }
0xb9: {  	s0 =	sor.u32 s3, s0;
	s1 =	sshll.u32 s1, $0x11  }
0xba: {  	s0 =	sor.u32 s1, s0  }
0xbb: {  	s0 =	sadd.s32 $0x8F2B, s0  }
0xbc: {  	[sflag:s0] =	ssyncadd.remote.s32 $0x1  }
0xbd: {  	_ =	sfence.sel $0xFFFF  }
0xbe: {  	[dreg:$0x0] =	wrdreg $0xFFFFFFFF;
	(pc) =	sbr.abs _section_cstart, $3  }
0xbf: {  	[dreg:$0x1] =	wrdreg $0xFFFFFFFF  }
0xc0: {  	_ =	task.clear_ibuf [dreg:s6], $0x2FFFF;
	_ =	strace $0x9FFFFFFF  }
0xc1: {  	(tm) =	ssettm $0x7FFFFFFF  }
tec
execute0_lowered:
.L_overlay_start_1:
0x0: {  	(tag) =	ssettag $0x1  }
0x1: {  	s1 =	srdreg.scid  }
0x2: {  	s0 =	stileid.u32;
	s4 =	rddreg [dreg:$0x0]  }
0x3: {  	s2 =	simm.s32 $0x0;
	s14 =	simm.s32 $0x1;
	s16 =	simm.s32 $0x2780  }
0x4: {  	s17 =	simm.s32 $0x0;
	s5 =	sand.u32 $0x1, s1;
	s11 =	smul.u32 $0x280000, s0  }
0x5: {  	s3 =	sshll.u32 s0, $0x1;
	s1 =	rddreg [dreg:$0x1];
	s13 =	smul.u32 $0x5000, s0  }
0x6: {  	[smem:$0x7FF] =	sst s2;
	s12 =	sadd.s32 $0xCEA00, s4;
	s25 =	smul.u32 $0x140000, s5  }
0x7: {  	s26 =	sshll.u32 s0, $0xA;
	s6 =	sor.u32 s5, s3;
	s29 =	smul.u32 $0x2800, s5  }
0x8: {  	_ =	strace $0x80000050;
	s3 =	sadd.s32 $0x84A00, s4;
	s7 =	smul.u32 $0x2800, s6  }
0x9: {  	s8 =	ssub.s32 $0x2, s5;
	s15 =	sand.u32 $0x3800, s26;
	s9 =	smul.u32 $0x140000, s6  }
0xa: {  	s10 =	sshrl.u32 s8, $0x1;
	s30 =	smul.u32 $0x28000, s6;
	v0 =	vmov s15;
	s15 =	simm.s32 $0x2  }
0xb: {  	s8 =	ssub.s32 s8, s10;
	s31 =	sadd.s32 s25, s11;
	s11 =	simm.s32 $0x2800  }
0xc: {  	s7 =	sshrl.u32 s7, $0x3;
	s28 =	sshrl.u32 s9, $0x3;
	s5 =	smax.u32 s8, $0x1  }
0xd: {  	s9 =	sadd.s32 s29, s13;
	s8 =	sadd.s32 s12, s30;
	s10 =	sshrl.u32 s31, $0x3  }
0xe: {  	s13 =	simm.s32 $0x6800;
	s7 =	sadd.s32 s7, s4;
	s9 =	sshll.u32 s9, $0x4  }
0xf: {  	s4 =	sadd.s32 $0xC4A00, s7;
	s7 =	sadd.s32 s12, s28;
	s9 =	sadd.s32 s9, s12  }
0x10: {  	s6 =	sadd.s32 $0x27000, s7;
	s7 =	sadd.s32 $0x27800, s8;
	s8 =	sadd.s32 s10, s12  }
0x11: {  	s9 =	sadd.s32 $0x800, s9;
	s10 =	simm.s32 $0x3;
	s12 =	simm.s32 $0x80  }
.LBB2_1:
0x12: {  	[tilespmem:s2], [sflag:$0x3] =	stream.linear.gather [hbm4b:s4+s2], $0x2800, $0x38;
	[tilespmem:$0xA800] =	vst v63  }
0x13: {  	_ =	swait.ge [sflag:s10], $0x2800  }
0x14: {  	[sflag:s10] =	ssyncset.done $0x0  }
0x15: {  	s18 =	simm.s32 $0x0;
	s19 =	simm.s32 $0x40;
	[sflag:s10] =	ssyncadd.s32 $0xFFFFD800  }
.LBB2_2:
0x16: {  	p0 =	sne.s32 s19, $0x9FC0;
	v1 =	vld [tilespmem:s18+$0x0];
	_ =	sdelay $0x1  }
.Ltmp0:
0x17: {  	(pc) =	sbr.rel @p0 .LBB2_2-.Ltmp0, $3  }
0x18: {  	_ =	sdelay $0x1  }
0x19: {  	v1 =	vadd.s32 v0, v1  }
0x1a: {  	[tilespmem:s18+$0x0] =	vst v1;
	s18 =	sshra.s32 s19, $0x2;
	s19 =	sadd.s32 $0x40, s19  }
0x1b: {  	v1 =	vld [tilespmem:s18+$0x0];
	_ =	sdelay $0x4  }
0x1c: {  	v1 =	vadd.s32 v0, v1  }
0x1d: {  	s19 =	simm.s32 $0x0;
	[tilespmem:s18+$0x0] =	vst v1;
	s18 =	simm.s32 $0x80  }
0x1e: {  	[tilespmem:s11], [sflag:$0x1] =	stream.indirect.gather [hbm4b:s3+s18], $0x80, s19, s18, $0xb8;
	[tilespmem:$0xA800] =	vst v63  }
0x1f: {  	_ = 	snop  }
0x20: {  	[tilespmem:s13], [sflag:$0x1] =	stream.indirect.gather [hbm4b:s3+s12], $0x80, s18, s12, $0xb8;
	[tilespmem:$0xA800] =	vst v63  }
0x21: {  	_ =	swait.ge [sflag:s14], $0x4000  }
0x22: {  	[sflag:s14] =	ssyncset.done $0x0  }
0x23: {  	s29 =	sadd.s32 $0x0, s8;
	[sflag:s14] =	ssyncadd.s32 $0xFFFFC000  }
0x24: {  	[hbm4b:s29+s2] =	stream.linear.scatter [tilespmem:s11], [sflag:$0x2], $0x4000, $0x38;
	[tilespmem:$0xA800] =	vst v63  }
0x25: {  	_ =	swait.ge [sflag:s15], $0x4000  }
0x26: {  	[sflag:s15] =	ssyncset.done $0x0  }
0x27: {  	s30 =	simm.s32 $0x100;
	[sflag:s15] =	ssyncadd.s32 $0xFFFFC000  }
0x28: {  	[tilespmem:s11], [sflag:$0x1] =	stream.indirect.gather [hbm4b:s3+s12], $0x80, s30, s12, $0xb8;
	[tilespmem:$0xA800] =	vst v63  }
0x29: {  	_ =	swait.ge [sflag:s14], $0x4000  }
0x2a: {  	[sflag:s14] =	ssyncset.done $0x0  }
0x2b: {  	s31 =	sadd.s32 $0x0, s9;
	[sflag:s14] =	ssyncadd.s32 $0xFFFFC000  }
0x2c: {  	[hbm4b:s31+s2] =	stream.linear.scatter [tilespmem:s13], [sflag:$0x2], $0x4000, $0x38;
	[tilespmem:$0xA800] =	vst v63  }
0x2d: {  	_ =	swait.ge [sflag:s15], $0x4000  }
0x2e: {  	s19 =	simm.s32 $0x1000;
	[sflag:s15] =	ssyncset.done $0x0  }
.LBB2_4:
0x2f: {  	p0 =	sne.s32 s19, $0x26000;
	[sflag:s15] =	ssyncadd.s32 $0xFFFFC000;
	s18 =	sadd.s32 $0x100, s18  }
0x30: {  	[tilespmem:s13], [sflag:$0x1] =	stream.indirect.gather [hbm4b:s3+s12], $0x80, s18, s12, $0xb8;
	[tilespmem:$0xA800] =	vst v63  }
0x31: {  	s20 =	smov.u32 s19;
	s19 =	sadd.s32 $0x1000, s19;
	_ =	swait.ge [sflag:s14], $0x4000  }
0x32: {  	[sflag:s14] =	ssyncset.done $0x0  }
0x33: {  	s21 =	sadd.s32 s20, s8;
	[sflag:s14] =	ssyncadd.s32 $0xFFFFC000  }
0x34: {  	[hbm4b:s21+s2] =	stream.linear.scatter [tilespmem:s11], [sflag:$0x2], $0x4000, $0x38;
	[tilespmem:$0xA800] =	vst v63  }
0x35: {  	_ =	swait.ge [sflag:s15], $0x4000  }
0x36: {  	[sflag:s15] =	ssyncset.done $0x0  }
0x37: {  	s21 =	sadd.s32 $0x80, s18;
	[sflag:s15] =	ssyncadd.s32 $0xFFFFC000  }
0x38: {  	[tilespmem:s11], [sflag:$0x1] =	stream.indirect.gather [hbm4b:s3+s12], $0x80, s21, s12, $0xb8;
	[tilespmem:$0xA800] =	vst v63  }
0x39: {  	_ =	swait.ge [sflag:s14], $0x4000  }
.Ltmp1:
0x3a: {  	[sflag:s14] =	ssyncset.done $0x0;
	(pc) =	sbr.rel @p0 .LBB2_4-.Ltmp1, $4  }
0x3b: {  	s20 =	sadd.s32 s20, s9;
	[sflag:s14] =	ssyncadd.s32 $0xFFFFC000  }
0x3c: {  	[hbm4b:s20+s2] =	stream.linear.scatter [tilespmem:s13], [sflag:$0x2], $0x4000, $0x38;
	[tilespmem:$0xA800] =	vst v63  }
0x3d: {  	_ =	swait.ge [sflag:s15], $0x4000  }
0x3e: {  	[sflag:s15] =	ssyncset.done $0x0  }
0x3f: {  	[sflag:s15] =	ssyncadd.s32 $0xFFFFC000  }
0x40: {  	[tilespmem:s13], [sflag:$0x1] =	stream.indirect.gather [hbm4b:s3+s12], $0x80, s16, s12, $0xb8;
	[tilespmem:$0xA800] =	vst v63  }
0x41: {  	_ =	swait.ge [sflag:s14], $0x4000  }
0x42: {  	[sflag:s14] =	ssyncset.done $0x0  }
0x43: {  	[sflag:s14] =	ssyncadd.s32 $0xFFFFC000  }
0x44: {  	[hbm4b:s6+s2] =	stream.linear.scatter [tilespmem:s11], [sflag:$0x2], $0x4000, $0x38;
	[tilespmem:$0xA800] =	vst v63  }
0x45: {  	_ =	swait.ge [sflag:s15], $0x4000  }
0x46: {  	[sflag:s15] =	ssyncset.done $0x0  }
0x47: {  	[sflag:s15] =	ssyncadd.s32 $0xFFFFC000  }
0x48: {  	s17 =	sadd.s32 $0x1, s17;
	_ =	swait.ge [sflag:s14], $0x4000  }
0x49: {  	p0 =	sne.s32 s17, s5;
	[sflag:s14] =	ssyncset.done $0x0  }
.Ltmp2:
0x4a: {  	[sflag:s14] =	ssyncadd.s32 $0xFFFFC000;
	(pc) =	sbr.rel @p0 .LBB2_1-.Ltmp2, $4  }
0x4b: {  	[hbm4b:s7+s2] =	stream.linear.scatter [tilespmem:s13], [sflag:$0x2], $0x4000, $0x38;
	[tilespmem:$0xA800] =	vst v63  }
0x4c: {  	_ =	swait.ge [sflag:s15], $0x4000  }
0x4d: {  	[sflag:s15] =	ssyncset.done $0x0  }
0x4e: {  	[sflag:s15] =	ssyncadd.s32 $0xFFFFC000  }
0x4f: {  	_ =	sfence.sel $0x180000  }
0x50: {  	[bflag:$0x0] =	sbarrier.arrive $0xFFFF  }
0x51: {  	p0 =	sne.s32 s0, $0x0;
	_ =	strace $0x90000050  }
0x52: {  	s0 =	sadd.s32 @!p0 $0x100000, s1;
	[bflag:$0x2] =	sbarrier.arrive $0xFFFF  }
0x53: {  	[sflag:s0] =	ssyncadd.tile.s32 @!p0 $0x1;
	_ =	shalt  }
.Lfunc_end2:
_tile_overlayer_lowered:
.L_overlay_start_2:
0x54: {  	(tag) =	ssettag $0x2  }
0x55: {  	s0 =	rddreg [dreg:$0x0];
	s2 =	stileid.u32  }
0x56: {  	s1 =	rddreg [dreg:$0x1];
	p0 =	sne.s32 s2, $0x0  }
0x57: {  	s3 =	rddreg [dreg:$0x2];
	[bflag:$0x3] =	sbarrier.arrive $0xFFFF;
	s2 =	simm.s32 @!p0 $0x1C03  }
0x58: {  	[timem:s3], [sflag:s2] =	dma.local @!p0 [hbm:s0], s1  }
0x59: {  	s0 =	simm.s32 @!p0 $0x3  }
0x5a: {  	_ =	swait.ge @!p0 [sflag:s0], s1  }
0x5b: {  	s1 =	ssub.s32 @!p0 $0x0, s1;
	[sflag:s0] =	ssyncset.done @!p0 $0x0  }
0x5c: {  	[sflag:s0] =	ssyncadd.s32 @!p0 s1  }
0x5d: {  	[bflag:$0x3] =	sbarrier.arrive $0xFFFF  }
0x5e: {  	_ =	shalt  }

</sc_bundles>
